<compile_context>
chip_gen: v7x
topology: tpu7x:2x2x1
jax: 0.10.2.dev20260603
libtpu: 0.0.44.dev20260713+nightly
codegen_flags: <defaults>
</compile_context>

<pallas_src>
import functools

import jax
import jax.numpy as jnp
from jax import lax
from jax.experimental import pallas as pl
from jax.experimental.pallas import tpu as pltpu
from jax.experimental.pallas import tpu_sc as plsc

E = 8
TOPK = 2
BLK = 256
_NC = 2
_NS = 16
_NW = _NC * _NS
_LANES = 16


def _mix_body(up_logits_ref, gate_logits_ref, up_bank_ref, gate_bank_ref,
              up_out_ref, gate_out_ref):
    for lref, bref, oref in ((up_logits_ref, up_bank_ref, up_out_ref),
                             (gate_logits_ref, gate_bank_ref, gate_out_ref)):
        logits = lref[...]
        m = jnp.max(logits, axis=1, keepdims=True)
        ex = jnp.exp(logits - m)
        alpha = ex / jnp.sum(ex, axis=1, keepdims=True)
        mixed = jax.lax.dot_general(
            alpha, bref[...], (((1,), (0,)), ((), ())),
            preferred_element_type=jnp.float32)
        oref[...] = mixed.astype(jnp.bfloat16)


def _mix_banks(up_mixture_logits, gate_mixture_logits, up_bank, gate_bank):
    ku, d, r = up_bank.shape
    kg = gate_bank.shape[0]
    up_flat = up_bank.reshape(ku, d * r)
    gate_flat = gate_bank.reshape(kg, d * r)
    up_mixed, gate_mixed = pl.pallas_call(
        _mix_body,
        out_shape=(jax.ShapeDtypeStruct((E, d * r), jnp.bfloat16),
                   jax.ShapeDtypeStruct((E, d * r), jnp.bfloat16)),
    )(up_mixture_logits, gate_mixture_logits, up_flat, gate_flat)
    return up_mixed.reshape(E, d, r), gate_mixed.reshape(E, d, r)


def _routing_metadata(expert_indices, expert_weights, nb):
    i32 = jnp.int32
    g = expert_indices.size
    flat_e = expert_indices.reshape(-1).astype(i32)
    flat_w = expert_weights.reshape(-1)
    oh = flat_e[:, None] == jnp.arange(E, dtype=i32)[None, :]
    ohf = oh.astype(i32)
    ranks_all = jnp.cumsum(ohf, axis=0) - ohf
    rank = jnp.sum(jnp.where(oh, ranks_all, 0), axis=1)
    counts = jnp.sum(ohf, axis=0)
    bpe = (counts + BLK - 1) // BLK
    cumb = jnp.cumsum(bpe)
    base_slot = (jnp.concatenate([jnp.zeros(1, i32), cumb[:-1]]) * BLK)
    slot = base_slot[flat_e] + rank
    used = cumb[-1]
    bids = jnp.arange(nb, dtype=i32)
    raw_be = jnp.searchsorted(cumb, bids, side="right").astype(i32)
    last_e = jnp.searchsorted(cumb, used - 1, side="right").astype(i32)
    be = jnp.minimum(raw_be, last_e)
    block_start = bids * BLK
    nv = jnp.clip(counts[be] - (block_start - base_slot[be]), 0, BLK)
    nv = nv.astype(i32)
    first = ((block_start == base_slot[be]) & (nv > 0)).astype(i32)
    return flat_w, slot, be, nv, first


def _dispatch_sc(slot, flat_t, flat_w, nbb):
    g = slot.shape[0]
    rpw = nbb // _NW
    mesh = plsc.VectorSubcoreMesh(core_axis_name="c", subcore_axis_name="s")

    @functools.partial(
        pl.kernel, mesh=mesh,
        out_type=(jax.ShapeDtypeStruct((nbb,), jnp.int32),
                  jax.ShapeDtypeStruct((nbb,), jnp.float32)),
        scratch_types=[
            pltpu.VMEM((g,), jnp.int32),
            pltpu.VMEM((g,), jnp.int32),
            pltpu.VMEM((g,), jnp.float32),
            pltpu.VMEM((rpw,), jnp.int32),
            pltpu.VMEM((rpw,), jnp.float32),
        ],
        compiler_params=pltpu.CompilerParams(needs_layout_passes=False),
    )
    def k(slot_hbm, tok_hbm, w_hbm, st_hbm, sw_hbm,
          slot_v, tok_v, w_v, st_v, swl_v):
        wid = lax.axis_index("s") * _NC + lax.axis_index("c")
        base = wid * rpw
        pltpu.sync_copy(slot_hbm, slot_v)
        pltpu.sync_copy(tok_hbm, tok_v)
        pltpu.sync_copy(w_hbm, w_v)

        def zbody(i, carry):
            sl = pl.ds(i * _LANES, _LANES)
            st_v[sl] = jnp.zeros((_LANES,), jnp.int32)
            swl_v[sl] = jnp.zeros((_LANES,), jnp.float32)
            return carry

        lax.fori_loop(0, rpw // _LANES, zbody, 0)

        def sbody(i, carry):
            sl = pl.ds(i * _LANES, _LANES)
            rel = slot_v[sl] - base
            msk = (rel >= 0) & (rel < rpw)
            plsc.store_scatter(st_v, [rel], tok_v[sl], mask=msk)
            plsc.store_scatter(swl_v, [rel], w_v[sl], mask=msk)
            return carry

        lax.fori_loop(0, g // _LANES, sbody, 0)
        pltpu.sync_copy(st_v, st_hbm.at[pl.ds(base, rpw)])
        pltpu.sync_copy(swl_v, sw_hbm.at[pl.ds(base, rpw)])

    return k(slot, flat_t, flat_w)


def _combine_sc(pos0, pos1, y_sorted):
    nrow, tpr = pos0.shape
    nbb, d = y_sorted.shape
    seq = nrow * tpr
    assert nrow % _NW == 0
    rows_per_w = nrow // _NW
    mesh = plsc.VectorSubcoreMesh(core_axis_name="c", subcore_axis_name="s")

    @functools.partial(
        pl.kernel, mesh=mesh,
        out_type=jax.ShapeDtypeStruct((seq, d), jnp.float32),
        scratch_types=[
            pltpu.VMEM((tpr,), jnp.int32),
            pltpu.VMEM((tpr,), jnp.int32),
            pltpu.VMEM((tpr, d), jnp.float32),
            pltpu.VMEM((tpr, d), jnp.float32),
            pltpu.SemaphoreType.DMA,
            pltpu.SemaphoreType.DMA,
        ],
        compiler_params=pltpu.CompilerParams(needs_layout_passes=False),
    )
    def k(pos0_hbm, pos1_hbm, ys_hbm, out_hbm,
          i0_v, i1_v, r0_v, r1_v, sem0, sem1):
        wid = lax.axis_index("s") * _NC + lax.axis_index("c")
        for j in range(rows_per_w):
            r = wid * rows_per_w + j
            pltpu.sync_copy(pos0_hbm.at[r], i0_v)
            pltpu.sync_copy(pos1_hbm.at[r], i1_v)
            c0 = pltpu.async_copy(ys_hbm.at[i0_v], r0_v, sem0)
            c1 = pltpu.async_copy(ys_hbm.at[i1_v], r1_v, sem1)
            c0.wait()
            c1.wait()

            def rbody(rr, carry):
                for cc in range(d // _LANES):
                    sl = pl.ds(cc * _LANES, _LANES)
                    r0_v[rr, sl] = r0_v[rr, sl] + r1_v[rr, sl]
                return carry

            lax.fori_loop(0, tpr, rbody, 0)
            pltpu.sync_copy(r0_v, out_hbm.at[pl.ds(r * tpr, tpr)])

    return k(pos0, pos1, y_sorted)


def _ffn_grouped_body(be_ref, nv_ref, first_ref, hid_ref, tok_ref, sw_ref,
                      upm_ref, gm_ref, ua_ref, ga_ref, dn_ref, y_ref,
                      uabf_ref, gabf_ref, dnbf_ref):
    i = pl.program_id(0)
    f32 = jnp.float32
    bf16 = jnp.bfloat16

    @pl.when(first_ref[i] == 1)
    def _():
        uabf_ref[...] = ua_ref[0].astype(bf16)
        gabf_ref[...] = ga_ref[0].astype(bf16)
        dnbf_ref[...] = dn_ref[0].astype(bf16)

    @pl.when(nv_ref[i] > 0)
    def _():
        seq = hid_ref.shape[0]
        tok = tok_ref[...]
        iota = jax.lax.broadcasted_iota(jnp.int32, (BLK, seq), 1)
        onehot = (tok == iota).astype(bf16)
        x = jax.lax.dot_general(
            onehot, hid_ref[...], (((1,), (0,)), ((), ())),
            preferred_element_type=f32).astype(bf16)
        coef = sw_ref[...]
        tb_up = jax.lax.dot_general(
            x, upm_ref[0], (((1,), (0,)), ((), ())),
            preferred_element_type=f32)
        tb_gate = jax.lax.dot_general(
            x, gm_ref[0], (((1,), (0,)), ((), ())),
            preferred_element_type=f32)
        tbu16 = (coef * tb_up).astype(bf16)
        tbg16 = tb_gate.astype(bf16)
        p = uabf_ref.shape[0]
        pc_n = 4
        pchunk = p // pc_n
        for pc in range(pc_n):
            psl = pl.ds(pc * pchunk, pchunk)
            up_c = jax.lax.dot_general(
                tbu16, uabf_ref[psl, :], (((1,), (1,)), ((), ())),
                preferred_element_type=f32)
            gate_c = jax.lax.dot_general(
                tbg16, gabf_ref[psl, :], (((1,), (1,)), ((), ())),
                preferred_element_type=f32)
            g16 = gate_c.astype(bf16)
            u16 = up_c.astype(bf16)
            t = jnp.tanh(g16 * jnp.bfloat16(0.5))
            inter = g16 * (jnp.bfloat16(0.5) + jnp.bfloat16(0.5) * t) * u16
            part = jax.lax.dot_general(
                inter, dnbf_ref[:, psl], (((1,), (1,)), ((), ())),
                preferred_element_type=f32)
            if pc == 0:
                y_ref[...] = part
            else:
                y_ref[...] = y_ref[...] + part


def _ffn_grouped(hidden_bf, slot_token, slot_w, up_mixed, gate_mixed,
                 up_adapters, gate_adapters, down_projections, be, nv, first,
                 nb):
    seq, d = hidden_bf.shape
    nbb = slot_token.shape[0]
    p, r = up_adapters.shape[1:]
    grid_spec = pltpu.PrefetchScalarGridSpec(
        num_scalar_prefetch=3,
        grid=(nb,),
        in_specs=[
            pl.BlockSpec((seq, d), lambda i, be, nv, fs: (0, 0)),
            pl.BlockSpec((BLK, 1), lambda i, be, nv, fs: (i, 0)),
            pl.BlockSpec((BLK, 1), lambda i, be, nv, fs: (i, 0)),
            pl.BlockSpec((1, d, r), lambda i, be, nv, fs: (be[i], 0, 0)),
            pl.BlockSpec((1, d, r), lambda i, be, nv, fs: (be[i], 0, 0)),
            pl.BlockSpec((1, p, r), lambda i, be, nv, fs: (be[i], 0, 0)),
            pl.BlockSpec((1, p, r), lambda i, be, nv, fs: (be[i], 0, 0)),
            pl.BlockSpec((1, d, p), lambda i, be, nv, fs: (be[i], 0, 0)),
        ],
        out_specs=pl.BlockSpec((BLK, d), lambda i, be, nv, fs: (i, 0)),
        scratch_shapes=[
            pltpu.VMEM((p, r), jnp.bfloat16),
            pltpu.VMEM((p, r), jnp.bfloat16),
            pltpu.VMEM((d, p), jnp.bfloat16),
        ],
    )
    return pl.pallas_call(
        _ffn_grouped_body,
        grid_spec=grid_spec,
        out_shape=jax.ShapeDtypeStruct((nbb, d), jnp.float32),
        compiler_params=pltpu.CompilerParams(
            vmem_limit_bytes=64 * 1024 * 1024),
    )(be, nv, first, hidden_bf, slot_token.reshape(nbb, 1),
      slot_w.reshape(nbb, 1), up_mixed, gate_mixed,
      up_adapters, gate_adapters, down_projections)


def kernel(hidden_states, expert_indices, expert_weights, up_adapters,
           gate_adapters, up_mixture_logits, gate_mixture_logits,
           down_projections, up_bank, gate_bank):
    seq, d = hidden_states.shape
    g = seq * TOPK
    nb = g // BLK + E
    nbb = nb * BLK

    up_mixed, gate_mixed = _mix_banks(up_mixture_logits, gate_mixture_logits,
                                      up_bank, gate_bank)
    flat_w, slot, be, nv, first = _routing_metadata(
        expert_indices, expert_weights, nb)

    flat_t = jnp.arange(g, dtype=jnp.int32) // TOPK
    slot_token, slot_w = _dispatch_sc(slot, flat_t, flat_w, nbb)

    y_sorted = _ffn_grouped(hidden_states.astype(jnp.bfloat16), slot_token,
                            slot_w, up_mixed, gate_mixed, up_adapters,
                            gate_adapters, down_projections, be, nv, first,
                            nb)

    pos = slot.reshape(seq, TOPK)
    tpr = 32
    pos0 = pos[:, 0].reshape(seq // tpr, tpr)
    pos1 = pos[:, 1].reshape(seq // tpr, tpr)
    return _combine_sc(pos0, pos1, y_sorted)

# --- scband reference (transcript-rebuilt; emitter-appended) ---
"""Pipeline reference for scband-glo-beffn-89593017795303 (READ-ONLY COPY).

The authoritative reference and input builder live on the scoring server;
editing this copy changes nothing except your own understanding.
"""

import jax, jax.numpy as jnp
import numpy as np

E = 8
D = 1024
P = 4096
R = 128
KU = 16
KG = 16
SEQ = 2048
TOPK = 2


def _xavier(key, shape):
    fan_out, fan_in = shape[-2], shape[-1]
    lim = float(np.sqrt(6.0 / (fan_in + fan_out)))
    return jax.random.uniform(key, shape, jnp.float32, -lim, lim)


def setup_inputs(seed: int = 0):
    key = jax.random.key(seed)
    ks = jax.random.split(key, 10)
    hidden_states = jax.random.normal(ks[0], (SEQ, D), jnp.float32)
    expert_indices = jax.random.randint(ks[1], (SEQ, TOPK), 0, E, dtype=jnp.int64) if jax.config.jax_enable_x64 else jax.random.randint(ks[1], (SEQ, TOPK), 0, E).astype(jnp.int32)
    ew = jax.random.uniform(ks[2], (SEQ, TOPK), jnp.float32)
    expert_weights = ew / jnp.sum(ew, axis=1, keepdims=True)
    up_adapters = _xavier(ks[3], (E, P, R))
    gate_adapters = _xavier(ks[4], (E, P, R))
    up_mixture_logits = 0.01 * jax.random.normal(ks[5], (E, KU), jnp.float32)
    gate_mixture_logits = 0.01 * jax.random.normal(ks[6], (E, KG), jnp.float32)
    down_projections = _xavier(ks[7], (E, D, P))
    up_bank = 0.02 * jax.random.normal(ks[8], (KU, D, R), jnp.float32)
    gate_bank = 0.02 * jax.random.normal(ks[9], (KG, D, R), jnp.float32)
    return {
        'hidden_states': hidden_states,
        'expert_indices': expert_indices,
        'expert_weights': expert_weights,
        'up_adapters': up_adapters,
        'gate_adapters': gate_adapters,
        'up_mixture_logits': up_mixture_logits,
        'gate_mixture_logits': gate_mixture_logits,
        'down_projections': down_projections,
        'up_bank': up_bank,
        'gate_bank': gate_bank,
    }


def _globe_ffn(hidden_states, expert_weights, up_adapters, gate_adapters,
               up_mixture_logits, gate_mixture_logits, down_projections,
               up_bank, gate_bank, expert_indices):
    seq, d = hidden_states.shape
    topk = expert_indices.shape[1]
    out = jnp.zeros((seq, d), jnp.float32)
    for e in range(E):
        # SparseMixer: token-independent mixture weights per expert (softmax over logits)
        up_alpha = jax.nn.softmax(up_mixture_logits[e])
        gate_alpha = jax.nn.softmax(gate_mixture_logits[e])
        # Global banks: mixed basis = sum_j alpha_j * B_j, B_j in R^{d x r}
        up_mixed = jnp.einsum('k,kdr->dr', up_alpha, up_bank)
        gate_mixed = jnp.einsum('k,kdr->dr', gate_alpha, gate_bank)
        # Composed weight: A_e @ mixed.T -> [P, D]
        up_weight = up_adapters[e] @ up_mixed.T
        gate_weight = gate_adapters[e] @ gate_mixed.T
        up_proj = hidden_states @ up_weight.T
        gate_proj = hidden_states @ gate_weight.T
        intermediate = jax.nn.silu(gate_proj) * up_proj
        expert_out = intermediate @ down_projections[e].T
        contrib = jnp.zeros((seq, d), jnp.float32)
        for t in range(topk):
            w_t = jnp.where(expert_indices[:, t] == e, expert_weights[:, t], 0.0)
            contrib = contrib + expert_out * w_t[:, None]
        out = out + contrib
    return out


def reference(hidden_states, expert_indices, expert_weights, up_adapters,
              gate_adapters, up_mixture_logits, gate_mixture_logits,
              down_projections, up_bank, gate_bank):
    return _globe_ffn(hidden_states, expert_weights, up_adapters, gate_adapters,
                      up_mixture_logits, gate_mixture_logits, down_projections,
                      up_bank, gate_bank, expert_indices)

if __name__ == "__main__":
    import jax
    _d = setup_inputs()
    print(jax.jit(kernel)(*tuple(_d.values())))

</pallas_src>

<mosaic_0001>
#map = affine_map<(d0, d1) -> (0)>
module attributes {stable_mosaic.version = 14 : i64} {
  func.func @k(%arg0: i32, %arg1: i32, %arg2: memref<4096xi32, #tpu.memory_space<hbm>>, %arg3: memref<4096xi32, #tpu.memory_space<hbm>>, %arg4: memref<4096xf32, #tpu.memory_space<hbm>>, %arg5: memref<6144xi32, #tpu.memory_space<hbm>>, %arg6: memref<6144xf32, #tpu.memory_space<hbm>>, %arg7: memref<4096xi32, #tpu.memory_space<vmem>>, %arg8: memref<4096xi32, #tpu.memory_space<vmem>>, %arg9: memref<4096xf32, #tpu.memory_space<vmem>>, %arg10: memref<192xi32, #tpu.memory_space<vmem>>, %arg11: memref<192xf32, #tpu.memory_space<vmem>>) attributes {dimension_semantics = [#tpu.dimension_semantics<core_parallel>, #tpu.dimension_semantics<subcore_parallel>], iteration_bounds = array<i64: 2, 16>, scalar_prefetch = 0 : i64, scratch_operands = 5 : i64, tpu.core_type = #tpu.core_type<sc_vector_subcore>, window_params = [{transform_indices = #map}, {transform_indices = #map}, {transform_indices = #map}, {transform_indices = #map}, {transform_indices = #map}]} {
    %mul3A = arith.constant 2 : i32
    %mul3A_0 = arith.muli %arg1, %mul3A : i32
    %add3A = arith.addi %mul3A_0, %arg0 : i32
    %mul3A_1 = arith.constant 192 : i32
    %mul3A_2 = arith.muli %add3A, %mul3A_1 : i32
    "tpu.region"() ({
      %run_scoped3A = tpu.sem_alloc : memref<!tpu.dma_semaphore, #tpu.memory_space<semaphore_mem>>
      tpu.enqueue_dma source(%arg2 : memref<4096xi32, #tpu.memory_space<hbm>>) target(%arg7 : memref<4096xi32, #tpu.memory_space<vmem>>) target_semaphore(%run_scoped3A : memref<!tpu.dma_semaphore, #tpu.memory_space<semaphore_mem>>)
      tpu.wait_dma2 semaphore(%run_scoped3A : memref<!tpu.dma_semaphore, #tpu.memory_space<semaphore_mem>>) src(%arg2 : memref<4096xi32, #tpu.memory_space<hbm>>) dst(%arg7 : memref<4096xi32, #tpu.memory_space<vmem>>)
      tpu.yield
    }) : () -> ()
    "tpu.region"() ({
      %run_scoped3A = tpu.sem_alloc : memref<!tpu.dma_semaphore, #tpu.memory_space<semaphore_mem>>
      tpu.enqueue_dma source(%arg3 : memref<4096xi32, #tpu.memory_space<hbm>>) target(%arg8 : memref<4096xi32, #tpu.memory_space<vmem>>) target_semaphore(%run_scoped3A : memref<!tpu.dma_semaphore, #tpu.memory_space<semaphore_mem>>)
      tpu.wait_dma2 semaphore(%run_scoped3A : memref<!tpu.dma_semaphore, #tpu.memory_space<semaphore_mem>>) src(%arg3 : memref<4096xi32, #tpu.memory_space<hbm>>) dst(%arg8 : memref<4096xi32, #tpu.memory_space<vmem>>)
      tpu.yield
    }) : () -> ()
    "tpu.region"() ({
      %run_scoped3A = tpu.sem_alloc : memref<!tpu.dma_semaphore, #tpu.memory_space<semaphore_mem>>
      tpu.enqueue_dma source(%arg4 : memref<4096xf32, #tpu.memory_space<hbm>>) target(%arg9 : memref<4096xf32, #tpu.memory_space<vmem>>) target_semaphore(%run_scoped3A : memref<!tpu.dma_semaphore, #tpu.memory_space<semaphore_mem>>)
      tpu.wait_dma2 semaphore(%run_scoped3A : memref<!tpu.dma_semaphore, #tpu.memory_space<semaphore_mem>>) src(%arg4 : memref<4096xf32, #tpu.memory_space<hbm>>) dst(%arg9 : memref<4096xf32, #tpu.memory_space<vmem>>)
      tpu.yield
    }) : () -> ()
    %scan3A = arith.constant 0 : i32
    %scan3A_3 = arith.constant 0 : i32
    %scan3A_4 = arith.constant 12 : i32
    %scan3A_5 = arith.addi %scan3A_3, %scan3A_4 : i32
    %scan3A_6 = arith.constant 1 : i32
    scf.for %scan3A_14 = %scan3A_3 to %scan3A_5 step %scan3A_6  : i32 {
      %mul3A_15 = arith.constant 16 : i32
      %mul3A_16 = arith.muli %scan3A_14, %mul3A_15 : i32
      %broadcast_in_dim3A = arith.constant 0 : i32
      %broadcast_in_dim3A_17 = vector.broadcast %broadcast_in_dim3A : i32 to vector<16xi32>
      %swap3A = arith.index_cast %mul3A_16 : i32 to index
      %swap3A_18 = tpu.vector_load %arg10[%swap3A] {strides = array<i32>} : memref<192xi32, #tpu.memory_space<vmem>>, vector<16xi32>,
      tpu.vector_store %arg10[%swap3A], %broadcast_in_dim3A_17 {strides = array<i32>} : memref<192xi32, #tpu.memory_space<vmem>>, vector<16xi32>,
      %broadcast_in_dim3A_19 = arith.constant 0.000000e+00 : f32
      %broadcast_in_dim3A_20 = vector.broadcast %broadcast_in_dim3A_19 : f32 to vector<16xf32>
      %swap3A_21 = arith.index_cast %mul3A_16 : i32 to index
      %swap3A_22 = tpu.vector_load %arg11[%swap3A_21] {strides = array<i32>} : memref<192xf32, #tpu.memory_space<vmem>>, vector<16xf32>,
      tpu.vector_store %arg11[%swap3A_21], %broadcast_in_dim3A_20 {strides = array<i32>} : memref<192xf32, #tpu.memory_space<vmem>>, vector<16xf32>,
    }
    %scan3A_7 = arith.constant 12 : i32
    %scan3A_8 = arith.constant 0 : i32
    %scan3A_9 = arith.constant 0 : i32
    %scan3A_10 = arith.constant 256 : i32
    %scan3A_11 = arith.addi %scan3A_9, %scan3A_10 : i32
    %scan3A_12 = arith.constant 1 : i32
    scf.for %scan3A_14 = %scan3A_9 to %scan3A_11 step %scan3A_12  : i32 {
      %mul3A_15 = arith.constant 16 : i32
      %mul3A_16 = arith.muli %scan3A_14, %mul3A_15 : i32
      %get3A = arith.index_cast %mul3A_16 : i32 to index
      %get3A_17 = tpu.vector_load %arg7[%get3A] {strides = array<i32>} : memref<4096xi32, #tpu.memory_space<vmem>>, vector<16xi32>,
      %sub3A = vector.broadcast %mul3A_2 : i32 to vector<16xi32>
      %sub3A_18 = arith.subi %get3A_17, %sub3A : vector<16xi32>
      %ge3A = arith.constant 0 : i32
      %ge3A_19 = vector.broadcast %ge3A : i32 to vector<16xi32>
      %ge3A_20 = arith.cmpi sge, %sub3A_18, %ge3A_19 : vector<16xi32>
      %lt3A = arith.constant 192 : i32
      %lt3A_21 = vector.broadcast %lt3A : i32 to vector<16xi32>
      %lt3A_22 = arith.cmpi slt, %sub3A_18, %lt3A_21 : vector<16xi32>
      %and3A = arith.andi %ge3A_20, %lt3A_22 : vector<16xi1>
      %get3A_23 = arith.index_cast %mul3A_16 : i32 to index
      %get3A_24 = tpu.vector_load %arg8[%get3A_23] {strides = array<i32>} : memref<4096xi32, #tpu.memory_space<vmem>>, vector<16xi32>,
      tpu.vector_store_idx %arg10[%sub3A_18], %get3A_24 masked %and3A : memref<192xi32, #tpu.memory_space<vmem>>[vector<16xi32>], vector<16xi32>, vector<16xi1>
      %get3A_25 = arith.index_cast %mul3A_16 : i32 to index
      %get3A_26 = tpu.vector_load %arg9[%get3A_25] {strides = array<i32>} : memref<4096xf32, #tpu.memory_space<vmem>>, vector<16xf32>,
      tpu.vector_store_idx %arg11[%sub3A_18], %get3A_26 masked %and3A : memref<192xf32, #tpu.memory_space<vmem>>[vector<16xi32>], vector<16xf32>, vector<16xi1>
    }
    %scan3A_13 = arith.constant 256 : i32
    "tpu.region"() ({
      %run_scoped3A = tpu.sem_alloc : memref<!tpu.dma_semaphore, #tpu.memory_space<semaphore_mem>>
      %dma_start3A = tpu.memref_slice %arg5[%mul3A_2] : memref<6144xi32, #tpu.memory_space<hbm>> -> memref<192xi32, #tpu.memory_space<hbm>>
      %dma_start3A_14 = tpu.memref_slice %arg5[%mul3A_2] : memref<6144xi32, #tpu.memory_space<hbm>> -> memref<192xi32, #tpu.memory_space<hbm>>
      tpu.enqueue_dma source(%arg10 : memref<192xi32, #tpu.memory_space<vmem>>) target(%dma_start3A_14 : memref<192xi32, #tpu.memory_space<hbm>>) target_semaphore(%run_scoped3A : memref<!tpu.dma_semaphore, #tpu.memory_space<semaphore_mem>>)
      %dma_wait3A = tpu.memref_slice %arg5[%mul3A_2] : memref<6144xi32, #tpu.memory_space<hbm>> -> memref<192xi32, #tpu.memory_space<hbm>>
      %dma_wait3A_15 = tpu.memref_slice %arg5[%mul3A_2] : memref<6144xi32, #tpu.memory_space<hbm>> -> memref<192xi32, #tpu.memory_space<hbm>>
      tpu.wait_dma2 semaphore(%run_scoped3A : memref<!tpu.dma_semaphore, #tpu.memory_space<semaphore_mem>>) src(%arg10 : memref<192xi32, #tpu.memory_space<vmem>>) dst(%dma_wait3A_15 : memref<192xi32, #tpu.memory_space<hbm>>)
      tpu.yield
    }) : () -> ()
    "tpu.region"() ({
      %run_scoped3A = tpu.sem_alloc : memref<!tpu.dma_semaphore, #tpu.memory_space<semaphore_mem>>
      %dma_start3A = tpu.memref_slice %arg6[%mul3A_2] : memref<6144xf32, #tpu.memory_space<hbm>> -> memref<192xf32, #tpu.memory_space<hbm>>
      %dma_start3A_14 = tpu.memref_slice %arg6[%mul3A_2] : memref<6144xf32, #tpu.memory_space<hbm>> -> memref<192xf32, #tpu.memory_space<hbm>>
      tpu.enqueue_dma source(%arg11 : memref<192xf32, #tpu.memory_space<vmem>>) target(%dma_start3A_14 : memref<192xf32, #tpu.memory_space<hbm>>) target_semaphore(%run_scoped3A : memref<!tpu.dma_semaphore, #tpu.memory_space<semaphore_mem>>)
      %dma_wait3A = tpu.memref_slice %arg6[%mul3A_2] : memref<6144xf32, #tpu.memory_space<hbm>> -> memref<192xf32, #tpu.memory_space<hbm>>
      %dma_wait3A_15 = tpu.memref_slice %arg6[%mul3A_2] : memref<6144xf32, #tpu.memory_space<hbm>> -> memref<192xf32, #tpu.memory_space<hbm>>
      tpu.wait_dma2 semaphore(%run_scoped3A : memref<!tpu.dma_semaphore, #tpu.memory_space<semaphore_mem>>) src(%arg11 : memref<192xf32, #tpu.memory_space<vmem>>) dst(%dma_wait3A_15 : memref<192xf32, #tpu.memory_space<hbm>>)
      tpu.yield
    }) : () -> ()
    return
  }
}

#map = affine_map<(d0, d1) -> (0, 0)>
module attributes {stable_mosaic.version = 14 : i64} {
  func.func @k(%arg0: i32, %arg1: i32, %arg2: memref<64x32xi32, #tpu.memory_space<hbm>>, %arg3: memref<64x32xi32, #tpu.memory_space<hbm>>, %arg4: memref<6144x1024xf32, #tpu.memory_space<hbm>>, %arg5: memref<2048x1024xf32, #tpu.memory_space<hbm>>, %arg6: memref<32xi32, #tpu.memory_space<vmem>>, %arg7: memref<32xi32, #tpu.memory_space<vmem>>, %arg8: memref<32x1024xf32, #tpu.memory_space<vmem>>, %arg9: memref<32x1024xf32, #tpu.memory_space<vmem>>, %arg10: memref<!tpu.dma_semaphore, #tpu.memory_space<semaphore_mem>>, %arg11: memref<!tpu.dma_semaphore, #tpu.memory_space<semaphore_mem>>) attributes {dimension_semantics = [#tpu.dimension_semantics<core_parallel>, #tpu.dimension_semantics<subcore_parallel>], iteration_bounds = array<i64: 2, 16>, scalar_prefetch = 0 : i64, scratch_operands = 6 : i64, tpu.core_type = #tpu.core_type<sc_vector_subcore>, window_params = [{transform_indices = #map}, {transform_indices = #map}, {transform_indices = #map}, {transform_indices = #map}]} {
    %mul3A = arith.constant 2 : i32
    %mul3A_0 = arith.muli %arg1, %mul3A : i32
    %add3A = arith.addi %mul3A_0, %arg0 : i32
    %mul3A_1 = arith.constant 2 : i32
    %mul3A_2 = arith.muli %add3A, %mul3A_1 : i32
    %add3A_3 = arith.constant 0 : i32
    %add3A_4 = arith.addi %mul3A_2, %add3A_3 : i32
    "tpu.region"() ({
      %run_scoped3A = tpu.sem_alloc : memref<!tpu.dma_semaphore, #tpu.memory_space<semaphore_mem>>
      %dma_start3A_46 = arith.constant 0 : i32
      %dma_start3A_47 = tpu.memref_slice %arg2[%add3A_4, %dma_start3A_46] : memref<64x32xi32, #tpu.memory_space<hbm>> -> memref<1x32xi32, #tpu.memory_space<hbm>>
      %dma_start3A_48 = tpu.memref_squeeze %dma_start3A_47 : memref<1x32xi32, #tpu.memory_space<hbm>> -> memref<32xi32, #tpu.memory_space<hbm>>
      %dma_start3A_49 = arith.constant 0 : i32
      %dma_start3A_50 = tpu.memref_slice %arg2[%add3A_4, %dma_start3A_49] : memref<64x32xi32, #tpu.memory_space<hbm>> -> memref<1x32xi32, #tpu.memory_space<hbm>>
      %dma_start3A_51 = tpu.memref_squeeze %dma_start3A_50 : memref<1x32xi32, #tpu.memory_space<hbm>> -> memref<32xi32, #tpu.memory_space<hbm>>
      tpu.enqueue_dma source(%dma_start3A_51 : memref<32xi32, #tpu.memory_space<hbm>>) target(%arg6 : memref<32xi32, #tpu.memory_space<vmem>>) target_semaphore(%run_scoped3A : memref<!tpu.dma_semaphore, #tpu.memory_space<semaphore_mem>>)
      %dma_wait3A_52 = arith.constant 0 : i32
      %dma_wait3A_53 = tpu.memref_slice %arg2[%add3A_4, %dma_wait3A_52] : memref<64x32xi32, #tpu.memory_space<hbm>> -> memref<1x32xi32, #tpu.memory_space<hbm>>
      %dma_wait3A_54 = tpu.memref_squeeze %dma_wait3A_53 : memref<1x32xi32, #tpu.memory_space<hbm>> -> memref<32xi32, #tpu.memory_space<hbm>>
      %dma_wait3A_55 = arith.constant 0 : i32
      %dma_wait3A_56 = tpu.memref_slice %arg2[%add3A_4, %dma_wait3A_55] : memref<64x32xi32, #tpu.memory_space<hbm>> -> memref<1x32xi32, #tpu.memory_space<hbm>>
      %dma_wait3A_57 = tpu.memref_squeeze %dma_wait3A_56 : memref<1x32xi32, #tpu.memory_space<hbm>> -> memref<32xi32, #tpu.memory_space<hbm>>
      tpu.wait_dma2 semaphore(%run_scoped3A : memref<!tpu.dma_semaphore, #tpu.memory_space<semaphore_mem>>) src(%dma_wait3A_57 : memref<32xi32, #tpu.memory_space<hbm>>) dst(%arg6 : memref<32xi32, #tpu.memory_space<vmem>>)
      tpu.yield
    }) : () -> ()
    "tpu.region"() ({
      %run_scoped3A = tpu.sem_alloc : memref<!tpu.dma_semaphore, #tpu.memory_space<semaphore_mem>>
      %dma_start3A_46 = arith.constant 0 : i32
      %dma_start3A_47 = tpu.memref_slice %arg3[%add3A_4, %dma_start3A_46] : memref<64x32xi32, #tpu.memory_space<hbm>> -> memref<1x32xi32, #tpu.memory_space<hbm>>
      %dma_start3A_48 = tpu.memref_squeeze %dma_start3A_47 : memref<1x32xi32, #tpu.memory_space<hbm>> -> memref<32xi32, #tpu.memory_space<hbm>>
      %dma_start3A_49 = arith.constant 0 : i32
      %dma_start3A_50 = tpu.memref_slice %arg3[%add3A_4, %dma_start3A_49] : memref<64x32xi32, #tpu.memory_space<hbm>> -> memref<1x32xi32, #tpu.memory_space<hbm>>
      %dma_start3A_51 = tpu.memref_squeeze %dma_start3A_50 : memref<1x32xi32, #tpu.memory_space<hbm>> -> memref<32xi32, #tpu.memory_space<hbm>>
      tpu.enqueue_dma source(%dma_start3A_51 : memref<32xi32, #tpu.memory_space<hbm>>) target(%arg7 : memref<32xi32, #tpu.memory_space<vmem>>) target_semaphore(%run_scoped3A : memref<!tpu.dma_semaphore, #tpu.memory_space<semaphore_mem>>)
      %dma_wait3A_52 = arith.constant 0 : i32
      %dma_wait3A_53 = tpu.memref_slice %arg3[%add3A_4, %dma_wait3A_52] : memref<64x32xi32, #tpu.memory_space<hbm>> -> memref<1x32xi32, #tpu.memory_space<hbm>>
      %dma_wait3A_54 = tpu.memref_squeeze %dma_wait3A_53 : memref<1x32xi32, #tpu.memory_space<hbm>> -> memref<32xi32, #tpu.memory_space<hbm>>
      %dma_wait3A_55 = arith.constant 0 : i32
      %dma_wait3A_56 = tpu.memref_slice %arg3[%add3A_4, %dma_wait3A_55] : memref<64x32xi32, #tpu.memory_space<hbm>> -> memref<1x32xi32, #tpu.memory_space<hbm>>
      %dma_wait3A_57 = tpu.memref_squeeze %dma_wait3A_56 : memref<1x32xi32, #tpu.memory_space<hbm>> -> memref<32xi32, #tpu.memory_space<hbm>>
      tpu.wait_dma2 semaphore(%run_scoped3A : memref<!tpu.dma_semaphore, #tpu.memory_space<semaphore_mem>>) src(%dma_wait3A_57 : memref<32xi32, #tpu.memory_space<hbm>>) dst(%arg7 : memref<32xi32, #tpu.memory_space<vmem>>)
      tpu.yield
    }) : () -> ()
    %dma_start3A = arith.constant 0 : i32
    %dma_start3A_5 = arith.constant 0 : i32
    %dma_start3A_6 = tpu.memref_slice %arg4[%dma_start3A, %dma_start3A_5] : memref<6144x1024xf32, #tpu.memory_space<hbm>> -> memref<6144x1024xf32, #tpu.memory_space<hbm>>
    tpu.enqueue_indirect_dma source(%dma_start3A_6 : memref<6144x1024xf32, #tpu.memory_space<hbm>>) target(%arg8 : memref<32x1024xf32, #tpu.memory_space<vmem>>) offsets(%arg6 : memref<32xi32, #tpu.memory_space<vmem>>) semaphore(%arg10 : memref<!tpu.dma_semaphore, #tpu.memory_space<semaphore_mem>>)
    %dma_start3A_7 = arith.constant 0 : i32
    %dma_start3A_8 = arith.constant 0 : i32
    %dma_start3A_9 = tpu.memref_slice %arg4[%dma_start3A_7, %dma_start3A_8] : memref<6144x1024xf32, #tpu.memory_space<hbm>> -> memref<6144x1024xf32, #tpu.memory_space<hbm>>
    tpu.enqueue_indirect_dma source(%dma_start3A_9 : memref<6144x1024xf32, #tpu.memory_space<hbm>>) target(%arg9 : memref<32x1024xf32, #tpu.memory_space<vmem>>) offsets(%arg7 : memref<32xi32, #tpu.memory_space<vmem>>) semaphore(%arg11 : memref<!tpu.dma_semaphore, #tpu.memory_space<semaphore_mem>>)
    %dma_wait3A = arith.constant 0 : i32
    %dma_wait3A_10 = arith.constant 0 : i32
    %dma_wait3A_11 = tpu.memref_slice %arg4[%dma_wait3A, %dma_wait3A_10] : memref<6144x1024xf32, #tpu.memory_space<hbm>> -> memref<6144x1024xf32, #tpu.memory_space<hbm>>
    tpu.wait_indirect_dma semaphore(%arg10 : memref<!tpu.dma_semaphore, #tpu.memory_space<semaphore_mem>>) src(%dma_wait3A_11 : memref<6144x1024xf32, #tpu.memory_space<hbm>>) dst(%arg8 : memref<32x1024xf32, #tpu.memory_space<vmem>>)
    %dma_wait3A_12 = arith.constant 0 : i32
    %dma_wait3A_13 = arith.constant 0 : i32
    %dma_wait3A_14 = tpu.memref_slice %arg4[%dma_wait3A_12, %dma_wait3A_13] : memref<6144x1024xf32, #tpu.memory_space<hbm>> -> memref<6144x1024xf32, #tpu.memory_space<hbm>>
    tpu.wait_indirect_dma semaphore(%arg11 : memref<!tpu.dma_semaphore, #tpu.memory_space<semaphore_mem>>) src(%dma_wait3A_14 : memref<6144x1024xf32, #tpu.memory_space<hbm>>) dst(%arg9 : memref<32x1024xf32, #tpu.memory_space<vmem>>)
    %scan3A = arith.constant 0 : i32
    %scan3A_15 = arith.constant 0 : i32
    %scan3A_16 = arith.constant 32 : i32
    %scan3A_17 = arith.addi %scan3A_15, %scan3A_16 : i32
    %scan3A_18 = arith.constant 1 : i32
    scf.for %scan3A_46 = %scan3A_15 to %scan3A_17 step %scan3A_18  : i32 {
      %get3A = arith.index_cast %scan3A_46 : i32 to index
      %get3A_47 = arith.constant 0 : index
      %get3A_48 = tpu.vector_load %arg8[%get3A, %get3A_47] {strides = array<i32>} : memref<32x1024xf32, #tpu.memory_space<vmem>>, vector<16xf32>,
      %get3A_49 = arith.index_cast %scan3A_46 : i32 to index
      %get3A_50 = arith.constant 0 : index
      %get3A_51 = tpu.vector_load %arg9[%get3A_49, %get3A_50] {strides = array<i32>} : memref<32x1024xf32, #tpu.memory_space<vmem>>, vector<16xf32>,
      %add3A_52 = arith.addf %get3A_48, %get3A_51 : vector<16xf32>
      %swap3A = arith.index_cast %scan3A_46 : i32 to index
      %swap3A_53 = arith.constant 0 : index
      %swap3A_54 = tpu.vector_load %arg8[%swap3A, %swap3A_53] {strides = array<i32>} : memref<32x1024xf32, #tpu.memory_space<vmem>>, vector<16xf32>,
      tpu.vector_store %arg8[%swap3A, %swap3A_53], %add3A_52 {strides = array<i32>} : memref<32x1024xf32, #tpu.memory_space<vmem>>, vector<16xf32>,
      %get3A_55 = arith.index_cast %scan3A_46 : i32 to index
      %get3A_56 = arith.constant 16 : index
      %get3A_57 = tpu.vector_load %arg8[%get3A_55, %get3A_56] {strides = array<i32>} : memref<32x1024xf32, #tpu.memory_space<vmem>>, vector<16xf32>,
      %get3A_58 = arith.index_cast %scan3A_46 : i32 to index
      %get3A_59 = arith.constant 16 : index
      %get3A_60 = tpu.vector_load %arg9[%get3A_58, %get3A_59] {strides = array<i32>} : memref<32x1024xf32, #tpu.memory_space<vmem>>, vector<16xf32>,
      %add3A_61 = arith.addf %get3A_57, %get3A_60 : vector<16xf32>
      %swap3A_62 = arith.index_cast %scan3A_46 : i32 to index
      %swap3A_63 = arith.constant 16 : index
      %swap3A_64 = tpu.vector_load %arg8[%swap3A_62, %swap3A_63] {strides = array<i32>} : memref<32x1024xf32, #tpu.memory_space<vmem>>, vector<16xf32>,
      tpu.vector_store %arg8[%swap3A_62, %swap3A_63], %add3A_61 {strides = array<i32>} : memref<32x1024xf32, #tpu.memory_space<vmem>>, vector<16xf32>,
      %get3A_65 = arith.index_cast %scan3A_46 : i32 to index
      %get3A_66 = arith.constant 32 : index
      %get3A_67 = tpu.vector_load %arg8[%get3A_65, %get3A_66] {strides = array<i32>} : memref<32x1024xf32, #tpu.memory_space<vmem>>, vector<16xf32>,
      %get3A_68 = arith.index_cast %scan3A_46 : i32 to index
      %get3A_69 = arith.constant 32 : index
      %get3A_70 = tpu.vector_load %arg9[%get3A_68, %get3A_69] {strides = array<i32>} : memref<32x1024xf32, #tpu.memory_space<vmem>>, vector<16xf32>,
      %add3A_71 = arith.addf %get3A_67, %get3A_70 : vector<16xf32>
      %swap3A_72 = arith.index_cast %scan3A_46 : i32 to index
      %swap3A_73 = arith.constant 32 : index
      %swap3A_74 = tpu.vector_load %arg8[%swap3A_72, %swap3A_73] {strides = array<i32>} : memref<32x1024xf32, #tpu.memory_space<vmem>>, vector<16xf32>,
      tpu.vector_store %arg8[%swap3A_72, %swap3A_73], %add3A_71 {strides = array<i32>} : memref<32x1024xf32, #tpu.memory_space<vmem>>, vector<16xf32>,
      %get3A_75 = arith.index_cast %scan3A_46 : i32 to index
      %get3A_76 = arith.constant 48 : index
      %get3A_77 = tpu.vector_load %arg8[%get3A_75, %get3A_76] {strides = array<i32>} : memref<32x1024xf32, #tpu.memory_space<vmem>>, vector<16xf32>,
      %get3A_78 = arith.index_cast %scan3A_46 : i32 to index
      %get3A_79 = arith.constant 48 : index
      %get3A_80 = tpu.vector_load %arg9[%get3A_78, %get3A_79] {strides = array<i32>} : memref<32x1024xf32, #tpu.memory_space<vmem>>, vector<16xf32>,
      %add3A_81 = arith.addf %get3A_77, %get3A_80 : vector<16xf32>
      %swap3A_82 = arith.index_cast %scan3A_46 : i32 to index
      %swap3A_83 = arith.constant 48 : index
      %swap3A_84 = tpu.vector_load %arg8[%swap3A_82, %swap3A_83] {strides = array<i32>} : memref<32x1024xf32, #tpu.memory_space<vmem>>, vector<16xf32>,
      tpu.vector_store %arg8[%swap3A_82, %swap3A_83], %add3A_81 {strides = array<i32>} : memref<32x1024xf32, #tpu.memory_space<vmem>>, vector<16xf32>,
      %get3A_85 = arith.index_cast %scan3A_46 : i32 to index
      %get3A_86 = arith.constant 64 : index
      %get3A_87 = tpu.vector_load %arg8[%get3A_85, %get3A_86] {strides = array<i32>} : memref<32x1024xf32, #tpu.memory_space<vmem>>, vector<16xf32>,
      %get3A_88 = arith.index_cast %scan3A_46 : i32 to index
      %get3A_89 = arith.constant 64 : index
      %get3A_90 = tpu.vector_load %arg9[%get3A_88, %get3A_89] {strides = array<i32>} : memref<32x1024xf32, #tpu.memory_space<vmem>>, vector<16xf32>,
      %add3A_91 = arith.addf %get3A_87, %get3A_90 : vector<16xf32>
      %swap3A_92 = arith.index_cast %scan3A_46 : i32 to index
      %swap3A_93 = arith.constant 64 : index
      %swap3A_94 = tpu.vector_load %arg8[%swap3A_92, %swap3A_93] {strides = array<i32>} : memref<32x1024xf32, #tpu.memory_space<vmem>>, vector<16xf32>,
      tpu.vector_store %arg8[%swap3A_92, %swap3A_93], %add3A_91 {strides = array<i32>} : memref<32x1024xf32, #tpu.memory_space<vmem>>, vector<16xf32>,
      %get3A_95 = arith.index_cast %scan3A_46 : i32 to index
      %get3A_96 = arith.constant 80 : index
      %get3A_97 = tpu.vector_load %arg8[%get3A_95, %get3A_96] {strides = array<i32>} : memref<32x1024xf32, #tpu.memory_space<vmem>>, vector<16xf32>,
      %get3A_98 = arith.index_cast %scan3A_46 : i32 to index
      %get3A_99 = arith.constant 80 : index
      %get3A_100 = tpu.vector_load %arg9[%get3A_98, %get3A_99] {strides = array<i32>} : memref<32x1024xf32, #tpu.memory_space<vmem>>, vector<16xf32>,
      %add3A_101 = arith.addf %get3A_97, %get3A_100 : vector<16xf32>
      %swap3A_102 = arith.index_cast %scan3A_46 : i32 to index
      %swap3A_103 = arith.constant 80 : index
      %swap3A_104 = tpu.vector_load %arg8[%swap3A_102, %swap3A_103] {strides = array<i32>} : memref<32x1024xf32, #tpu.memory_space<vmem>>, vector<16xf32>,
      tpu.vector_store %arg8[%swap3A_102, %swap3A_103], %add3A_101 {strides = array<i32>} : memref<32x1024xf32, #tpu.memory_space<vmem>>, vector<16xf32>,
      %get3A_105 = arith.index_cast %scan3A_46 : i32 to index
      %get3A_106 = arith.constant 96 : index
      %get3A_107 = tpu.vector_load %arg8[%get3A_105, %get3A_106] {strides = array<i32>} : memref<32x1024xf32, #tpu.memory_space<vmem>>, vector<16xf32>,
      %get3A_108 = arith.index_cast %scan3A_46 : i32 to index
      %get3A_109 = arith.constant 96 : index
      %get3A_110 = tpu.vector_load %arg9[%get3A_108, %get3A_109] {strides = array<i32>} : memref<32x1024xf32, #tpu.memory_space<vmem>>, vector<16xf32>,
      %add3A_111 = arith.addf %get3A_107, %get3A_110 : vector<16xf32>
      %swap3A_112 = arith.index_cast %scan3A_46 : i32 to index
      %swap3A_113 = arith.constant 96 : index
      %swap3A_114 = tpu.vector_load %arg8[%swap3A_112, %swap3A_113] {strides = array<i32>} : memref<32x1024xf32, #tpu.memory_space<vmem>>, vector<16xf32>,
      tpu.vector_store %arg8[%swap3A_112, %swap3A_113], %add3A_111 {strides = array<i32>} : memref<32x1024xf32, #tpu.memory_space<vmem>>, vector<16xf32>,
      %get3A_115 = arith.index_cast %scan3A_46 : i32 to index
      %get3A_116 = arith.constant 112 : index
      %get3A_117 = tpu.vector_load %arg8[%get3A_115, %get3A_116] {strides = array<i32>} : memref<32x1024xf32, #tpu.memory_space<vmem>>, vector<16xf32>,
      %get3A_118 = arith.index_cast %scan3A_46 : i32 to index
      %get3A_119 = arith.constant 112 : index
      %get3A_120 = tpu.vector_load %arg9[%get3A_118, %get3A_119] {strides = array<i32>} : memref<32x1024xf32, #tpu.memory_space<vmem>>, vector<16xf32>,
      %add3A_121 = arith.addf %get3A_117, %get3A_120 : vector<16xf32>
      %swap3A_122 = arith.index_cast %scan3A_46 : i32 to index
      %swap3A_123 = arith.constant 112 : index
      %swap3A_124 = tpu.vector_load %arg8[%swap3A_122, %swap3A_123] {strides = array<i32>} : memref<32x1024xf32, #tpu.memory_space<vmem>>, vector<16xf32>,
      tpu.vector_store %arg8[%swap3A_122, %swap3A_123], %add3A_121 {strides = array<i32>} : memref<32x1024xf32, #tpu.memory_space<vmem>>, vector<16xf32>,
      %get3A_125 = arith.index_cast %scan3A_46 : i32 to index
      %get3A_126 = arith.constant 128 : index
      %get3A_127 = tpu.vector_load %arg8[%get3A_125, %get3A_126] {strides = array<i32>} : memref<32x1024xf32, #tpu.memory_space<vmem>>, vector<16xf32>,
      %get3A_128 = arith.index_cast %scan3A_46 : i32 to index
      %get3A_129 = arith.constant 128 : index
      %get3A_130 = tpu.vector_load %arg9[%get3A_128, %get3A_129] {strides = array<i32>} : memref<32x1024xf32, #tpu.memory_space<vmem>>, vector<16xf32>,
      %add3A_131 = arith.addf %get3A_127, %get3A_130 : vector<16xf32>
      %swap3A_132 = arith.index_cast %scan3A_46 : i32 to index
      %swap3A_133 = arith.constant 128 : index
      %swap3A_134 = tpu.vector_load %arg8[%swap3A_132, %swap3A_133] {strides = array<i32>} : memref<32x1024xf32, #tpu.memory_space<vmem>>, vector<16xf32>,
      tpu.vector_store %arg8[%swap3A_132, %swap3A_133], %add3A_131 {strides = array<i32>} : memref<32x1024xf32, #tpu.memory_space<vmem>>, vector<16xf32>,
      %get3A_135 = arith.index_cast %scan3A_46 : i32 to index
      %get3A_136 = arith.constant 144 : index
      %get3A_137 = tpu.vector_load %arg8[%get3A_135, %get3A_136] {strides = array<i32>} : memref<32x1024xf32, #tpu.memory_space<vmem>>, vector<16xf32>,
      %get3A_138 = arith.index_cast %scan3A_46 : i32 to index
      %get3A_139 = arith.constant 144 : index
      %get3A_140 = tpu.vector_load %arg9[%get3A_138, %get3A_139] {strides = array<i32>} : memref<32x1024xf32, #tpu.memory_space<vmem>>, vector<16xf32>,
      %add3A_141 = arith.addf %get3A_137, %get3A_140 : vector<16xf32>
      %swap3A_142 = arith.index_cast %scan3A_46 : i32 to index
      %swap3A_143 = arith.constant 144 : index
      %swap3A_144 = tpu.vector_load %arg8[%swap3A_142, %swap3A_143] {strides = array<i32>} : memref<32x1024xf32, #tpu.memory_space<vmem>>, vector<16xf32>,
      tpu.vector_store %arg8[%swap3A_142, %swap3A_143], %add3A_141 {strides = array<i32>} : memref<32x1024xf32, #tpu.memory_space<vmem>>, vector<16xf32>,
      %get3A_145 = arith.index_cast %scan3A_46 : i32 to index
      %get3A_146 = arith.constant 160 : index
      %get3A_147 = tpu.vector_load %arg8[%get3A_145, %get3A_146] {strides = array<i32>} : memref<32x1024xf32, #tpu.memory_space<vmem>>, vector<16xf32>,
      %get3A_148 = arith.index_cast %scan3A_46 : i32 to index
      %get3A_149 = arith.constant 160 : index
      %get3A_150 = tpu.vector_load %arg9[%get3A_148, %get3A_149] {strides = array<i32>} : memref<32x1024xf32, #tpu.memory_space<vmem>>, vector<16xf32>,
      %add3A_151 = arith.addf %get3A_147, %get3A_150 : vector<16xf32>
      %swap3A_152 = arith.index_cast %scan3A_46 : i32 to index
      %swap3A_153 = arith.constant 160 : index
      %swap3A_154 = tpu.vector_load %arg8[%swap3A_152, %swap3A_153] {strides = array<i32>} : memref<32x1024xf32, #tpu.memory_space<vmem>>, vector<16xf32>,
      tpu.vector_store %arg8[%swap3A_152, %swap3A_153], %add3A_151 {strides = array<i32>} : memref<32x1024xf32, #tpu.memory_space<vmem>>, vector<16xf32>,
      %get3A_155 = arith.index_cast %scan3A_46 : i32 to index
      %get3A_156 = arith.constant 176 : index
      %get3A_157 = tpu.vector_load %arg8[%get3A_155, %get3A_156] {strides = array<i32>} : memref<32x1024xf32, #tpu.memory_space<vmem>>, vector<16xf32>,
      %get3A_158 = arith.index_cast %scan3A_46 : i32 to index
      %get3A_159 = arith.constant 176 : index
      %get3A_160 = tpu.vector_load %arg9[%get3A_158, %get3A_159] {strides = array<i32>} : memref<32x1024xf32, #tpu.memory_space<vmem>>, vector<16xf32>,
      %add3A_161 = arith.addf %get3A_157, %get3A_160 : vector<16xf32>
      %swap3A_162 = arith.index_cast %scan3A_46 : i32 to index
      %swap3A_163 = arith.constant 176 : index
      %swap3A_164 = tpu.vector_load %arg8[%swap3A_162, %swap3A_163] {strides = array<i32>} : memref<32x1024xf32, #tpu.memory_space<vmem>>, vector<16xf32>,
      tpu.vector_store %arg8[%swap3A_162, %swap3A_163], %add3A_161 {strides = array<i32>} : memref<32x1024xf32, #tpu.memory_space<vmem>>, vector<16xf32>,
      %get3A_165 = arith.index_cast %scan3A_46 : i32 to index
      %get3A_166 = arith.constant 192 : index
      %get3A_167 = tpu.vector_load %arg8[%get3A_165, %get3A_166] {strides = array<i32>} : memref<32x1024xf32, #tpu.memory_space<vmem>>, vector<16xf32>,
      %get3A_168 = arith.index_cast %scan3A_46 : i32 to index
      %get3A_169 = arith.constant 192 : index
      %get3A_170 = tpu.vector_load %arg9[%get3A_168, %get3A_169] {strides = array<i32>} : memref<32x1024xf32, #tpu.memory_space<vmem>>, vector<16xf32>,
      %add3A_171 = arith.addf %get3A_167, %get3A_170 : vector<16xf32>
      %swap3A_172 = arith.index_cast %scan3A_46 : i32 to index
      %swap3A_173 = arith.constant 192 : index
      %swap3A_174 = tpu.vector_load %arg8[%swap3A_172, %swap3A_173] {strides = array<i32>} : memref<32x1024xf32, #tpu.memory_space<vmem>>, vector<16xf32>,
      tpu.vector_store %arg8[%swap3A_172, %swap3A_173], %add3A_171 {strides = array<i32>} : memref<32x1024xf32, #tpu.memory_space<vmem>>, vector<16xf32>,
      %get3A_175 = arith.index_cast %scan3A_46 : i32 to index
      %get3A_176 = arith.constant 208 : index
      %get3A_177 = tpu.vector_load %arg8[%get3A_175, %get3A_176] {strides = array<i32>} : memref<32x1024xf32, #tpu.memory_space<vmem>>, vector<16xf32>,
      %get3A_178 = arith.index_cast %scan3A_46 : i32 to index
      %get3A_179 = arith.constant 208 : index
      %get3A_180 = tpu.vector_load %arg9[%get3A_178, %get3A_179] {strides = array<i32>} : memref<32x1024xf32, #tpu.memory_space<vmem>>, vector<16xf32>,
      %add3A_181 = arith.addf %get3A_177, %get3A_180 : vector<16xf32>
      %swap3A_182 = arith.index_cast %scan3A_46 : i32 to index
      %swap3A_183 = arith.constant 208 : index
      %swap3A_184 = tpu.vector_load %arg8[%swap3A_182, %swap3A_183] {strides = array<i32>} : memref<32x1024xf32, #tpu.memory_space<vmem>>, vector<16xf32>,
      tpu.vector_store %arg8[%swap3A_182, %swap3A_183], %add3A_181 {strides = array<i32>} : memref<32x1024xf32, #tpu.memory_space<vmem>>, vector<16xf32>,
      %get3A_185 = arith.index_cast %scan3A_46 : i32 to index
      %get3A_186 = arith.constant 224 : index
      %get3A_187 = tpu.vector_load %arg8[%get3A_185, %get3A_186] {strides = array<i32>} : memref<32x1024xf32, #tpu.memory_space<vmem>>, vector<16xf32>,
      %get3A_188 = arith.index_cast %scan3A_46 : i32 to index
      %get3A_189 = arith.constant 224 : index
      %get3A_190 = tpu.vector_load %arg9[%get3A_188, %get3A_189] {strides = array<i32>} : memref<32x1024xf32, #tpu.memory_space<vmem>>, vector<16xf32>,
      %add3A_191 = arith.addf %get3A_187, %get3A_190 : vector<16xf32>
      %swap3A_192 = arith.index_cast %scan3A_46 : i32 to index
      %swap3A_193 = arith.constant 224 : index
      %swap3A_194 = tpu.vector_load %arg8[%swap3A_192, %swap3A_193] {strides = array<i32>} : memref<32x1024xf32, #tpu.memory_space<vmem>>, vector<16xf32>,
      tpu.vector_store %arg8[%swap3A_192, %swap3A_193], %add3A_191 {strides = array<i32>} : memref<32x1024xf32, #tpu.memory_space<vmem>>, vector<16xf32>,
      %get3A_195 = arith.index_cast %scan3A_46 : i32 to index
      %get3A_196 = arith.constant 240 : index
      %get3A_197 = tpu.vector_load %arg8[%get3A_195, %get3A_196] {strides = array<i32>} : memref<32x1024xf32, #tpu.memory_space<vmem>>, vector<16xf32>,
      %get3A_198 = arith.index_cast %scan3A_46 : i32 to index
      %get3A_199 = arith.constant 240 : index
      %get3A_200 = tpu.vector_load %arg9[%get3A_198, %get3A_199] {strides = array<i32>} : memref<32x1024xf32, #tpu.memory_space<vmem>>, vector<16xf32>,
      %add3A_201 = arith.addf %get3A_197, %get3A_200 : vector<16xf32>
      %swap3A_202 = arith.index_cast %scan3A_46 : i32 to index
      %swap3A_203 = arith.constant 240 : index
      %swap3A_204 = tpu.vector_load %arg8[%swap3A_202, %swap3A_203] {strides = array<i32>} : memref<32x1024xf32, #tpu.memory_space<vmem>>, vector<16xf32>,
      tpu.vector_store %arg8[%swap3A_202, %swap3A_203], %add3A_201 {strides = array<i32>} : memref<32x1024xf32, #tpu.memory_space<vmem>>, vector<16xf32>,
      %get3A_205 = arith.index_cast %scan3A_46 : i32 to index
      %get3A_206 = arith.constant 256 : index
      %get3A_207 = tpu.vector_load %arg8[%get3A_205, %get3A_206] {strides = array<i32>} : memref<32x1024xf32, #tpu.memory_space<vmem>>, vector<16xf32>,
      %get3A_208 = arith.index_cast %scan3A_46 : i32 to index
      %get3A_209 = arith.constant 256 : index
      %get3A_210 = tpu.vector_load %arg9[%get3A_208, %get3A_209] {strides = array<i32>} : memref<32x1024xf32, #tpu.memory_space<vmem>>, vector<16xf32>,
      %add3A_211 = arith.addf %get3A_207, %get3A_210 : vector<16xf32>
      %swap3A_212 = arith.index_cast %scan3A_46 : i32 to index
      %swap3A_213 = arith.constant 256 : index
      %swap3A_214 = tpu.vector_load %arg8[%swap3A_212, %swap3A_213] {strides = array<i32>} : memref<32x1024xf32, #tpu.memory_space<vmem>>, vector<16xf32>,
      tpu.vector_store %arg8[%swap3A_212, %swap3A_213], %add3A_211 {strides = array<i32>} : memref<32x1024xf32, #tpu.memory_space<vmem>>, vector<16xf32>,
      %get3A_215 = arith.index_cast %scan3A_46 : i32 to index
      %get3A_216 = arith.constant 272 : index
      %get3A_217 = tpu.vector_load %arg8[%get3A_215, %get3A_216] {strides = array<i32>} : memref<32x1024xf32, #tpu.memory_space<vmem>>, vector<16xf32>,
      %get3A_218 = arith.index_cast %scan3A_46 : i32 to index
      %get3A_219 = arith.constant 272 : index
      %get3A_220 = tpu.vector_load %arg9[%get3A_218, %get3A_219] {strides = array<i32>} : memref<32x1024xf32, #tpu.memory_space<vmem>>, vector<16xf32>,
      %add3A_221 = arith.addf %get3A_217, %get3A_220 : vector<16xf32>
      %swap3A_222 = arith.index_cast %scan3A_46 : i32 to index
      %swap3A_223 = arith.constant 272 : index
      %swap3A_224 = tpu.vector_load %arg8[%swap3A_222, %swap3A_223] {strides = array<i32>} : memref<32x1024xf32, #tpu.memory_space<vmem>>, vector<16xf32>,
      tpu.vector_store %arg8[%swap3A_222, %swap3A_223], %add3A_221 {strides = array<i32>} : memref<32x1024xf32, #tpu.memory_space<vmem>>, vector<16xf32>,
      %get3A_225 = arith.index_cast %scan3A_46 : i32 to index
      %get3A_226 = arith.constant 288 : index
      %get3A_227 = tpu.vector_load %arg8[%get3A_225, %get3A_226] {strides = array<i32>} : memref<32x1024xf32, #tpu.memory_space<vmem>>, vector<16xf32>,
      %get3A_228 = arith.index_cast %scan3A_46 : i32 to index
      %get3A_229 = arith.constant 288 : index
      %get3A_230 = tpu.vector_load %arg9[%get3A_228, %get3A_229] {strides = array<i32>} : memref<32x1024xf32, #tpu.memory_space<vmem>>, vector<16xf32>,
      %add3A_231 = arith.addf %get3A_227, %get3A_230 : vector<16xf32>
      %swap3A_232 = arith.index_cast %scan3A_46 : i32 to index
      %swap3A_233 = arith.constant 288 : index
      %swap3A_234 = tpu.vector_load %arg8[%swap3A_232, %swap3A_233] {strides = array<i32>} : memref<32x1024xf32, #tpu.memory_space<vmem>>, vector<16xf32>,
      tpu.vector_store %arg8[%swap3A_232, %swap3A_233], %add3A_231 {strides = array<i32>} : memref<32x1024xf32, #tpu.memory_space<vmem>>, vector<16xf32>,
      %get3A_235 = arith.index_cast %scan3A_46 : i32 to index
      %get3A_236 = arith.constant 304 : index
      %get3A_237 = tpu.vector_load %arg8[%get3A_235, %get3A_236] {strides = array<i32>} : memref<32x1024xf32, #tpu.memory_space<vmem>>, vector<16xf32>,
      %get3A_238 = arith.index_cast %scan3A_46 : i32 to index
      %get3A_239 = arith.constant 304 : index
      %get3A_240 = tpu.vector_load %arg9[%get3A_238, %get3A_239] {strides = array<i32>} : memref<32x1024xf32, #tpu.memory_space<vmem>>, vector<16xf32>,
      %add3A_241 = arith.addf %get3A_237, %get3A_240 : vector<16xf32>
      %swap3A_242 = arith.index_cast %scan3A_46 : i32 to index
      %swap3A_243 = arith.constant 304 : index
      %swap3A_244 = tpu.vector_load %arg8[%swap3A_242, %swap3A_243] {strides = array<i32>} : memref<32x1024xf32, #tpu.memory_space<vmem>>, vector<16xf32>,
      tpu.vector_store %arg8[%swap3A_242, %swap3A_243], %add3A_241 {strides = array<i32>} : memref<32x1024xf32, #tpu.memory_space<vmem>>, vector<16xf32>,
      %get3A_245 = arith.index_cast %scan3A_46 : i32 to index
      %get3A_246 = arith.constant 320 : index
      %get3A_247 = tpu.vector_load %arg8[%get3A_245, %get3A_246] {strides = array<i32>} : memref<32x1024xf32, #tpu.memory_space<vmem>>, vector<16xf32>,
      %get3A_248 = arith.index_cast %scan3A_46 : i32 to index
      %get3A_249 = arith.constant 320 : index
      %get3A_250 = tpu.vector_load %arg9[%get3A_248, %get3A_249] {strides = array<i32>} : memref<32x1024xf32, #tpu.memory_space<vmem>>, vector<16xf32>,
      %add3A_251 = arith.addf %get3A_247, %get3A_250 : vector<16xf32>
      %swap3A_252 = arith.index_cast %scan3A_46 : i32 to index
      %swap3A_253 = arith.constant 320 : index
      %swap3A_254 = tpu.vector_load %arg8[%swap3A_252, %swap3A_253] {strides = array<i32>} : memref<32x1024xf32, #tpu.memory_space<vmem>>, vector<16xf32>,
      tpu.vector_store %arg8[%swap3A_252, %swap3A_253], %add3A_251 {strides = array<i32>} : memref<32x1024xf32, #tpu.memory_space<vmem>>, vector<16xf32>,
      %get3A_255 = arith.index_cast %scan3A_46 : i32 to index
      %get3A_256 = arith.constant 336 : index
      %get3A_257 = tpu.vector_load %arg8[%get3A_255, %get3A_256] {strides = array<i32>} : memref<32x1024xf32, #tpu.memory_space<vmem>>, vector<16xf32>,
      %get3A_258 = arith.index_cast %scan3A_46 : i32 to index
      %get3A_259 = arith.constant 336 : index
      %get3A_260 = tpu.vector_load %arg9[%get3A_258, %get3A_259] {strides = array<i32>} : memref<32x1024xf32, #tpu.memory_space<vmem>>, vector<16xf32>,
      %add3A_261 = arith.addf %get3A_257, %get3A_260 : vector<16xf32>
      %swap3A_262 = arith.index_cast %scan3A_46 : i32 to index
      %swap3A_263 = arith.constant 336 : index
      %swap3A_264 = tpu.vector_load %arg8[%swap3A_262, %swap3A_263] {strides = array<i32>} : memref<32x1024xf32, #tpu.memory_space<vmem>>, vector<16xf32>,
      tpu.vector_store %arg8[%swap3A_262, %swap3A_263], %add3A_261 {strides = array<i32>} : memref<32x1024xf32, #tpu.memory_space<vmem>>, vector<16xf32>,
      %get3A_265 = arith.index_cast %scan3A_46 : i32 to index
      %get3A_266 = arith.constant 352 : index
      %get3A_267 = tpu.vector_load %arg8[%get3A_265, %get3A_266] {strides = array<i32>} : memref<32x1024xf32, #tpu.memory_space<vmem>>, vector<16xf32>,
      %get3A_268 = arith.index_cast %scan3A_46 : i32 to index
      %get3A_269 = arith.constant 352 : index
      %get3A_270 = tpu.vector_load %arg9[%get3A_268, %get3A_269] {strides = array<i32>} : memref<32x1024xf32, #tpu.memory_space<vmem>>, vector<16xf32>,
      %add3A_271 = arith.addf %get3A_267, %get3A_270 : vector<16xf32>
      %swap3A_272 = arith.index_cast %scan3A_46 : i32 to index
      %swap3A_273 = arith.constant 352 : index
      %swap3A_274 = tpu.vector_load %arg8[%swap3A_272, %swap3A_273] {strides = array<i32>} : memref<32x1024xf32, #tpu.memory_space<vmem>>, vector<16xf32>,
      tpu.vector_store %arg8[%swap3A_272, %swap3A_273], %add3A_271 {strides = array<i32>} : memref<32x1024xf32, #tpu.memory_space<vmem>>, vector<16xf32>,
      %get3A_275 = arith.index_cast %scan3A_46 : i32 to index
      %get3A_276 = arith.constant 368 : index
      %get3A_277 = tpu.vector_load %arg8[%get3A_275, %get3A_276] {strides = array<i32>} : memref<32x1024xf32, #tpu.memory_space<vmem>>, vector<16xf32>,
      %get3A_278 = arith.index_cast %scan3A_46 : i32 to index
      %get3A_279 = arith.constant 368 : index
      %get3A_280 = tpu.vector_load %arg9[%get3A_278, %get3A_279] {strides = array<i32>} : memref<32x1024xf32, #tpu.memory_space<vmem>>, vector<16xf32>,
      %add3A_281 = arith.addf %get3A_277, %get3A_280 : vector<16xf32>
      %swap3A_282 = arith.index_cast %scan3A_46 : i32 to index
      %swap3A_283 = arith.constant 368 : index
      %swap3A_284 = tpu.vector_load %arg8[%swap3A_282, %swap3A_283] {strides = array<i32>} : memref<32x1024xf32, #tpu.memory_space<vmem>>, vector<16xf32>,
      tpu.vector_store %arg8[%swap3A_282, %swap3A_283], %add3A_281 {strides = array<i32>} : memref<32x1024xf32, #tpu.memory_space<vmem>>, vector<16xf32>,
      %get3A_285 = arith.index_cast %scan3A_46 : i32 to index
      %get3A_286 = arith.constant 384 : index
      %get3A_287 = tpu.vector_load %arg8[%get3A_285, %get3A_286] {strides = array<i32>} : memref<32x1024xf32, #tpu.memory_space<vmem>>, vector<16xf32>,
      %get3A_288 = arith.index_cast %scan3A_46 : i32 to index
      %get3A_289 = arith.constant 384 : index
      %get3A_290 = tpu.vector_load %arg9[%get3A_288, %get3A_289] {strides = array<i32>} : memref<32x1024xf32, #tpu.memory_space<vmem>>, vector<16xf32>,
      %add3A_291 = arith.addf %get3A_287, %get3A_290 : vector<16xf32>
      %swap3A_292 = arith.index_cast %scan3A_46 : i32 to index
      %swap3A_293 = arith.constant 384 : index
      %swap3A_294 = tpu.vector_load %arg8[%swap3A_292, %swap3A_293] {strides = array<i32>} : memref<32x1024xf32, #tpu.memory_space<vmem>>, vector<16xf32>,
      tpu.vector_store %arg8[%swap3A_292, %swap3A_293], %add3A_291 {strides = array<i32>} : memref<32x1024xf32, #tpu.memory_space<vmem>>, vector<16xf32>,
      %get3A_295 = arith.index_cast %scan3A_46 : i32 to index
      %get3A_296 = arith.constant 400 : index
      %get3A_297 = tpu.vector_load %arg8[%get3A_295, %get3A_296] {strides = array<i32>} : memref<32x1024xf32, #tpu.memory_space<vmem>>, vector<16xf32>,
      %get3A_298 = arith.index_cast %scan3A_46 : i32 to index
      %get3A_299 = arith.constant 400 : index
      %get3A_300 = tpu.vector_load %arg9[%get3A_298, %get3A_299] {strides = array<i32>} : memref<32x1024xf32, #tpu.memory_space<vmem>>, vector<16xf32>,
      %add3A_301 = arith.addf %get3A_297, %get3A_300 : vector<16xf32>
      %swap3A_302 = arith.index_cast %scan3A_46 : i32 to index
      %swap3A_303 = arith.constant 400 : index
      %swap3A_304 = tpu.vector_load %arg8[%swap3A_302, %swap3A_303] {strides = array<i32>} : memref<32x1024xf32, #tpu.memory_space<vmem>>, vector<16xf32>,
      tpu.vector_store %arg8[%swap3A_302, %swap3A_303], %add3A_301 {strides = array<i32>} : memref<32x1024xf32, #tpu.memory_space<vmem>>, vector<16xf32>,
      %get3A_305 = arith.index_cast %scan3A_46 : i32 to index
      %get3A_306 = arith.constant 416 : index
      %get3A_307 = tpu.vector_load %arg8[%get3A_305, %get3A_306] {strides = array<i32>} : memref<32x1024xf32, #tpu.memory_space<vmem>>, vector<16xf32>,
      %get3A_308 = arith.index_cast %scan3A_46 : i32 to index
      %get3A_309 = arith.constant 416 : index
      %get3A_310 = tpu.vector_load %arg9[%get3A_308, %get3A_309] {strides = array<i32>} : memref<32x1024xf32, #tpu.memory_space<vmem>>, vector<16xf32>,
      %add3A_311 = arith.addf %get3A_307, %get3A_310 : vector<16xf32>
      %swap3A_312 = arith.index_cast %scan3A_46 : i32 to index
      %swap3A_313 = arith.constant 416 : index
      %swap3A_314 = tpu.vector_load %arg8[%swap3A_312, %swap3A_313] {strides = array<i32>} : memref<32x1024xf32, #tpu.memory_space<vmem>>, vector<16xf32>,
      tpu.vector_store %arg8[%swap3A_312, %swap3A_313], %add3A_311 {strides = array<i32>} : memref<32x1024xf32, #tpu.memory_space<vmem>>, vector<16xf32>,
      %get3A_315 = arith.index_cast %scan3A_46 : i32 to index
      %get3A_316 = arith.constant 432 : index
      %get3A_317 = tpu.vector_load %arg8[%get3A_315, %get3A_316] {strides = array<i32>} : memref<32x1024xf32, #tpu.memory_space<vmem>>, vector<16xf32>,
      %get3A_318 = arith.index_cast %scan3A_46 : i32 to index
      %get3A_319 = arith.constant 432 : index
      %get3A_320 = tpu.vector_load %arg9[%get3A_318, %get3A_319] {strides = array<i32>} : memref<32x1024xf32, #tpu.memory_space<vmem>>, vector<16xf32>,
      %add3A_321 = arith.addf %get3A_317, %get3A_320 : vector<16xf32>
      %swap3A_322 = arith.index_cast %scan3A_46 : i32 to index
      %swap3A_323 = arith.constant 432 : index
      %swap3A_324 = tpu.vector_load %arg8[%swap3A_322, %swap3A_323] {strides = array<i32>} : memref<32x1024xf32, #tpu.memory_space<vmem>>, vector<16xf32>,
      tpu.vector_store %arg8[%swap3A_322, %swap3A_323], %add3A_321 {strides = array<i32>} : memref<32x1024xf32, #tpu.memory_space<vmem>>, vector<16xf32>,
      %get3A_325 = arith.index_cast %scan3A_46 : i32 to index
      %get3A_326 = arith.constant 448 : index
      %get3A_327 = tpu.vector_load %arg8[%get3A_325, %get3A_326] {strides = array<i32>} : memref<32x1024xf32, #tpu.memory_space<vmem>>, vector<16xf32>,
      %get3A_328 = arith.index_cast %scan3A_46 : i32 to index
      %get3A_329 = arith.constant 448 : index
      %get3A_330 = tpu.vector_load %arg9[%get3A_328, %get3A_329] {strides = array<i32>} : memref<32x1024xf32, #tpu.memory_space<vmem>>, vector<16xf32>,
      %add3A_331 = arith.addf %get3A_327, %get3A_330 : vector<16xf32>
      %swap3A_332 = arith.index_cast %scan3A_46 : i32 to index
      %swap3A_333 = arith.constant 448 : index
      %swap3A_334 = tpu.vector_load %arg8[%swap3A_332, %swap3A_333] {strides = array<i32>} : memref<32x1024xf32, #tpu.memory_space<vmem>>, vector<16xf32>,
      tpu.vector_store %arg8[%swap3A_332, %swap3A_333], %add3A_331 {strides = array<i32>} : memref<32x1024xf32, #tpu.memory_space<vmem>>, vector<16xf32>,
      %get3A_335 = arith.index_cast %scan3A_46 : i32 to index
      %get3A_336 = arith.constant 464 : index
      %get3A_337 = tpu.vector_load %arg8[%get3A_335, %get3A_336] {strides = array<i32>} : memref<32x1024xf32, #tpu.memory_space<vmem>>, vector<16xf32>,
      %get3A_338 = arith.index_cast %scan3A_46 : i32 to index
      %get3A_339 = arith.constant 464 : index
      %get3A_340 = tpu.vector_load %arg9[%get3A_338, %get3A_339] {strides = array<i32>} : memref<32x1024xf32, #tpu.memory_space<vmem>>, vector<16xf32>,
      %add3A_341 = arith.addf %get3A_337, %get3A_340 : vector<16xf32>
      %swap3A_342 = arith.index_cast %scan3A_46 : i32 to index
      %swap3A_343 = arith.constant 464 : index
      %swap3A_344 = tpu.vector_load %arg8[%swap3A_342, %swap3A_343] {strides = array<i32>} : memref<32x1024xf32, #tpu.memory_space<vmem>>, vector<16xf32>,
      tpu.vector_store %arg8[%swap3A_342, %swap3A_343], %add3A_341 {strides = array<i32>} : memref<32x1024xf32, #tpu.memory_space<vmem>>, vector<16xf32>,
      %get3A_345 = arith.index_cast %scan3A_46 : i32 to index
      %get3A_346 = arith.constant 480 : index
      %get3A_347 = tpu.vector_load %arg8[%get3A_345, %get3A_346] {strides = array<i32>} : memref<32x1024xf32, #tpu.memory_space<vmem>>, vector<16xf32>,
      %get3A_348 = arith.index_cast %scan3A_46 : i32 to index
      %get3A_349 = arith.constant 480 : index
      %get3A_350 = tpu.vector_load %arg9[%get3A_348, %get3A_349] {strides = array<i32>} : memref<32x1024xf32, #tpu.memory_space<vmem>>, vector<16xf32>,
      %add3A_351 = arith.addf %get3A_347, %get3A_350 : vector<16xf32>
      %swap3A_352 = arith.index_cast %scan3A_46 : i32 to index
      %swap3A_353 = arith.constant 480 : index
      %swap3A_354 = tpu.vector_load %arg8[%swap3A_352, %swap3A_353] {strides = array<i32>} : memref<32x1024xf32, #tpu.memory_space<vmem>>, vector<16xf32>,
      tpu.vector_store %arg8[%swap3A_352, %swap3A_353], %add3A_351 {strides = array<i32>} : memref<32x1024xf32, #tpu.memory_space<vmem>>, vector<16xf32>,
      %get3A_355 = arith.index_cast %scan3A_46 : i32 to index
      %get3A_356 = arith.constant 496 : index
      %get3A_357 = tpu.vector_load %arg8[%get3A_355, %get3A_356] {strides = array<i32>} : memref<32x1024xf32, #tpu.memory_space<vmem>>, vector<16xf32>,
      %get3A_358 = arith.index_cast %scan3A_46 : i32 to index
      %get3A_359 = arith.constant 496 : index
      %get3A_360 = tpu.vector_load %arg9[%get3A_358, %get3A_359] {strides = array<i32>} : memref<32x1024xf32, #tpu.memory_space<vmem>>, vector<16xf32>,
      %add3A_361 = arith.addf %get3A_357, %get3A_360 : vector<16xf32>
      %swap3A_362 = arith.index_cast %scan3A_46 : i32 to index
      %swap3A_363 = arith.constant 496 : index
      %swap3A_364 = tpu.vector_load %arg8[%swap3A_362, %swap3A_363] {strides = array<i32>} : memref<32x1024xf32, #tpu.memory_space<vmem>>, vector<16xf32>,
      tpu.vector_store %arg8[%swap3A_362, %swap3A_363], %add3A_361 {strides = array<i32>} : memref<32x1024xf32, #tpu.memory_space<vmem>>, vector<16xf32>,
      %get3A_365 = arith.index_cast %scan3A_46 : i32 to index
      %get3A_366 = arith.constant 512 : index
      %get3A_367 = tpu.vector_load %arg8[%get3A_365, %get3A_366] {strides = array<i32>} : memref<32x1024xf32, #tpu.memory_space<vmem>>, vector<16xf32>,
      %get3A_368 = arith.index_cast %scan3A_46 : i32 to index
      %get3A_369 = arith.constant 512 : index
      %get3A_370 = tpu.vector_load %arg9[%get3A_368, %get3A_369] {strides = array<i32>} : memref<32x1024xf32, #tpu.memory_space<vmem>>, vector<16xf32>,
      %add3A_371 = arith.addf %get3A_367, %get3A_370 : vector<16xf32>
      %swap3A_372 = arith.index_cast %scan3A_46 : i32 to index
      %swap3A_373 = arith.constant 512 : index
      %swap3A_374 = tpu.vector_load %arg8[%swap3A_372, %swap3A_373] {strides = array<i32>} : memref<32x1024xf32, #tpu.memory_space<vmem>>, vector<16xf32>,
      tpu.vector_store %arg8[%swap3A_372, %swap3A_373], %add3A_371 {strides = array<i32>} : memref<32x1024xf32, #tpu.memory_space<vmem>>, vector<16xf32>,
      %get3A_375 = arith.index_cast %scan3A_46 : i32 to index
      %get3A_376 = arith.constant 528 : index
      %get3A_377 = tpu.vector_load %arg8[%get3A_375, %get3A_376] {strides = array<i32>} : memref<32x1024xf32, #tpu.memory_space<vmem>>, vector<16xf32>,
      %get3A_378 = arith.index_cast %scan3A_46 : i32 to index
      %get3A_379 = arith.constant 528 : index
      %get3A_380 = tpu.vector_load %arg9[%get3A_378, %get3A_379] {strides = array<i32>} : memref<32x1024xf32, #tpu.memory_space<vmem>>, vector<16xf32>,
      %add3A_381 = arith.addf %get3A_377, %get3A_380 : vector<16xf32>
      %swap3A_382 = arith.index_cast %scan3A_46 : i32 to index
      %swap3A_383 = arith.constant 528 : index
      %swap3A_384 = tpu.vector_load %arg8[%swap3A_382, %swap3A_383] {strides = array<i32>} : memref<32x1024xf32, #tpu.memory_space<vmem>>, vector<16xf32>,
      tpu.vector_store %arg8[%swap3A_382, %swap3A_383], %add3A_381 {strides = array<i32>} : memref<32x1024xf32, #tpu.memory_space<vmem>>, vector<16xf32>,
      %get3A_385 = arith.index_cast %scan3A_46 : i32 to index
      %get3A_386 = arith.constant 544 : index
      %get3A_387 = tpu.vector_load %arg8[%get3A_385, %get3A_386] {strides = array<i32>} : memref<32x1024xf32, #tpu.memory_space<vmem>>, vector<16xf32>,
      %get3A_388 = arith.index_cast %scan3A_46 : i32 to index
      %get3A_389 = arith.constant 544 : index
      %get3A_390 = tpu.vector_load %arg9[%get3A_388, %get3A_389] {strides = array<i32>} : memref<32x1024xf32, #tpu.memory_space<vmem>>, vector<16xf32>,
      %add3A_391 = arith.addf %get3A_387, %get3A_390 : vector<16xf32>
      %swap3A_392 = arith.index_cast %scan3A_46 : i32 to index
      %swap3A_393 = arith.constant 544 : index
      %swap3A_394 = tpu.vector_load %arg8[%swap3A_392, %swap3A_393] {strides = array<i32>} : memref<32x1024xf32, #tpu.memory_space<vmem>>, vector<16xf32>,
      tpu.vector_store %arg8[%swap3A_392, %swap3A_393], %add3A_391 {strides = array<i32>} : memref<32x1024xf32, #tpu.memory_space<vmem>>, vector<16xf32>,
      %get3A_395 = arith.index_cast %scan3A_46 : i32 to index
      %get3A_396 = arith.constant 560 : index
      %get3A_397 = tpu.vector_load %arg8[%get3A_395, %get3A_396] {strides = array<i32>} : memref<32x1024xf32, #tpu.memory_space<vmem>>, vector<16xf32>,
      %get3A_398 = arith.index_cast %scan3A_46 : i32 to index
      %get3A_399 = arith.constant 560 : index
      %get3A_400 = tpu.vector_load %arg9[%get3A_398, %get3A_399] {strides = array<i32>} : memref<32x1024xf32, #tpu.memory_space<vmem>>, vector<16xf32>,
      %add3A_401 = arith.addf %get3A_397, %get3A_400 : vector<16xf32>
      %swap3A_402 = arith.index_cast %scan3A_46 : i32 to index
      %swap3A_403 = arith.constant 560 : index
      %swap3A_404 = tpu.vector_load %arg8[%swap3A_402, %swap3A_403] {strides = array<i32>} : memref<32x1024xf32, #tpu.memory_space<vmem>>, vector<16xf32>,
      tpu.vector_store %arg8[%swap3A_402, %swap3A_403], %add3A_401 {strides = array<i32>} : memref<32x1024xf32, #tpu.memory_space<vmem>>, vector<16xf32>,
      %get3A_405 = arith.index_cast %scan3A_46 : i32 to index
      %get3A_406 = arith.constant 576 : index
      %get3A_407 = tpu.vector_load %arg8[%get3A_405, %get3A_406] {strides = array<i32>} : memref<32x1024xf32, #tpu.memory_space<vmem>>, vector<16xf32>,
      %get3A_408 = arith.index_cast %scan3A_46 : i32 to index
      %get3A_409 = arith.constant 576 : index
      %get3A_410 = tpu.vector_load %arg9[%get3A_408, %get3A_409] {strides = array<i32>} : memref<32x1024xf32, #tpu.memory_space<vmem>>, vector<16xf32>,
      %add3A_411 = arith.addf %get3A_407, %get3A_410 : vector<16xf32>
      %swap3A_412 = arith.index_cast %scan3A_46 : i32 to index
      %swap3A_413 = arith.constant 576 : index
      %swap3A_414 = tpu.vector_load %arg8[%swap3A_412, %swap3A_413] {strides = array<i32>} : memref<32x1024xf32, #tpu.memory_space<vmem>>, vector<16xf32>,
      tpu.vector_store %arg8[%swap3A_412, %swap3A_413], %add3A_411 {strides = array<i32>} : memref<32x1024xf32, #tpu.memory_space<vmem>>, vector<16xf32>,
      %get3A_415 = arith.index_cast %scan3A_46 : i32 to index
      %get3A_416 = arith.constant 592 : index
      %get3A_417 = tpu.vector_load %arg8[%get3A_415, %get3A_416] {strides = array<i32>} : memref<32x1024xf32, #tpu.memory_space<vmem>>, vector<16xf32>,
      %get3A_418 = arith.index_cast %scan3A_46 : i32 to index
      %get3A_419 = arith.constant 592 : index
      %get3A_420 = tpu.vector_load %arg9[%get3A_418, %get3A_419] {strides = array<i32>} : memref<32x1024xf32, #tpu.memory_space<vmem>>, vector<16xf32>,
      %add3A_421 = arith.addf %get3A_417, %get3A_420 : vector<16xf32>
      %swap3A_422 = arith.index_cast %scan3A_46 : i32 to index
      %swap3A_423 = arith.constant 592 : index
      %swap3A_424 = tpu.vector_load %arg8[%swap3A_422, %swap3A_423] {strides = array<i32>} : memref<32x1024xf32, #tpu.memory_space<vmem>>, vector<16xf32>,
      tpu.vector_store %arg8[%swap3A_422, %swap3A_423], %add3A_421 {strides = array<i32>} : memref<32x1024xf32, #tpu.memory_space<vmem>>, vector<16xf32>,
      %get3A_425 = arith.index_cast %scan3A_46 : i32 to index
      %get3A_426 = arith.constant 608 : index
      %get3A_427 = tpu.vector_load %arg8[%get3A_425, %get3A_426] {strides = array<i32>} : memref<32x1024xf32, #tpu.memory_space<vmem>>, vector<16xf32>,
      %get3A_428 = arith.index_cast %scan3A_46 : i32 to index
      %get3A_429 = arith.constant 608 : index
      %get3A_430 = tpu.vector_load %arg9[%get3A_428, %get3A_429] {strides = array<i32>} : memref<32x1024xf32, #tpu.memory_space<vmem>>, vector<16xf32>,
      %add3A_431 = arith.addf %get3A_427, %get3A_430 : vector<16xf32>
      %swap3A_432 = arith.index_cast %scan3A_46 : i32 to index
      %swap3A_433 = arith.constant 608 : index
      %swap3A_434 = tpu.vector_load %arg8[%swap3A_432, %swap3A_433] {strides = array<i32>} : memref<32x1024xf32, #tpu.memory_space<vmem>>, vector<16xf32>,
      tpu.vector_store %arg8[%swap3A_432, %swap3A_433], %add3A_431 {strides = array<i32>} : memref<32x1024xf32, #tpu.memory_space<vmem>>, vector<16xf32>,
      %get3A_435 = arith.index_cast %scan3A_46 : i32 to index
      %get3A_436 = arith.constant 624 : index
      %get3A_437 = tpu.vector_load %arg8[%get3A_435, %get3A_436] {strides = array<i32>} : memref<32x1024xf32, #tpu.memory_space<vmem>>, vector<16xf32>,
      %get3A_438 = arith.index_cast %scan3A_46 : i32 to index
      %get3A_439 = arith.constant 624 : index
      %get3A_440 = tpu.vector_load %arg9[%get3A_438, %get3A_439] {strides = array<i32>} : memref<32x1024xf32, #tpu.memory_space<vmem>>, vector<16xf32>,
      %add3A_441 = arith.addf %get3A_437, %get3A_440 : vector<16xf32>
      %swap3A_442 = arith.index_cast %scan3A_46 : i32 to index
      %swap3A_443 = arith.constant 624 : index
      %swap3A_444 = tpu.vector_load %arg8[%swap3A_442, %swap3A_443] {strides = array<i32>} : memref<32x1024xf32, #tpu.memory_space<vmem>>, vector<16xf32>,
      tpu.vector_store %arg8[%swap3A_442, %swap3A_443], %add3A_441 {strides = array<i32>} : memref<32x1024xf32, #tpu.memory_space<vmem>>, vector<16xf32>,
      %get3A_445 = arith.index_cast %scan3A_46 : i32 to index
      %get3A_446 = arith.constant 640 : index
      %get3A_447 = tpu.vector_load %arg8[%get3A_445, %get3A_446] {strides = array<i32>} : memref<32x1024xf32, #tpu.memory_space<vmem>>, vector<16xf32>,
      %get3A_448 = arith.index_cast %scan3A_46 : i32 to index
      %get3A_449 = arith.constant 640 : index
      %get3A_450 = tpu.vector_load %arg9[%get3A_448, %get3A_449] {strides = array<i32>} : memref<32x1024xf32, #tpu.memory_space<vmem>>, vector<16xf32>,
      %add3A_451 = arith.addf %get3A_447, %get3A_450 : vector<16xf32>
      %swap3A_452 = arith.index_cast %scan3A_46 : i32 to index
      %swap3A_453 = arith.constant 640 : index
      %swap3A_454 = tpu.vector_load %arg8[%swap3A_452, %swap3A_453] {strides = array<i32>} : memref<32x1024xf32, #tpu.memory_space<vmem>>, vector<16xf32>,
      tpu.vector_store %arg8[%swap3A_452, %swap3A_453], %add3A_451 {strides = array<i32>} : memref<32x1024xf32, #tpu.memory_space<vmem>>, vector<16xf32>,
      %get3A_455 = arith.index_cast %scan3A_46 : i32 to index
      %get3A_456 = arith.constant 656 : index
      %get3A_457 = tpu.vector_load %arg8[%get3A_455, %get3A_456] {strides = array<i32>} : memref<32x1024xf32, #tpu.memory_space<vmem>>, vector<16xf32>,
      %get3A_458 = arith.index_cast %scan3A_46 : i32 to index
      %get3A_459 = arith.constant 656 : index
      %get3A_460 = tpu.vector_load %arg9[%get3A_458, %get3A_459] {strides = array<i32>} : memref<32x1024xf32, #tpu.memory_space<vmem>>, vector<16xf32>,
      %add3A_461 = arith.addf %get3A_457, %get3A_460 : vector<16xf32>
      %swap3A_462 = arith.index_cast %scan3A_46 : i32 to index
      %swap3A_463 = arith.constant 656 : index
      %swap3A_464 = tpu.vector_load %arg8[%swap3A_462, %swap3A_463] {strides = array<i32>} : memref<32x1024xf32, #tpu.memory_space<vmem>>, vector<16xf32>,
      tpu.vector_store %arg8[%swap3A_462, %swap3A_463], %add3A_461 {strides = array<i32>} : memref<32x1024xf32, #tpu.memory_space<vmem>>, vector<16xf32>,
      %get3A_465 = arith.index_cast %scan3A_46 : i32 to index
      %get3A_466 = arith.constant 672 : index
      %get3A_467 = tpu.vector_load %arg8[%get3A_465, %get3A_466] {strides = array<i32>} : memref<32x1024xf32, #tpu.memory_space<vmem>>, vector<16xf32>,
      %get3A_468 = arith.index_cast %scan3A_46 : i32 to index
      %get3A_469 = arith.constant 672 : index
      %get3A_470 = tpu.vector_load %arg9[%get3A_468, %get3A_469] {strides = array<i32>} : memref<32x1024xf32, #tpu.memory_space<vmem>>, vector<16xf32>,
      %add3A_471 = arith.addf %get3A_467, %get3A_470 : vector<16xf32>
      %swap3A_472 = arith.index_cast %scan3A_46 : i32 to index
      %swap3A_473 = arith.constant 672 : index
      %swap3A_474 = tpu.vector_load %arg8[%swap3A_472, %swap3A_473] {strides = array<i32>} : memref<32x1024xf32, #tpu.memory_space<vmem>>, vector<16xf32>,
      tpu.vector_store %arg8[%swap3A_472, %swap3A_473], %add3A_471 {strides = array<i32>} : memref<32x1024xf32, #tpu.memory_space<vmem>>, vector<16xf32>,
      %get3A_475 = arith.index_cast %scan3A_46 : i32 to index
      %get3A_476 = arith.constant 688 : index
      %get3A_477 = tpu.vector_load %arg8[%get3A_475, %get3A_476] {strides = array<i32>} : memref<32x1024xf32, #tpu.memory_space<vmem>>, vector<16xf32>,
      %get3A_478 = arith.index_cast %scan3A_46 : i32 to index
      %get3A_479 = arith.constant 688 : index
      %get3A_480 = tpu.vector_load %arg9[%get3A_478, %get3A_479] {strides = array<i32>} : memref<32x1024xf32, #tpu.memory_space<vmem>>, vector<16xf32>,
      %add3A_481 = arith.addf %get3A_477, %get3A_480 : vector<16xf32>
      %swap3A_482 = arith.index_cast %scan3A_46 : i32 to index
      %swap3A_483 = arith.constant 688 : index
      %swap3A_484 = tpu.vector_load %arg8[%swap3A_482, %swap3A_483] {strides = array<i32>} : memref<32x1024xf32, #tpu.memory_space<vmem>>, vector<16xf32>,
      tpu.vector_store %arg8[%swap3A_482, %swap3A_483], %add3A_481 {strides = array<i32>} : memref<32x1024xf32, #tpu.memory_space<vmem>>, vector<16xf32>,
      %get3A_485 = arith.index_cast %scan3A_46 : i32 to index
      %get3A_486 = arith.constant 704 : index
      %get3A_487 = tpu.vector_load %arg8[%get3A_485, %get3A_486] {strides = array<i32>} : memref<32x1024xf32, #tpu.memory_space<vmem>>, vector<16xf32>,
      %get3A_488 = arith.index_cast %scan3A_46 : i32 to index
      %get3A_489 = arith.constant 704 : index
      %get3A_490 = tpu.vector_load %arg9[%get3A_488, %get3A_489] {strides = array<i32>} : memref<32x1024xf32, #tpu.memory_space<vmem>>, vector<16xf32>,
      %add3A_491 = arith.addf %get3A_487, %get3A_490 : vector<16xf32>
      %swap3A_492 = arith.index_cast %scan3A_46 : i32 to index
      %swap3A_493 = arith.constant 704 : index
      %swap3A_494 = tpu.vector_load %arg8[%swap3A_492, %swap3A_493] {strides = array<i32>} : memref<32x1024xf32, #tpu.memory_space<vmem>>, vector<16xf32>,
      tpu.vector_store %arg8[%swap3A_492, %swap3A_493], %add3A_491 {strides = array<i32>} : memref<32x1024xf32, #tpu.memory_space<vmem>>, vector<16xf32>,
      %get3A_495 = arith.index_cast %scan3A_46 : i32 to index
      %get3A_496 = arith.constant 720 : index
      %get3A_497 = tpu.vector_load %arg8[%get3A_495, %get3A_496] {strides = array<i32>} : memref<32x1024xf32, #tpu.memory_space<vmem>>, vector<16xf32>,
      %get3A_498 = arith.index_cast %scan3A_46 : i32 to index
      %get3A_499 = arith.constant 720 : index
      %get3A_500 = tpu.vector_load %arg9[%get3A_498, %get3A_499] {strides = array<i32>} : memref<32x1024xf32, #tpu.memory_space<vmem>>, vector<16xf32>,
      %add3A_501 = arith.addf %get3A_497, %get3A_500 : vector<16xf32>
      %swap3A_502 = arith.index_cast %scan3A_46 : i32 to index
      %swap3A_503 = arith.constant 720 : index
      %swap3A_504 = tpu.vector_load %arg8[%swap3A_502, %swap3A_503] {strides = array<i32>} : memref<32x1024xf32, #tpu.memory_space<vmem>>, vector<16xf32>,
      tpu.vector_store %arg8[%swap3A_502, %swap3A_503], %add3A_501 {strides = array<i32>} : memref<32x1024xf32, #tpu.memory_space<vmem>>, vector<16xf32>,
      %get3A_505 = arith.index_cast %scan3A_46 : i32 to index
      %get3A_506 = arith.constant 736 : index
      %get3A_507 = tpu.vector_load %arg8[%get3A_505, %get3A_506] {strides = array<i32>} : memref<32x1024xf32, #tpu.memory_space<vmem>>, vector<16xf32>,
      %get3A_508 = arith.index_cast %scan3A_46 : i32 to index
      %get3A_509 = arith.constant 736 : index
      %get3A_510 = tpu.vector_load %arg9[%get3A_508, %get3A_509] {strides = array<i32>} : memref<32x1024xf32, #tpu.memory_space<vmem>>, vector<16xf32>,
      %add3A_511 = arith.addf %get3A_507, %get3A_510 : vector<16xf32>
      %swap3A_512 = arith.index_cast %scan3A_46 : i32 to index
      %swap3A_513 = arith.constant 736 : index
      %swap3A_514 = tpu.vector_load %arg8[%swap3A_512, %swap3A_513] {strides = array<i32>} : memref<32x1024xf32, #tpu.memory_space<vmem>>, vector<16xf32>,
      tpu.vector_store %arg8[%swap3A_512, %swap3A_513], %add3A_511 {strides = array<i32>} : memref<32x1024xf32, #tpu.memory_space<vmem>>, vector<16xf32>,
      %get3A_515 = arith.index_cast %scan3A_46 : i32 to index
      %get3A_516 = arith.constant 752 : index
      %get3A_517 = tpu.vector_load %arg8[%get3A_515, %get3A_516] {strides = array<i32>} : memref<32x1024xf32, #tpu.memory_space<vmem>>, vector<16xf32>,
      %get3A_518 = arith.index_cast %scan3A_46 : i32 to index
      %get3A_519 = arith.constant 752 : index
      %get3A_520 = tpu.vector_load %arg9[%get3A_518, %get3A_519] {strides = array<i32>} : memref<32x1024xf32, #tpu.memory_space<vmem>>, vector<16xf32>,
      %add3A_521 = arith.addf %get3A_517, %get3A_520 : vector<16xf32>
      %swap3A_522 = arith.index_cast %scan3A_46 : i32 to index
      %swap3A_523 = arith.constant 752 : index
      %swap3A_524 = tpu.vector_load %arg8[%swap3A_522, %swap3A_523] {strides = array<i32>} : memref<32x1024xf32, #tpu.memory_space<vmem>>, vector<16xf32>,
      tpu.vector_store %arg8[%swap3A_522, %swap3A_523], %add3A_521 {strides = array<i32>} : memref<32x1024xf32, #tpu.memory_space<vmem>>, vector<16xf32>,
      %get3A_525 = arith.index_cast %scan3A_46 : i32 to index
      %get3A_526 = arith.constant 768 : index
      %get3A_527 = tpu.vector_load %arg8[%get3A_525, %get3A_526] {strides = array<i32>} : memref<32x1024xf32, #tpu.memory_space<vmem>>, vector<16xf32>,
      %get3A_528 = arith.index_cast %scan3A_46 : i32 to index
      %get3A_529 = arith.constant 768 : index
      %get3A_530 = tpu.vector_load %arg9[%get3A_528, %get3A_529] {strides = array<i32>} : memref<32x1024xf32, #tpu.memory_space<vmem>>, vector<16xf32>,
      %add3A_531 = arith.addf %get3A_527, %get3A_530 : vector<16xf32>
      %swap3A_532 = arith.index_cast %scan3A_46 : i32 to index
      %swap3A_533 = arith.constant 768 : index
      %swap3A_534 = tpu.vector_load %arg8[%swap3A_532, %swap3A_533] {strides = array<i32>} : memref<32x1024xf32, #tpu.memory_space<vmem>>, vector<16xf32>,
      tpu.vector_store %arg8[%swap3A_532, %swap3A_533], %add3A_531 {strides = array<i32>} : memref<32x1024xf32, #tpu.memory_space<vmem>>, vector<16xf32>,
      %get3A_535 = arith.index_cast %scan3A_46 : i32 to index
      %get3A_536 = arith.constant 784 : index
      %get3A_537 = tpu.vector_load %arg8[%get3A_535, %get3A_536] {strides = array<i32>} : memref<32x1024xf32, #tpu.memory_space<vmem>>, vector<16xf32>,
      %get3A_538 = arith.index_cast %scan3A_46 : i32 to index
      %get3A_539 = arith.constant 784 : index
      %get3A_540 = tpu.vector_load %arg9[%get3A_538, %get3A_539] {strides = array<i32>} : memref<32x1024xf32, #tpu.memory_space<vmem>>, vector<16xf32>,
      %add3A_541 = arith.addf %get3A_537, %get3A_540 : vector<16xf32>
      %swap3A_542 = arith.index_cast %scan3A_46 : i32 to index
      %swap3A_543 = arith.constant 784 : index
      %swap3A_544 = tpu.vector_load %arg8[%swap3A_542, %swap3A_543] {strides = array<i32>} : memref<32x1024xf32, #tpu.memory_space<vmem>>, vector<16xf32>,
      tpu.vector_store %arg8[%swap3A_542, %swap3A_543], %add3A_541 {strides = array<i32>} : memref<32x1024xf32, #tpu.memory_space<vmem>>, vector<16xf32>,
      %get3A_545 = arith.index_cast %scan3A_46 : i32 to index
      %get3A_546 = arith.constant 800 : index
      %get3A_547 = tpu.vector_load %arg8[%get3A_545, %get3A_546] {strides = array<i32>} : memref<32x1024xf32, #tpu.memory_space<vmem>>, vector<16xf32>,
      %get3A_548 = arith.index_cast %scan3A_46 : i32 to index
      %get3A_549 = arith.constant 800 : index
      %get3A_550 = tpu.vector_load %arg9[%get3A_548, %get3A_549] {strides = array<i32>} : memref<32x1024xf32, #tpu.memory_space<vmem>>, vector<16xf32>,
      %add3A_551 = arith.addf %get3A_547, %get3A_550 : vector<16xf32>
      %swap3A_552 = arith.index_cast %scan3A_46 : i32 to index
      %swap3A_553 = arith.constant 800 : index
      %swap3A_554 = tpu.vector_load %arg8[%swap3A_552, %swap3A_553] {strides = array<i32>} : memref<32x1024xf32, #tpu.memory_space<vmem>>, vector<16xf32>,
      tpu.vector_store %arg8[%swap3A_552, %swap3A_553], %add3A_551 {strides = array<i32>} : memref<32x1024xf32, #tpu.memory_space<vmem>>, vector<16xf32>,
      %get3A_555 = arith.index_cast %scan3A_46 : i32 to index
      %get3A_556 = arith.constant 816 : index
      %get3A_557 = tpu.vector_load %arg8[%get3A_555, %get3A_556] {strides = array<i32>} : memref<32x1024xf32, #tpu.memory_space<vmem>>, vector<16xf32>,
      %get3A_558 = arith.index_cast %scan3A_46 : i32 to index
      %get3A_559 = arith.constant 816 : index
      %get3A_560 = tpu.vector_load %arg9[%get3A_558, %get3A_559] {strides = array<i32>} : memref<32x1024xf32, #tpu.memory_space<vmem>>, vector<16xf32>,
      %add3A_561 = arith.addf %get3A_557, %get3A_560 : vector<16xf32>
      %swap3A_562 = arith.index_cast %scan3A_46 : i32 to index
      %swap3A_563 = arith.constant 816 : index
      %swap3A_564 = tpu.vector_load %arg8[%swap3A_562, %swap3A_563] {strides = array<i32>} : memref<32x1024xf32, #tpu.memory_space<vmem>>, vector<16xf32>,
      tpu.vector_store %arg8[%swap3A_562, %swap3A_563], %add3A_561 {strides = array<i32>} : memref<32x1024xf32, #tpu.memory_space<vmem>>, vector<16xf32>,
      %get3A_565 = arith.index_cast %scan3A_46 : i32 to index
      %get3A_566 = arith.constant 832 : index
      %get3A_567 = tpu.vector_load %arg8[%get3A_565, %get3A_566] {strides = array<i32>} : memref<32x1024xf32, #tpu.memory_space<vmem>>, vector<16xf32>,
      %get3A_568 = arith.index_cast %scan3A_46 : i32 to index
      %get3A_569 = arith.constant 832 : index
      %get3A_570 = tpu.vector_load %arg9[%get3A_568, %get3A_569] {strides = array<i32>} : memref<32x1024xf32, #tpu.memory_space<vmem>>, vector<16xf32>,
      %add3A_571 = arith.addf %get3A_567, %get3A_570 : vector<16xf32>
      %swap3A_572 = arith.index_cast %scan3A_46 : i32 to index
      %swap3A_573 = arith.constant 832 : index
      %swap3A_574 = tpu.vector_load %arg8[%swap3A_572, %swap3A_573] {strides = array<i32>} : memref<32x1024xf32, #tpu.memory_space<vmem>>, vector<16xf32>,
      tpu.vector_store %arg8[%swap3A_572, %swap3A_573], %add3A_571 {strides = array<i32>} : memref<32x1024xf32, #tpu.memory_space<vmem>>, vector<16xf32>,
      %get3A_575 = arith.index_cast %scan3A_46 : i32 to index
      %get3A_576 = arith.constant 848 : index
      %get3A_577 = tpu.vector_load %arg8[%get3A_575, %get3A_576] {strides = array<i32>} : memref<32x1024xf32, #tpu.memory_space<vmem>>, vector<16xf32>,
      %get3A_578 = arith.index_cast %scan3A_46 : i32 to index
      %get3A_579 = arith.constant 848 : index
      %get3A_580 = tpu.vector_load %arg9[%get3A_578, %get3A_579] {strides = array<i32>} : memref<32x1024xf32, #tpu.memory_space<vmem>>, vector<16xf32>,
      %add3A_581 = arith.addf %get3A_577, %get3A_580 : vector<16xf32>
      %swap3A_582 = arith.index_cast %scan3A_46 : i32 to index
      %swap3A_583 = arith.constant 848 : index
      %swap3A_584 = tpu.vector_load %arg8[%swap3A_582, %swap3A_583] {strides = array<i32>} : memref<32x1024xf32, #tpu.memory_space<vmem>>, vector<16xf32>,
      tpu.vector_store %arg8[%swap3A_582, %swap3A_583], %add3A_581 {strides = array<i32>} : memref<32x1024xf32, #tpu.memory_space<vmem>>, vector<16xf32>,
      %get3A_585 = arith.index_cast %scan3A_46 : i32 to index
      %get3A_586 = arith.constant 864 : index
      %get3A_587 = tpu.vector_load %arg8[%get3A_585, %get3A_586] {strides = array<i32>} : memref<32x1024xf32, #tpu.memory_space<vmem>>, vector<16xf32>,
      %get3A_588 = arith.index_cast %scan3A_46 : i32 to index
      %get3A_589 = arith.constant 864 : index
      %get3A_590 = tpu.vector_load %arg9[%get3A_588, %get3A_589] {strides = array<i32>} : memref<32x1024xf32, #tpu.memory_space<vmem>>, vector<16xf32>,
      %add3A_591 = arith.addf %get3A_587, %get3A_590 : vector<16xf32>
      %swap3A_592 = arith.index_cast %scan3A_46 : i32 to index
      %swap3A_593 = arith.constant 864 : index
      %swap3A_594 = tpu.vector_load %arg8[%swap3A_592, %swap3A_593] {strides = array<i32>} : memref<32x1024xf32, #tpu.memory_space<vmem>>, vector<16xf32>,
      tpu.vector_store %arg8[%swap3A_592, %swap3A_593], %add3A_591 {strides = array<i32>} : memref<32x1024xf32, #tpu.memory_space<vmem>>, vector<16xf32>,
      %get3A_595 = arith.index_cast %scan3A_46 : i32 to index
      %get3A_596 = arith.constant 880 : index
      %get3A_597 = tpu.vector_load %arg8[%get3A_595, %get3A_596] {strides = array<i32>} : memref<32x1024xf32, #tpu.memory_space<vmem>>, vector<16xf32>,
      %get3A_598 = arith.index_cast %scan3A_46 : i32 to index
      %get3A_599 = arith.constant 880 : index
      %get3A_600 = tpu.vector_load %arg9[%get3A_598, %get3A_599] {strides = array<i32>} : memref<32x1024xf32, #tpu.memory_space<vmem>>, vector<16xf32>,
      %add3A_601 = arith.addf %get3A_597, %get3A_600 : vector<16xf32>
      %swap3A_602 = arith.index_cast %scan3A_46 : i32 to index
      %swap3A_603 = arith.constant 880 : index
      %swap3A_604 = tpu.vector_load %arg8[%swap3A_602, %swap3A_603] {strides = array<i32>} : memref<32x1024xf32, #tpu.memory_space<vmem>>, vector<16xf32>,
      tpu.vector_store %arg8[%swap3A_602, %swap3A_603], %add3A_601 {strides = array<i32>} : memref<32x1024xf32, #tpu.memory_space<vmem>>, vector<16xf32>,
      %get3A_605 = arith.index_cast %scan3A_46 : i32 to index
      %get3A_606 = arith.constant 896 : index
      %get3A_607 = tpu.vector_load %arg8[%get3A_605, %get3A_606] {strides = array<i32>} : memref<32x1024xf32, #tpu.memory_space<vmem>>, vector<16xf32>,
      %get3A_608 = arith.index_cast %scan3A_46 : i32 to index
      %get3A_609 = arith.constant 896 : index
      %get3A_610 = tpu.vector_load %arg9[%get3A_608, %get3A_609] {strides = array<i32>} : memref<32x1024xf32, #tpu.memory_space<vmem>>, vector<16xf32>,
      %add3A_611 = arith.addf %get3A_607, %get3A_610 : vector<16xf32>
      %swap3A_612 = arith.index_cast %scan3A_46 : i32 to index
      %swap3A_613 = arith.constant 896 : index
      %swap3A_614 = tpu.vector_load %arg8[%swap3A_612, %swap3A_613] {strides = array<i32>} : memref<32x1024xf32, #tpu.memory_space<vmem>>, vector<16xf32>,
      tpu.vector_store %arg8[%swap3A_612, %swap3A_613], %add3A_611 {strides = array<i32>} : memref<32x1024xf32, #tpu.memory_space<vmem>>, vector<16xf32>,
      %get3A_615 = arith.index_cast %scan3A_46 : i32 to index
      %get3A_616 = arith.constant 912 : index
      %get3A_617 = tpu.vector_load %arg8[%get3A_615, %get3A_616] {strides = array<i32>} : memref<32x1024xf32, #tpu.memory_space<vmem>>, vector<16xf32>,
      %get3A_618 = arith.index_cast %scan3A_46 : i32 to index
      %get3A_619 = arith.constant 912 : index
      %get3A_620 = tpu.vector_load %arg9[%get3A_618, %get3A_619] {strides = array<i32>} : memref<32x1024xf32, #tpu.memory_space<vmem>>, vector<16xf32>,
      %add3A_621 = arith.addf %get3A_617, %get3A_620 : vector<16xf32>
      %swap3A_622 = arith.index_cast %scan3A_46 : i32 to index
      %swap3A_623 = arith.constant 912 : index
      %swap3A_624 = tpu.vector_load %arg8[%swap3A_622, %swap3A_623] {strides = array<i32>} : memref<32x1024xf32, #tpu.memory_space<vmem>>, vector<16xf32>,
      tpu.vector_store %arg8[%swap3A_622, %swap3A_623], %add3A_621 {strides = array<i32>} : memref<32x1024xf32, #tpu.memory_space<vmem>>, vector<16xf32>,
      %get3A_625 = arith.index_cast %scan3A_46 : i32 to index
      %get3A_626 = arith.constant 928 : index
      %get3A_627 = tpu.vector_load %arg8[%get3A_625, %get3A_626] {strides = array<i32>} : memref<32x1024xf32, #tpu.memory_space<vmem>>, vector<16xf32>,
      %get3A_628 = arith.index_cast %scan3A_46 : i32 to index
      %get3A_629 = arith.constant 928 : index
      %get3A_630 = tpu.vector_load %arg9[%get3A_628, %get3A_629] {strides = array<i32>} : memref<32x1024xf32, #tpu.memory_space<vmem>>, vector<16xf32>,
      %add3A_631 = arith.addf %get3A_627, %get3A_630 : vector<16xf32>
      %swap3A_632 = arith.index_cast %scan3A_46 : i32 to index
      %swap3A_633 = arith.constant 928 : index
      %swap3A_634 = tpu.vector_load %arg8[%swap3A_632, %swap3A_633] {strides = array<i32>} : memref<32x1024xf32, #tpu.memory_space<vmem>>, vector<16xf32>,
      tpu.vector_store %arg8[%swap3A_632, %swap3A_633], %add3A_631 {strides = array<i32>} : memref<32x1024xf32, #tpu.memory_space<vmem>>, vector<16xf32>,
      %get3A_635 = arith.index_cast %scan3A_46 : i32 to index
      %get3A_636 = arith.constant 944 : index
      %get3A_637 = tpu.vector_load %arg8[%get3A_635, %get3A_636] {strides = array<i32>} : memref<32x1024xf32, #tpu.memory_space<vmem>>, vector<16xf32>,
      %get3A_638 = arith.index_cast %scan3A_46 : i32 to index
      %get3A_639 = arith.constant 944 : index
      %get3A_640 = tpu.vector_load %arg9[%get3A_638, %get3A_639] {strides = array<i32>} : memref<32x1024xf32, #tpu.memory_space<vmem>>, vector<16xf32>,
      %add3A_641 = arith.addf %get3A_637, %get3A_640 : vector<16xf32>
      %swap3A_642 = arith.index_cast %scan3A_46 : i32 to index
      %swap3A_643 = arith.constant 944 : index
      %swap3A_644 = tpu.vector_load %arg8[%swap3A_642, %swap3A_643] {strides = array<i32>} : memref<32x1024xf32, #tpu.memory_space<vmem>>, vector<16xf32>,
      tpu.vector_store %arg8[%swap3A_642, %swap3A_643], %add3A_641 {strides = array<i32>} : memref<32x1024xf32, #tpu.memory_space<vmem>>, vector<16xf32>,
      %get3A_645 = arith.index_cast %scan3A_46 : i32 to index
      %get3A_646 = arith.constant 960 : index
      %get3A_647 = tpu.vector_load %arg8[%get3A_645, %get3A_646] {strides = array<i32>} : memref<32x1024xf32, #tpu.memory_space<vmem>>, vector<16xf32>,
      %get3A_648 = arith.index_cast %scan3A_46 : i32 to index
      %get3A_649 = arith.constant 960 : index
      %get3A_650 = tpu.vector_load %arg9[%get3A_648, %get3A_649] {strides = array<i32>} : memref<32x1024xf32, #tpu.memory_space<vmem>>, vector<16xf32>,
      %add3A_651 = arith.addf %get3A_647, %get3A_650 : vector<16xf32>
      %swap3A_652 = arith.index_cast %scan3A_46 : i32 to index
      %swap3A_653 = arith.constant 960 : index
      %swap3A_654 = tpu.vector_load %arg8[%swap3A_652, %swap3A_653] {strides = array<i32>} : memref<32x1024xf32, #tpu.memory_space<vmem>>, vector<16xf32>,
      tpu.vector_store %arg8[%swap3A_652, %swap3A_653], %add3A_651 {strides = array<i32>} : memref<32x1024xf32, #tpu.memory_space<vmem>>, vector<16xf32>,
      %get3A_655 = arith.index_cast %scan3A_46 : i32 to index
      %get3A_656 = arith.constant 976 : index
      %get3A_657 = tpu.vector_load %arg8[%get3A_655, %get3A_656] {strides = array<i32>} : memref<32x1024xf32, #tpu.memory_space<vmem>>, vector<16xf32>,
      %get3A_658 = arith.index_cast %scan3A_46 : i32 to index
      %get3A_659 = arith.constant 976 : index
      %get3A_660 = tpu.vector_load %arg9[%get3A_658, %get3A_659] {strides = array<i32>} : memref<32x1024xf32, #tpu.memory_space<vmem>>, vector<16xf32>,
      %add3A_661 = arith.addf %get3A_657, %get3A_660 : vector<16xf32>
      %swap3A_662 = arith.index_cast %scan3A_46 : i32 to index
      %swap3A_663 = arith.constant 976 : index
      %swap3A_664 = tpu.vector_load %arg8[%swap3A_662, %swap3A_663] {strides = array<i32>} : memref<32x1024xf32, #tpu.memory_space<vmem>>, vector<16xf32>,
      tpu.vector_store %arg8[%swap3A_662, %swap3A_663], %add3A_661 {strides = array<i32>} : memref<32x1024xf32, #tpu.memory_space<vmem>>, vector<16xf32>,
      %get3A_665 = arith.index_cast %scan3A_46 : i32 to index
      %get3A_666 = arith.constant 992 : index
      %get3A_667 = tpu.vector_load %arg8[%get3A_665, %get3A_666] {strides = array<i32>} : memref<32x1024xf32, #tpu.memory_space<vmem>>, vector<16xf32>,
      %get3A_668 = arith.index_cast %scan3A_46 : i32 to index
      %get3A_669 = arith.constant 992 : index
      %get3A_670 = tpu.vector_load %arg9[%get3A_668, %get3A_669] {strides = array<i32>} : memref<32x1024xf32, #tpu.memory_space<vmem>>, vector<16xf32>,
      %add3A_671 = arith.addf %get3A_667, %get3A_670 : vector<16xf32>
      %swap3A_672 = arith.index_cast %scan3A_46 : i32 to index
      %swap3A_673 = arith.constant 992 : index
      %swap3A_674 = tpu.vector_load %arg8[%swap3A_672, %swap3A_673] {strides = array<i32>} : memref<32x1024xf32, #tpu.memory_space<vmem>>, vector<16xf32>,
      tpu.vector_store %arg8[%swap3A_672, %swap3A_673], %add3A_671 {strides = array<i32>} : memref<32x1024xf32, #tpu.memory_space<vmem>>, vector<16xf32>,
      %get3A_675 = arith.index_cast %scan3A_46 : i32 to index
      %get3A_676 = arith.constant 1008 : index
      %get3A_677 = tpu.vector_load %arg8[%get3A_675, %get3A_676] {strides = array<i32>} : memref<32x1024xf32, #tpu.memory_space<vmem>>, vector<16xf32>,
      %get3A_678 = arith.index_cast %scan3A_46 : i32 to index
      %get3A_679 = arith.constant 1008 : index
      %get3A_680 = tpu.vector_load %arg9[%get3A_678, %get3A_679] {strides = array<i32>} : memref<32x1024xf32, #tpu.memory_space<vmem>>, vector<16xf32>,
      %add3A_681 = arith.addf %get3A_677, %get3A_680 : vector<16xf32>
      %swap3A_682 = arith.index_cast %scan3A_46 : i32 to index
      %swap3A_683 = arith.constant 1008 : index
      %swap3A_684 = tpu.vector_load %arg8[%swap3A_682, %swap3A_683] {strides = array<i32>} : memref<32x1024xf32, #tpu.memory_space<vmem>>, vector<16xf32>,
      tpu.vector_store %arg8[%swap3A_682, %swap3A_683], %add3A_681 {strides = array<i32>} : memref<32x1024xf32, #tpu.memory_space<vmem>>, vector<16xf32>,
    }
    %scan3A_19 = arith.constant 32 : i32
    %mul3A_20 = arith.constant 32 : i32
    %mul3A_21 = arith.muli %add3A_4, %mul3A_20 : i32
    "tpu.region"() ({
      %run_scoped3A = tpu.sem_alloc : memref<!tpu.dma_semaphore, #tpu.memory_space<semaphore_mem>>
      %dma_start3A_46 = arith.constant 0 : i32
      %dma_start3A_47 = tpu.memref_slice %arg5[%mul3A_21, %dma_start3A_46] : memref<2048x1024xf32, #tpu.memory_space<hbm>> -> memref<32x1024xf32, #tpu.memory_space<hbm>>
      %dma_start3A_48 = arith.constant 0 : i32
      %dma_start3A_49 = tpu.memref_slice %arg5[%mul3A_21, %dma_start3A_48] : memref<2048x1024xf32, #tpu.memory_space<hbm>> -> memref<32x1024xf32, #tpu.memory_space<hbm>>
      tpu.enqueue_dma source(%arg8 : memref<32x1024xf32, #tpu.memory_space<vmem>>) target(%dma_start3A_49 : memref<32x1024xf32, #tpu.memory_space<hbm>>) target_semaphore(%run_scoped3A : memref<!tpu.dma_semaphore, #tpu.memory_space<semaphore_mem>>)
      %dma_wait3A_50 = arith.constant 0 : i32
      %dma_wait3A_51 = tpu.memref_slice %arg5[%mul3A_21, %dma_wait3A_50] : memref<2048x1024xf32, #tpu.memory_space<hbm>> -> memref<32x1024xf32, #tpu.memory_space<hbm>>
      %dma_wait3A_52 = arith.constant 0 : i32
      %dma_wait3A_53 = tpu.memref_slice %arg5[%mul3A_21, %dma_wait3A_52] : memref<2048x1024xf32, #tpu.memory_space<hbm>> -> memref<32x1024xf32, #tpu.memory_space<hbm>>
      tpu.wait_dma2 semaphore(%run_scoped3A : memref<!tpu.dma_semaphore, #tpu.memory_space<semaphore_mem>>) src(%arg8 : memref<32x1024xf32, #tpu.memory_space<vmem>>) dst(%dma_wait3A_53 : memref<32x1024xf32, #tpu.memory_space<hbm>>)
      tpu.yield
    }) : () -> ()
    %mul3A_22 = arith.constant 2 : i32
    %mul3A_23 = arith.muli %add3A, %mul3A_22 : i32
    %add3A_24 = arith.constant 1 : i32
    %add3A_25 = arith.addi %mul3A_23, %add3A_24 : i32
    "tpu.region"() ({
      %run_scoped3A = tpu.sem_alloc : memref<!tpu.dma_semaphore, #tpu.memory_space<semaphore_mem>>
      %dma_start3A_46 = arith.constant 0 : i32
      %dma_start3A_47 = tpu.memref_slice %arg2[%add3A_25, %dma_start3A_46] : memref<64x32xi32, #tpu.memory_space<hbm>> -> memref<1x32xi32, #tpu.memory_space<hbm>>
      %dma_start3A_48 = tpu.memref_squeeze %dma_start3A_47 : memref<1x32xi32, #tpu.memory_space<hbm>> -> memref<32xi32, #tpu.memory_space<hbm>>
      %dma_start3A_49 = arith.constant 0 : i32
      %dma_start3A_50 = tpu.memref_slice %arg2[%add3A_25, %dma_start3A_49] : memref<64x32xi32, #tpu.memory_space<hbm>> -> memref<1x32xi32, #tpu.memory_space<hbm>>
      %dma_start3A_51 = tpu.memref_squeeze %dma_start3A_50 : memref<1x32xi32, #tpu.memory_space<hbm>> -> memref<32xi32, #tpu.memory_space<hbm>>
      tpu.enqueue_dma source(%dma_start3A_51 : memref<32xi32, #tpu.memory_space<hbm>>) target(%arg6 : memref<32xi32, #tpu.memory_space<vmem>>) target_semaphore(%run_scoped3A : memref<!tpu.dma_semaphore, #tpu.memory_space<semaphore_mem>>)
      %dma_wait3A_52 = arith.constant 0 : i32
      %dma_wait3A_53 = tpu.memref_slice %arg2[%add3A_25, %dma_wait3A_52] : memref<64x32xi32, #tpu.memory_space<hbm>> -> memref<1x32xi32, #tpu.memory_space<hbm>>
      %dma_wait3A_54 = tpu.memref_squeeze %dma_wait3A_53 : memref<1x32xi32, #tpu.memory_space<hbm>> -> memref<32xi32, #tpu.memory_space<hbm>>
      %dma_wait3A_55 = arith.constant 0 : i32
      %dma_wait3A_56 = tpu.memref_slice %arg2[%add3A_25, %dma_wait3A_55] : memref<64x32xi32, #tpu.memory_space<hbm>> -> memref<1x32xi32, #tpu.memory_space<hbm>>
      %dma_wait3A_57 = tpu.memref_squeeze %dma_wait3A_56 : memref<1x32xi32, #tpu.memory_space<hbm>> -> memref<32xi32, #tpu.memory_space<hbm>>
      tpu.wait_dma2 semaphore(%run_scoped3A : memref<!tpu.dma_semaphore, #tpu.memory_space<semaphore_mem>>) src(%dma_wait3A_57 : memref<32xi32, #tpu.memory_space<hbm>>) dst(%arg6 : memref<32xi32, #tpu.memory_space<vmem>>)
      tpu.yield
    }) : () -> ()
    "tpu.region"() ({
      %run_scoped3A = tpu.sem_alloc : memref<!tpu.dma_semaphore, #tpu.memory_space<semaphore_mem>>
      %dma_start3A_46 = arith.constant 0 : i32
      %dma_start3A_47 = tpu.memref_slice %arg3[%add3A_25, %dma_start3A_46] : memref<64x32xi32, #tpu.memory_space<hbm>> -> memref<1x32xi32, #tpu.memory_space<hbm>>
      %dma_start3A_48 = tpu.memref_squeeze %dma_start3A_47 : memref<1x32xi32, #tpu.memory_space<hbm>> -> memref<32xi32, #tpu.memory_space<hbm>>
      %dma_start3A_49 = arith.constant 0 : i32
      %dma_start3A_50 = tpu.memref_slice %arg3[%add3A_25, %dma_start3A_49] : memref<64x32xi32, #tpu.memory_space<hbm>> -> memref<1x32xi32, #tpu.memory_space<hbm>>
      %dma_start3A_51 = tpu.memref_squeeze %dma_start3A_50 : memref<1x32xi32, #tpu.memory_space<hbm>> -> memref<32xi32, #tpu.memory_space<hbm>>
      tpu.enqueue_dma source(%dma_start3A_51 : memref<32xi32, #tpu.memory_space<hbm>>) target(%arg7 : memref<32xi32, #tpu.memory_space<vmem>>) target_semaphore(%run_scoped3A : memref<!tpu.dma_semaphore, #tpu.memory_space<semaphore_mem>>)
      %dma_wait3A_52 = arith.constant 0 : i32
      %dma_wait3A_53 = tpu.memref_slice %arg3[%add3A_25, %dma_wait3A_52] : memref<64x32xi32, #tpu.memory_space<hbm>> -> memref<1x32xi32, #tpu.memory_space<hbm>>
      %dma_wait3A_54 = tpu.memref_squeeze %dma_wait3A_53 : memref<1x32xi32, #tpu.memory_space<hbm>> -> memref<32xi32, #tpu.memory_space<hbm>>
      %dma_wait3A_55 = arith.constant 0 : i32
      %dma_wait3A_56 = tpu.memref_slice %arg3[%add3A_25, %dma_wait3A_55] : memref<64x32xi32, #tpu.memory_space<hbm>> -> memref<1x32xi32, #tpu.memory_space<hbm>>
      %dma_wait3A_57 = tpu.memref_squeeze %dma_wait3A_56 : memref<1x32xi32, #tpu.memory_space<hbm>> -> memref<32xi32, #tpu.memory_space<hbm>>
      tpu.wait_dma2 semaphore(%run_scoped3A : memref<!tpu.dma_semaphore, #tpu.memory_space<semaphore_mem>>) src(%dma_wait3A_57 : memref<32xi32, #tpu.memory_space<hbm>>) dst(%arg7 : memref<32xi32, #tpu.memory_space<vmem>>)
      tpu.yield
    }) : () -> ()
    %dma_start3A_26 = arith.constant 0 : i32
    %dma_start3A_27 = arith.constant 0 : i32
    %dma_start3A_28 = tpu.memref_slice %arg4[%dma_start3A_26, %dma_start3A_27] : memref<6144x1024xf32, #tpu.memory_space<hbm>> -> memref<6144x1024xf32, #tpu.memory_space<hbm>>
    tpu.enqueue_indirect_dma source(%dma_start3A_28 : memref<6144x1024xf32, #tpu.memory_space<hbm>>) target(%arg8 : memref<32x1024xf32, #tpu.memory_space<vmem>>) offsets(%arg6 : memref<32xi32, #tpu.memory_space<vmem>>) semaphore(%arg10 : memref<!tpu.dma_semaphore, #tpu.memory_space<semaphore_mem>>)
    %dma_start3A_29 = arith.constant 0 : i32
    %dma_start3A_30 = arith.constant 0 : i32
    %dma_start3A_31 = tpu.memref_slice %arg4[%dma_start3A_29, %dma_start3A_30] : memref<6144x1024xf32, #tpu.memory_space<hbm>> -> memref<6144x1024xf32, #tpu.memory_space<hbm>>
    tpu.enqueue_indirect_dma source(%dma_start3A_31 : memref<6144x1024xf32, #tpu.memory_space<hbm>>) target(%arg9 : memref<32x1024xf32, #tpu.memory_space<vmem>>) offsets(%arg7 : memref<32xi32, #tpu.memory_space<vmem>>) semaphore(%arg11 : memref<!tpu.dma_semaphore, #tpu.memory_space<semaphore_mem>>)
    %dma_wait3A_32 = arith.constant 0 : i32
    %dma_wait3A_33 = arith.constant 0 : i32
    %dma_wait3A_34 = tpu.memref_slice %arg4[%dma_wait3A_32, %dma_wait3A_33] : memref<6144x1024xf32, #tpu.memory_space<hbm>> -> memref<6144x1024xf32, #tpu.memory_space<hbm>>
    tpu.wait_indirect_dma semaphore(%arg10 : memref<!tpu.dma_semaphore, #tpu.memory_space<semaphore_mem>>) src(%dma_wait3A_34 : memref<6144x1024xf32, #tpu.memory_space<hbm>>) dst(%arg8 : memref<32x1024xf32, #tpu.memory_space<vmem>>)
    %dma_wait3A_35 = arith.constant 0 : i32
    %dma_wait3A_36 = arith.constant 0 : i32
    %dma_wait3A_37 = tpu.memref_slice %arg4[%dma_wait3A_35, %dma_wait3A_36] : memref<6144x1024xf32, #tpu.memory_space<hbm>> -> memref<6144x1024xf32, #tpu.memory_space<hbm>>
    tpu.wait_indirect_dma semaphore(%arg11 : memref<!tpu.dma_semaphore, #tpu.memory_space<semaphore_mem>>) src(%dma_wait3A_37 : memref<6144x1024xf32, #tpu.memory_space<hbm>>) dst(%arg9 : memref<32x1024xf32, #tpu.memory_space<vmem>>)
    %scan3A_38 = arith.constant 0 : i32
    %scan3A_39 = arith.constant 0 : i32
    %scan3A_40 = arith.constant 32 : i32
    %scan3A_41 = arith.addi %scan3A_39, %scan3A_40 : i32
    %scan3A_42 = arith.constant 1 : i32
    scf.for %scan3A_46 = %scan3A_39 to %scan3A_41 step %scan3A_42  : i32 {
      %get3A = arith.index_cast %scan3A_46 : i32 to index
      %get3A_47 = arith.constant 0 : index
      %get3A_48 = tpu.vector_load %arg8[%get3A, %get3A_47] {strides = array<i32>} : memref<32x1024xf32, #tpu.memory_space<vmem>>, vector<16xf32>,
      %get3A_49 = arith.index_cast %scan3A_46 : i32 to index
      %get3A_50 = arith.constant 0 : index
      %get3A_51 = tpu.vector_load %arg9[%get3A_49, %get3A_50] {strides = array<i32>} : memref<32x1024xf32, #tpu.memory_space<vmem>>, vector<16xf32>,
      %add3A_52 = arith.addf %get3A_48, %get3A_51 : vector<16xf32>
      %swap3A = arith.index_cast %scan3A_46 : i32 to index
      %swap3A_53 = arith.constant 0 : index
      %swap3A_54 = tpu.vector_load %arg8[%swap3A, %swap3A_53] {strides = array<i32>} : memref<32x1024xf32, #tpu.memory_space<vmem>>, vector<16xf32>,
      tpu.vector_store %arg8[%swap3A, %swap3A_53], %add3A_52 {strides = array<i32>} : memref<32x1024xf32, #tpu.memory_space<vmem>>, vector<16xf32>,
      %get3A_55 = arith.index_cast %scan3A_46 : i32 to index
      %get3A_56 = arith.constant 16 : index
      %get3A_57 = tpu.vector_load %arg8[%get3A_55, %get3A_56] {strides = array<i32>} : memref<32x1024xf32, #tpu.memory_space<vmem>>, vector<16xf32>,
      %get3A_58 = arith.index_cast %scan3A_46 : i32 to index
      %get3A_59 = arith.constant 16 : index
      %get3A_60 = tpu.vector_load %arg9[%get3A_58, %get3A_59] {strides = array<i32>} : memref<32x1024xf32, #tpu.memory_space<vmem>>, vector<16xf32>,
      %add3A_61 = arith.addf %get3A_57, %get3A_60 : vector<16xf32>
      %swap3A_62 = arith.index_cast %scan3A_46 : i32 to index
      %swap3A_63 = arith.constant 16 : index
      %swap3A_64 = tpu.vector_load %arg8[%swap3A_62, %swap3A_63] {strides = array<i32>} : memref<32x1024xf32, #tpu.memory_space<vmem>>, vector<16xf32>,
      tpu.vector_store %arg8[%swap3A_62, %swap3A_63], %add3A_61 {strides = array<i32>} : memref<32x1024xf32, #tpu.memory_space<vmem>>, vector<16xf32>,
      %get3A_65 = arith.index_cast %scan3A_46 : i32 to index
      %get3A_66 = arith.constant 32 : index
      %get3A_67 = tpu.vector_load %arg8[%get3A_65, %get3A_66] {strides = array<i32>} : memref<32x1024xf32, #tpu.memory_space<vmem>>, vector<16xf32>,
      %get3A_68 = arith.index_cast %scan3A_46 : i32 to index
      %get3A_69 = arith.constant 32 : index
      %get3A_70 = tpu.vector_load %arg9[%get3A_68, %get3A_69] {strides = array<i32>} : memref<32x1024xf32, #tpu.memory_space<vmem>>, vector<16xf32>,
      %add3A_71 = arith.addf %get3A_67, %get3A_70 : vector<16xf32>
      %swap3A_72 = arith.index_cast %scan3A_46 : i32 to index
      %swap3A_73 = arith.constant 32 : index
      %swap3A_74 = tpu.vector_load %arg8[%swap3A_72, %swap3A_73] {strides = array<i32>} : memref<32x1024xf32, #tpu.memory_space<vmem>>, vector<16xf32>,
      tpu.vector_store %arg8[%swap3A_72, %swap3A_73], %add3A_71 {strides = array<i32>} : memref<32x1024xf32, #tpu.memory_space<vmem>>, vector<16xf32>,
      %get3A_75 = arith.index_cast %scan3A_46 : i32 to index
      %get3A_76 = arith.constant 48 : index
      %get3A_77 = tpu.vector_load %arg8[%get3A_75, %get3A_76] {strides = array<i32>} : memref<32x1024xf32, #tpu.memory_space<vmem>>, vector<16xf32>,
      %get3A_78 = arith.index_cast %scan3A_46 : i32 to index
      %get3A_79 = arith.constant 48 : index
      %get3A_80 = tpu.vector_load %arg9[%get3A_78, %get3A_79] {strides = array<i32>} : memref<32x1024xf32, #tpu.memory_space<vmem>>, vector<16xf32>,
      %add3A_81 = arith.addf %get3A_77, %get3A_80 : vector<16xf32>
      %swap3A_82 = arith.index_cast %scan3A_46 : i32 to index
      %swap3A_83 = arith.constant 48 : index
      %swap3A_84 = tpu.vector_load %arg8[%swap3A_82, %swap3A_83] {strides = array<i32>} : memref<32x1024xf32, #tpu.memory_space<vmem>>, vector<16xf32>,
      tpu.vector_store %arg8[%swap3A_82, %swap3A_83], %add3A_81 {strides = array<i32>} : memref<32x1024xf32, #tpu.memory_space<vmem>>, vector<16xf32>,
      %get3A_85 = arith.index_cast %scan3A_46 : i32 to index
      %get3A_86 = arith.constant 64 : index
      %get3A_87 = tpu.vector_load %arg8[%get3A_85, %get3A_86] {strides = array<i32>} : memref<32x1024xf32, #tpu.memory_space<vmem>>, vector<16xf32>,
      %get3A_88 = arith.index_cast %scan3A_46 : i32 to index
      %get3A_89 = arith.constant 64 : index
      %get3A_90 = tpu.vector_load %arg9[%get3A_88, %get3A_89] {strides = array<i32>} : memref<32x1024xf32, #tpu.memory_space<vmem>>, vector<16xf32>,
      %add3A_91 = arith.addf %get3A_87, %get3A_90 : vector<16xf32>
      %swap3A_92 = arith.index_cast %scan3A_46 : i32 to index
      %swap3A_93 = arith.constant 64 : index
      %swap3A_94 = tpu.vector_load %arg8[%swap3A_92, %swap3A_93] {strides = array<i32>} : memref<32x1024xf32, #tpu.memory_space<vmem>>, vector<16xf32>,
      tpu.vector_store %arg8[%swap3A_92, %swap3A_93], %add3A_91 {strides = array<i32>} : memref<32x1024xf32, #tpu.memory_space<vmem>>, vector<16xf32>,
      %get3A_95 = arith.index_cast %scan3A_46 : i32 to index
      %get3A_96 = arith.constant 80 : index
      %get3A_97 = tpu.vector_load %arg8[%get3A_95, %get3A_96] {strides = array<i32>} : memref<32x1024xf32, #tpu.memory_space<vmem>>, vector<16xf32>,
      %get3A_98 = arith.index_cast %scan3A_46 : i32 to index
      %get3A_99 = arith.constant 80 : index
      %get3A_100 = tpu.vector_load %arg9[%get3A_98, %get3A_99] {strides = array<i32>} : memref<32x1024xf32, #tpu.memory_space<vmem>>, vector<16xf32>,
      %add3A_101 = arith.addf %get3A_97, %get3A_100 : vector<16xf32>
      %swap3A_102 = arith.index_cast %scan3A_46 : i32 to index
      %swap3A_103 = arith.constant 80 : index
      %swap3A_104 = tpu.vector_load %arg8[%swap3A_102, %swap3A_103] {strides = array<i32>} : memref<32x1024xf32, #tpu.memory_space<vmem>>, vector<16xf32>,
      tpu.vector_store %arg8[%swap3A_102, %swap3A_103], %add3A_101 {strides = array<i32>} : memref<32x1024xf32, #tpu.memory_space<vmem>>, vector<16xf32>,
      %get3A_105 = arith.index_cast %scan3A_46 : i32 to index
      %get3A_106 = arith.constant 96 : index
      %get3A_107 = tpu.vector_load %arg8[%get3A_105, %get3A_106] {strides = array<i32>} : memref<32x1024xf32, #tpu.memory_space<vmem>>, vector<16xf32>,
      %get3A_108 = arith.index_cast %scan3A_46 : i32 to index
      %get3A_109 = arith.constant 96 : index
      %get3A_110 = tpu.vector_load %arg9[%get3A_108, %get3A_109] {strides = array<i32>} : memref<32x1024xf32, #tpu.memory_space<vmem>>, vector<16xf32>,
      %add3A_111 = arith.addf %get3A_107, %get3A_110 : vector<16xf32>
      %swap3A_112 = arith.index_cast %scan3A_46 : i32 to index
      %swap3A_113 = arith.constant 96 : index
      %swap3A_114 = tpu.vector_load %arg8[%swap3A_112, %swap3A_113] {strides = array<i32>} : memref<32x1024xf32, #tpu.memory_space<vmem>>, vector<16xf32>,
      tpu.vector_store %arg8[%swap3A_112, %swap3A_113], %add3A_111 {strides = array<i32>} : memref<32x1024xf32, #tpu.memory_space<vmem>>, vector<16xf32>,
      %get3A_115 = arith.index_cast %scan3A_46 : i32 to index
      %get3A_116 = arith.constant 112 : index
      %get3A_117 = tpu.vector_load %arg8[%get3A_115, %get3A_116] {strides = array<i32>} : memref<32x1024xf32, #tpu.memory_space<vmem>>, vector<16xf32>,
      %get3A_118 = arith.index_cast %scan3A_46 : i32 to index
      %get3A_119 = arith.constant 112 : index
      %get3A_120 = tpu.vector_load %arg9[%get3A_118, %get3A_119] {strides = array<i32>} : memref<32x1024xf32, #tpu.memory_space<vmem>>, vector<16xf32>,
      %add3A_121 = arith.addf %get3A_117, %get3A_120 : vector<16xf32>
      %swap3A_122 = arith.index_cast %scan3A_46 : i32 to index
      %swap3A_123 = arith.constant 112 : index
      %swap3A_124 = tpu.vector_load %arg8[%swap3A_122, %swap3A_123] {strides = array<i32>} : memref<32x1024xf32, #tpu.memory_space<vmem>>, vector<16xf32>,
      tpu.vector_store %arg8[%swap3A_122, %swap3A_123], %add3A_121 {strides = array<i32>} : memref<32x1024xf32, #tpu.memory_space<vmem>>, vector<16xf32>,
      %get3A_125 = arith.index_cast %scan3A_46 : i32 to index
      %get3A_126 = arith.constant 128 : index
      %get3A_127 = tpu.vector_load %arg8[%get3A_125, %get3A_126] {strides = array<i32>} : memref<32x1024xf32, #tpu.memory_space<vmem>>, vector<16xf32>,
      %get3A_128 = arith.index_cast %scan3A_46 : i32 to index
      %get3A_129 = arith.constant 128 : index
      %get3A_130 = tpu.vector_load %arg9[%get3A_128, %get3A_129] {strides = array<i32>} : memref<32x1024xf32, #tpu.memory_space<vmem>>, vector<16xf32>,
      %add3A_131 = arith.addf %get3A_127, %get3A_130 : vector<16xf32>
      %swap3A_132 = arith.index_cast %scan3A_46 : i32 to index
      %swap3A_133 = arith.constant 128 : index
      %swap3A_134 = tpu.vector_load %arg8[%swap3A_132, %swap3A_133] {strides = array<i32>} : memref<32x1024xf32, #tpu.memory_space<vmem>>, vector<16xf32>,
      tpu.vector_store %arg8[%swap3A_132, %swap3A_133], %add3A_131 {strides = array<i32>} : memref<32x1024xf32, #tpu.memory_space<vmem>>, vector<16xf32>,
      %get3A_135 = arith.index_cast %scan3A_46 : i32 to index
      %get3A_136 = arith.constant 144 : index
      %get3A_137 = tpu.vector_load %arg8[%get3A_135, %get3A_136] {strides = array<i32>} : memref<32x1024xf32, #tpu.memory_space<vmem>>, vector<16xf32>,
      %get3A_138 = arith.index_cast %scan3A_46 : i32 to index
      %get3A_139 = arith.constant 144 : index
      %get3A_140 = tpu.vector_load %arg9[%get3A_138, %get3A_139] {strides = array<i32>} : memref<32x1024xf32, #tpu.memory_space<vmem>>, vector<16xf32>,
      %add3A_141 = arith.addf %get3A_137, %get3A_140 : vector<16xf32>
      %swap3A_142 = arith.index_cast %scan3A_46 : i32 to index
      %swap3A_143 = arith.constant 144 : index
      %swap3A_144 = tpu.vector_load %arg8[%swap3A_142, %swap3A_143] {strides = array<i32>} : memref<32x1024xf32, #tpu.memory_space<vmem>>, vector<16xf32>,
      tpu.vector_store %arg8[%swap3A_142, %swap3A_143], %add3A_141 {strides = array<i32>} : memref<32x1024xf32, #tpu.memory_space<vmem>>, vector<16xf32>,
      %get3A_145 = arith.index_cast %scan3A_46 : i32 to index
      %get3A_146 = arith.constant 160 : index
      %get3A_147 = tpu.vector_load %arg8[%get3A_145, %get3A_146] {strides = array<i32>} : memref<32x1024xf32, #tpu.memory_space<vmem>>, vector<16xf32>,
      %get3A_148 = arith.index_cast %scan3A_46 : i32 to index
      %get3A_149 = arith.constant 160 : index
      %get3A_150 = tpu.vector_load %arg9[%get3A_148, %get3A_149] {strides = array<i32>} : memref<32x1024xf32, #tpu.memory_space<vmem>>, vector<16xf32>,
      %add3A_151 = arith.addf %get3A_147, %get3A_150 : vector<16xf32>
      %swap3A_152 = arith.index_cast %scan3A_46 : i32 to index
      %swap3A_153 = arith.constant 160 : index
      %swap3A_154 = tpu.vector_load %arg8[%swap3A_152, %swap3A_153] {strides = array<i32>} : memref<32x1024xf32, #tpu.memory_space<vmem>>, vector<16xf32>,
      tpu.vector_store %arg8[%swap3A_152, %swap3A_153], %add3A_151 {strides = array<i32>} : memref<32x1024xf32, #tpu.memory_space<vmem>>, vector<16xf32>,
      %get3A_155 = arith.index_cast %scan3A_46 : i32 to index
      %get3A_156 = arith.constant 176 : index
      %get3A_157 = tpu.vector_load %arg8[%get3A_155, %get3A_156] {strides = array<i32>} : memref<32x1024xf32, #tpu.memory_space<vmem>>, vector<16xf32>,
      %get3A_158 = arith.index_cast %scan3A_46 : i32 to index
      %get3A_159 = arith.constant 176 : index
      %get3A_160 = tpu.vector_load %arg9[%get3A_158, %get3A_159] {strides = array<i32>} : memref<32x1024xf32, #tpu.memory_space<vmem>>, vector<16xf32>,
      %add3A_161 = arith.addf %get3A_157, %get3A_160 : vector<16xf32>
      %swap3A_162 = arith.index_cast %scan3A_46 : i32 to index
      %swap3A_163 = arith.constant 176 : index
      %swap3A_164 = tpu.vector_load %arg8[%swap3A_162, %swap3A_163] {strides = array<i32>} : memref<32x1024xf32, #tpu.memory_space<vmem>>, vector<16xf32>,
      tpu.vector_store %arg8[%swap3A_162, %swap3A_163], %add3A_161 {strides = array<i32>} : memref<32x1024xf32, #tpu.memory_space<vmem>>, vector<16xf32>,
      %get3A_165 = arith.index_cast %scan3A_46 : i32 to index
      %get3A_166 = arith.constant 192 : index
      %get3A_167 = tpu.vector_load %arg8[%get3A_165, %get3A_166] {strides = array<i32>} : memref<32x1024xf32, #tpu.memory_space<vmem>>, vector<16xf32>,
      %get3A_168 = arith.index_cast %scan3A_46 : i32 to index
      %get3A_169 = arith.constant 192 : index
      %get3A_170 = tpu.vector_load %arg9[%get3A_168, %get3A_169] {strides = array<i32>} : memref<32x1024xf32, #tpu.memory_space<vmem>>, vector<16xf32>,
      %add3A_171 = arith.addf %get3A_167, %get3A_170 : vector<16xf32>
      %swap3A_172 = arith.index_cast %scan3A_46 : i32 to index
      %swap3A_173 = arith.constant 192 : index
      %swap3A_174 = tpu.vector_load %arg8[%swap3A_172, %swap3A_173] {strides = array<i32>} : memref<32x1024xf32, #tpu.memory_space<vmem>>, vector<16xf32>,
      tpu.vector_store %arg8[%swap3A_172, %swap3A_173], %add3A_171 {strides = array<i32>} : memref<32x1024xf32, #tpu.memory_space<vmem>>, vector<16xf32>,
      %get3A_175 = arith.index_cast %scan3A_46 : i32 to index
      %get3A_176 = arith.constant 208 : index
      %get3A_177 = tpu.vector_load %arg8[%get3A_175, %get3A_176] {strides = array<i32>} : memref<32x1024xf32, #tpu.memory_space<vmem>>, vector<16xf32>,
      %get3A_178 = arith.index_cast %scan3A_46 : i32 to index
      %get3A_179 = arith.constant 208 : index
      %get3A_180 = tpu.vector_load %arg9[%get3A_178, %get3A_179] {strides = array<i32>} : memref<32x1024xf32, #tpu.memory_space<vmem>>, vector<16xf32>,
      %add3A_181 = arith.addf %get3A_177, %get3A_180 : vector<16xf32>
      %swap3A_182 = arith.index_cast %scan3A_46 : i32 to index
      %swap3A_183 = arith.constant 208 : index
      %swap3A_184 = tpu.vector_load %arg8[%swap3A_182, %swap3A_183] {strides = array<i32>} : memref<32x1024xf32, #tpu.memory_space<vmem>>, vector<16xf32>,
      tpu.vector_store %arg8[%swap3A_182, %swap3A_183], %add3A_181 {strides = array<i32>} : memref<32x1024xf32, #tpu.memory_space<vmem>>, vector<16xf32>,
      %get3A_185 = arith.index_cast %scan3A_46 : i32 to index
      %get3A_186 = arith.constant 224 : index
      %get3A_187 = tpu.vector_load %arg8[%get3A_185, %get3A_186] {strides = array<i32>} : memref<32x1024xf32, #tpu.memory_space<vmem>>, vector<16xf32>,
      %get3A_188 = arith.index_cast %scan3A_46 : i32 to index
      %get3A_189 = arith.constant 224 : index
      %get3A_190 = tpu.vector_load %arg9[%get3A_188, %get3A_189] {strides = array<i32>} : memref<32x1024xf32, #tpu.memory_space<vmem>>, vector<16xf32>,
      %add3A_191 = arith.addf %get3A_187, %get3A_190 : vector<16xf32>
      %swap3A_192 = arith.index_cast %scan3A_46 : i32 to index
      %swap3A_193 = arith.constant 224 : index
      %swap3A_194 = tpu.vector_load %arg8[%swap3A_192, %swap3A_193] {strides = array<i32>} : memref<32x1024xf32, #tpu.memory_space<vmem>>, vector<16xf32>,
      tpu.vector_store %arg8[%swap3A_192, %swap3A_193], %add3A_191 {strides = array<i32>} : memref<32x1024xf32, #tpu.memory_space<vmem>>, vector<16xf32>,
      %get3A_195 = arith.index_cast %scan3A_46 : i32 to index
      %get3A_196 = arith.constant 240 : index
      %get3A_197 = tpu.vector_load %arg8[%get3A_195, %get3A_196] {strides = array<i32>} : memref<32x1024xf32, #tpu.memory_space<vmem>>, vector<16xf32>,
      %get3A_198 = arith.index_cast %scan3A_46 : i32 to index
      %get3A_199 = arith.constant 240 : index
      %get3A_200 = tpu.vector_load %arg9[%get3A_198, %get3A_199] {strides = array<i32>} : memref<32x1024xf32, #tpu.memory_space<vmem>>, vector<16xf32>,
      %add3A_201 = arith.addf %get3A_197, %get3A_200 : vector<16xf32>
      %swap3A_202 = arith.index_cast %scan3A_46 : i32 to index
      %swap3A_203 = arith.constant 240 : index
      %swap3A_204 = tpu.vector_load %arg8[%swap3A_202, %swap3A_203] {strides = array<i32>} : memref<32x1024xf32, #tpu.memory_space<vmem>>, vector<16xf32>,
      tpu.vector_store %arg8[%swap3A_202, %swap3A_203], %add3A_201 {strides = array<i32>} : memref<32x1024xf32, #tpu.memory_space<vmem>>, vector<16xf32>,
      %get3A_205 = arith.index_cast %scan3A_46 : i32 to index
      %get3A_206 = arith.constant 256 : index
      %get3A_207 = tpu.vector_load %arg8[%get3A_205, %get3A_206] {strides = array<i32>} : memref<32x1024xf32, #tpu.memory_space<vmem>>, vector<16xf32>,
      %get3A_208 = arith.index_cast %scan3A_46 : i32 to index
      %get3A_209 = arith.constant 256 : index
      %get3A_210 = tpu.vector_load %arg9[%get3A_208, %get3A_209] {strides = array<i32>} : memref<32x1024xf32, #tpu.memory_space<vmem>>, vector<16xf32>,
      %add3A_211 = arith.addf %get3A_207, %get3A_210 : vector<16xf32>
      %swap3A_212 = arith.index_cast %scan3A_46 : i32 to index
      %swap3A_213 = arith.constant 256 : index
      %swap3A_214 = tpu.vector_load %arg8[%swap3A_212, %swap3A_213] {strides = array<i32>} : memref<32x1024xf32, #tpu.memory_space<vmem>>, vector<16xf32>,
      tpu.vector_store %arg8[%swap3A_212, %swap3A_213], %add3A_211 {strides = array<i32>} : memref<32x1024xf32, #tpu.memory_space<vmem>>, vector<16xf32>,
      %get3A_215 = arith.index_cast %scan3A_46 : i32 to index
      %get3A_216 = arith.constant 272 : index
      %get3A_217 = tpu.vector_load %arg8[%get3A_215, %get3A_216] {strides = array<i32>} : memref<32x1024xf32, #tpu.memory_space<vmem>>, vector<16xf32>,
      %get3A_218 = arith.index_cast %scan3A_46 : i32 to index
      %get3A_219 = arith.constant 272 : index
      %get3A_220 = tpu.vector_load %arg9[%get3A_218, %get3A_219] {strides = array<i32>} : memref<32x1024xf32, #tpu.memory_space<vmem>>, vector<16xf32>,
      %add3A_221 = arith.addf %get3A_217, %get3A_220 : vector<16xf32>
      %swap3A_222 = arith.index_cast %scan3A_46 : i32 to index
      %swap3A_223 = arith.constant 272 : index
      %swap3A_224 = tpu.vector_load %arg8[%swap3A_222, %swap3A_223] {strides = array<i32>} : memref<32x1024xf32, #tpu.memory_space<vmem>>, vector<16xf32>,
      tpu.vector_store %arg8[%swap3A_222, %swap3A_223], %add3A_221 {strides = array<i32>} : memref<32x1024xf32, #tpu.memory_space<vmem>>, vector<16xf32>,
      %get3A_225 = arith.index_cast %scan3A_46 : i32 to index
      %get3A_226 = arith.constant 288 : index
      %get3A_227 = tpu.vector_load %arg8[%get3A_225, %get3A_226] {strides = array<i32>} : memref<32x1024xf32, #tpu.memory_space<vmem>>, vector<16xf32>,
      %get3A_228 = arith.index_cast %scan3A_46 : i32 to index
      %get3A_229 = arith.constant 288 : index
      %get3A_230 = tpu.vector_load %arg9[%get3A_228, %get3A_229] {strides = array<i32>} : memref<32x1024xf32, #tpu.memory_space<vmem>>, vector<16xf32>,
      %add3A_231 = arith.addf %get3A_227, %get3A_230 : vector<16xf32>
      %swap3A_232 = arith.index_cast %scan3A_46 : i32 to index
      %swap3A_233 = arith.constant 288 : index
      %swap3A_234 = tpu.vector_load %arg8[%swap3A_232, %swap3A_233] {strides = array<i32>} : memref<32x1024xf32, #tpu.memory_space<vmem>>, vector<16xf32>,
      tpu.vector_store %arg8[%swap3A_232, %swap3A_233], %add3A_231 {strides = array<i32>} : memref<32x1024xf32, #tpu.memory_space<vmem>>, vector<16xf32>,
      %get3A_235 = arith.index_cast %scan3A_46 : i32 to index
      %get3A_236 = arith.constant 304 : index
      %get3A_237 = tpu.vector_load %arg8[%get3A_235, %get3A_236] {strides = array<i32>} : memref<32x1024xf32, #tpu.memory_space<vmem>>, vector<16xf32>,
      %get3A_238 = arith.index_cast %scan3A_46 : i32 to index
      %get3A_239 = arith.constant 304 : index
      %get3A_240 = tpu.vector_load %arg9[%get3A_238, %get3A_239] {strides = array<i32>} : memref<32x1024xf32, #tpu.memory_space<vmem>>, vector<16xf32>,
      %add3A_241 = arith.addf %get3A_237, %get3A_240 : vector<16xf32>
      %swap3A_242 = arith.index_cast %scan3A_46 : i32 to index
      %swap3A_243 = arith.constant 304 : index
      %swap3A_244 = tpu.vector_load %arg8[%swap3A_242, %swap3A_243] {strides = array<i32>} : memref<32x1024xf32, #tpu.memory_space<vmem>>, vector<16xf32>,
      tpu.vector_store %arg8[%swap3A_242, %swap3A_243], %add3A_241 {strides = array<i32>} : memref<32x1024xf32, #tpu.memory_space<vmem>>, vector<16xf32>,
      %get3A_245 = arith.index_cast %scan3A_46 : i32 to index
      %get3A_246 = arith.constant 320 : index
      %get3A_247 = tpu.vector_load %arg8[%get3A_245, %get3A_246] {strides = array<i32>} : memref<32x1024xf32, #tpu.memory_space<vmem>>, vector<16xf32>,
      %get3A_248 = arith.index_cast %scan3A_46 : i32 to index
      %get3A_249 = arith.constant 320 : index
      %get3A_250 = tpu.vector_load %arg9[%get3A_248, %get3A_249] {strides = array<i32>} : memref<32x1024xf32, #tpu.memory_space<vmem>>, vector<16xf32>,
      %add3A_251 = arith.addf %get3A_247, %get3A_250 : vector<16xf32>
      %swap3A_252 = arith.index_cast %scan3A_46 : i32 to index
      %swap3A_253 = arith.constant 320 : index
      %swap3A_254 = tpu.vector_load %arg8[%swap3A_252, %swap3A_253] {strides = array<i32>} : memref<32x1024xf32, #tpu.memory_space<vmem>>, vector<16xf32>,
      tpu.vector_store %arg8[%swap3A_252, %swap3A_253], %add3A_251 {strides = array<i32>} : memref<32x1024xf32, #tpu.memory_space<vmem>>, vector<16xf32>,
      %get3A_255 = arith.index_cast %scan3A_46 : i32 to index
      %get3A_256 = arith.constant 336 : index
      %get3A_257 = tpu.vector_load %arg8[%get3A_255, %get3A_256] {strides = array<i32>} : memref<32x1024xf32, #tpu.memory_space<vmem>>, vector<16xf32>,
      %get3A_258 = arith.index_cast %scan3A_46 : i32 to index
      %get3A_259 = arith.constant 336 : index
      %get3A_260 = tpu.vector_load %arg9[%get3A_258, %get3A_259] {strides = array<i32>} : memref<32x1024xf32, #tpu.memory_space<vmem>>, vector<16xf32>,
      %add3A_261 = arith.addf %get3A_257, %get3A_260 : vector<16xf32>
      %swap3A_262 = arith.index_cast %scan3A_46 : i32 to index
      %swap3A_263 = arith.constant 336 : index
      %swap3A_264 = tpu.vector_load %arg8[%swap3A_262, %swap3A_263] {strides = array<i32>} : memref<32x1024xf32, #tpu.memory_space<vmem>>, vector<16xf32>,
      tpu.vector_store %arg8[%swap3A_262, %swap3A_263], %add3A_261 {strides = array<i32>} : memref<32x1024xf32, #tpu.memory_space<vmem>>, vector<16xf32>,
      %get3A_265 = arith.index_cast %scan3A_46 : i32 to index
      %get3A_266 = arith.constant 352 : index
      %get3A_267 = tpu.vector_load %arg8[%get3A_265, %get3A_266] {strides = array<i32>} : memref<32x1024xf32, #tpu.memory_space<vmem>>, vector<16xf32>,
      %get3A_268 = arith.index_cast %scan3A_46 : i32 to index
      %get3A_269 = arith.constant 352 : index
      %get3A_270 = tpu.vector_load %arg9[%get3A_268, %get3A_269] {strides = array<i32>} : memref<32x1024xf32, #tpu.memory_space<vmem>>, vector<16xf32>,
      %add3A_271 = arith.addf %get3A_267, %get3A_270 : vector<16xf32>
      %swap3A_272 = arith.index_cast %scan3A_46 : i32 to index
      %swap3A_273 = arith.constant 352 : index
      %swap3A_274 = tpu.vector_load %arg8[%swap3A_272, %swap3A_273] {strides = array<i32>} : memref<32x1024xf32, #tpu.memory_space<vmem>>, vector<16xf32>,
      tpu.vector_store %arg8[%swap3A_272, %swap3A_273], %add3A_271 {strides = array<i32>} : memref<32x1024xf32, #tpu.memory_space<vmem>>, vector<16xf32>,
      %get3A_275 = arith.index_cast %scan3A_46 : i32 to index
      %get3A_276 = arith.constant 368 : index
      %get3A_277 = tpu.vector_load %arg8[%get3A_275, %get3A_276] {strides = array<i32>} : memref<32x1024xf32, #tpu.memory_space<vmem>>, vector<16xf32>,
      %get3A_278 = arith.index_cast %scan3A_46 : i32 to index
      %get3A_279 = arith.constant 368 : index
      %get3A_280 = tpu.vector_load %arg9[%get3A_278, %get3A_279] {strides = array<i32>} : memref<32x1024xf32, #tpu.memory_space<vmem>>, vector<16xf32>,
      %add3A_281 = arith.addf %get3A_277, %get3A_280 : vector<16xf32>
      %swap3A_282 = arith.index_cast %scan3A_46 : i32 to index
      %swap3A_283 = arith.constant 368 : index
      %swap3A_284 = tpu.vector_load %arg8[%swap3A_282, %swap3A_283] {strides = array<i32>} : memref<32x1024xf32, #tpu.memory_space<vmem>>, vector<16xf32>,
      tpu.vector_store %arg8[%swap3A_282, %swap3A_283], %add3A_281 {strides = array<i32>} : memref<32x1024xf32, #tpu.memory_space<vmem>>, vector<16xf32>,
      %get3A_285 = arith.index_cast %scan3A_46 : i32 to index
      %get3A_286 = arith.constant 384 : index
      %get3A_287 = tpu.vector_load %arg8[%get3A_285, %get3A_286] {strides = array<i32>} : memref<32x1024xf32, #tpu.memory_space<vmem>>, vector<16xf32>,
      %get3A_288 = arith.index_cast %scan3A_46 : i32 to index
      %get3A_289 = arith.constant 384 : index
      %get3A_290 = tpu.vector_load %arg9[%get3A_288, %get3A_289] {strides = array<i32>} : memref<32x1024xf32, #tpu.memory_space<vmem>>, vector<16xf32>,
      %add3A_291 = arith.addf %get3A_287, %get3A_290 : vector<16xf32>
      %swap3A_292 = arith.index_cast %scan3A_46 : i32 to index
      %swap3A_293 = arith.constant 384 : index
      %swap3A_294 = tpu.vector_load %arg8[%swap3A_292, %swap3A_293] {strides = array<i32>} : memref<32x1024xf32, #tpu.memory_space<vmem>>, vector<16xf32>,
      tpu.vector_store %arg8[%swap3A_292, %swap3A_293], %add3A_291 {strides = array<i32>} : memref<32x1024xf32, #tpu.memory_space<vmem>>, vector<16xf32>,
      %get3A_295 = arith.index_cast %scan3A_46 : i32 to index
      %get3A_296 = arith.constant 400 : index
      %get3A_297 = tpu.vector_load %arg8[%get3A_295, %get3A_296] {strides = array<i32>} : memref<32x1024xf32, #tpu.memory_space<vmem>>, vector<16xf32>,
      %get3A_298 = arith.index_cast %scan3A_46 : i32 to index
      %get3A_299 = arith.constant 400 : index
      %get3A_300 = tpu.vector_load %arg9[%get3A_298, %get3A_299] {strides = array<i32>} : memref<32x1024xf32, #tpu.memory_space<vmem>>, vector<16xf32>,
      %add3A_301 = arith.addf %get3A_297, %get3A_300 : vector<16xf32>
      %swap3A_302 = arith.index_cast %scan3A_46 : i32 to index
      %swap3A_303 = arith.constant 400 : index
      %swap3A_304 = tpu.vector_load %arg8[%swap3A_302, %swap3A_303] {strides = array<i32>} : memref<32x1024xf32, #tpu.memory_space<vmem>>, vector<16xf32>,
      tpu.vector_store %arg8[%swap3A_302, %swap3A_303], %add3A_301 {strides = array<i32>} : memref<32x1024xf32, #tpu.memory_space<vmem>>, vector<16xf32>,
      %get3A_305 = arith.index_cast %scan3A_46 : i32 to index
      %get3A_306 = arith.constant 416 : index
      %get3A_307 = tpu.vector_load %arg8[%get3A_305, %get3A_306] {strides = array<i32>} : memref<32x1024xf32, #tpu.memory_space<vmem>>, vector<16xf32>,
      %get3A_308 = arith.index_cast %scan3A_46 : i32 to index
      %get3A_309 = arith.constant 416 : index
      %get3A_310 = tpu.vector_load %arg9[%get3A_308, %get3A_309] {strides = array<i32>} : memref<32x1024xf32, #tpu.memory_space<vmem>>, vector<16xf32>,
      %add3A_311 = arith.addf %get3A_307, %get3A_310 : vector<16xf32>
      %swap3A_312 = arith.index_cast %scan3A_46 : i32 to index
      %swap3A_313 = arith.constant 416 : index
      %swap3A_314 = tpu.vector_load %arg8[%swap3A_312, %swap3A_313] {strides = array<i32>} : memref<32x1024xf32, #tpu.memory_space<vmem>>, vector<16xf32>,
      tpu.vector_store %arg8[%swap3A_312, %swap3A_313], %add3A_311 {strides = array<i32>} : memref<32x1024xf32, #tpu.memory_space<vmem>>, vector<16xf32>,
      %get3A_315 = arith.index_cast %scan3A_46 : i32 to index
      %get3A_316 = arith.constant 432 : index
      %get3A_317 = tpu.vector_load %arg8[%get3A_315, %get3A_316] {strides = array<i32>} : memref<32x1024xf32, #tpu.memory_space<vmem>>, vector<16xf32>,
      %get3A_318 = arith.index_cast %scan3A_46 : i32 to index
      %get3A_319 = arith.constant 432 : index
      %get3A_320 = tpu.vector_load %arg9[%get3A_318, %get3A_319] {strides = array<i32>} : memref<32x1024xf32, #tpu.memory_space<vmem>>, vector<16xf32>,
      %add3A_321 = arith.addf %get3A_317, %get3A_320 : vector<16xf32>
      %swap3A_322 = arith.index_cast %scan3A_46 : i32 to index
      %swap3A_323 = arith.constant 432 : index
      %swap3A_324 = tpu.vector_load %arg8[%swap3A_322, %swap3A_323] {strides = array<i32>} : memref<32x1024xf32, #tpu.memory_space<vmem>>, vector<16xf32>,
      tpu.vector_store %arg8[%swap3A_322, %swap3A_323], %add3A_321 {strides = array<i32>} : memref<32x1024xf32, #tpu.memory_space<vmem>>, vector<16xf32>,
      %get3A_325 = arith.index_cast %scan3A_46 : i32 to index
      %get3A_326 = arith.constant 448 : index
      %get3A_327 = tpu.vector_load %arg8[%get3A_325, %get3A_326] {strides = array<i32>} : memref<32x1024xf32, #tpu.memory_space<vmem>>, vector<16xf32>,
      %get3A_328 = arith.index_cast %scan3A_46 : i32 to index
      %get3A_329 = arith.constant 448 : index
      %get3A_330 = tpu.vector_load %arg9[%get3A_328, %get3A_329] {strides = array<i32>} : memref<32x1024xf32, #tpu.memory_space<vmem>>, vector<16xf32>,
      %add3A_331 = arith.addf %get3A_327, %get3A_330 : vector<16xf32>
      %swap3A_332 = arith.index_cast %scan3A_46 : i32 to index
      %swap3A_333 = arith.constant 448 : index
      %swap3A_334 = tpu.vector_load %arg8[%swap3A_332, %swap3A_333] {strides = array<i32>} : memref<32x1024xf32, #tpu.memory_space<vmem>>, vector<16xf32>,
      tpu.vector_store %arg8[%swap3A_332, %swap3A_333], %add3A_331 {strides = array<i32>} : memref<32x1024xf32, #tpu.memory_space<vmem>>, vector<16xf32>,
      %get3A_335 = arith.index_cast %scan3A_46 : i32 to index
      %get3A_336 = arith.constant 464 : index
      %get3A_337 = tpu.vector_load %arg8[%get3A_335, %get3A_336] {strides = array<i32>} : memref<32x1024xf32, #tpu.memory_space<vmem>>, vector<16xf32>,
      %get3A_338 = arith.index_cast %scan3A_46 : i32 to index
      %get3A_339 = arith.constant 464 : index
      %get3A_340 = tpu.vector_load %arg9[%get3A_338, %get3A_339] {strides = array<i32>} : memref<32x1024xf32, #tpu.memory_space<vmem>>, vector<16xf32>,
      %add3A_341 = arith.addf %get3A_337, %get3A_340 : vector<16xf32>
      %swap3A_342 = arith.index_cast %scan3A_46 : i32 to index
      %swap3A_343 = arith.constant 464 : index
      %swap3A_344 = tpu.vector_load %arg8[%swap3A_342, %swap3A_343] {strides = array<i32>} : memref<32x1024xf32, #tpu.memory_space<vmem>>, vector<16xf32>,
      tpu.vector_store %arg8[%swap3A_342, %swap3A_343], %add3A_341 {strides = array<i32>} : memref<32x1024xf32, #tpu.memory_space<vmem>>, vector<16xf32>,
      %get3A_345 = arith.index_cast %scan3A_46 : i32 to index
      %get3A_346 = arith.constant 480 : index
      %get3A_347 = tpu.vector_load %arg8[%get3A_345, %get3A_346] {strides = array<i32>} : memref<32x1024xf32, #tpu.memory_space<vmem>>, vector<16xf32>,
      %get3A_348 = arith.index_cast %scan3A_46 : i32 to index
      %get3A_349 = arith.constant 480 : index
      %get3A_350 = tpu.vector_load %arg9[%get3A_348, %get3A_349] {strides = array<i32>} : memref<32x1024xf32, #tpu.memory_space<vmem>>, vector<16xf32>,
      %add3A_351 = arith.addf %get3A_347, %get3A_350 : vector<16xf32>
      %swap3A_352 = arith.index_cast %scan3A_46 : i32 to index
      %swap3A_353 = arith.constant 480 : index
      %swap3A_354 = tpu.vector_load %arg8[%swap3A_352, %swap3A_353] {strides = array<i32>} : memref<32x1024xf32, #tpu.memory_space<vmem>>, vector<16xf32>,
      tpu.vector_store %arg8[%swap3A_352, %swap3A_353], %add3A_351 {strides = array<i32>} : memref<32x1024xf32, #tpu.memory_space<vmem>>, vector<16xf32>,
      %get3A_355 = arith.index_cast %scan3A_46 : i32 to index
      %get3A_356 = arith.constant 496 : index
      %get3A_357 = tpu.vector_load %arg8[%get3A_355, %get3A_356] {strides = array<i32>} : memref<32x1024xf32, #tpu.memory_space<vmem>>, vector<16xf32>,
      %get3A_358 = arith.index_cast %scan3A_46 : i32 to index
      %get3A_359 = arith.constant 496 : index
      %get3A_360 = tpu.vector_load %arg9[%get3A_358, %get3A_359] {strides = array<i32>} : memref<32x1024xf32, #tpu.memory_space<vmem>>, vector<16xf32>,
      %add3A_361 = arith.addf %get3A_357, %get3A_360 : vector<16xf32>
      %swap3A_362 = arith.index_cast %scan3A_46 : i32 to index
      %swap3A_363 = arith.constant 496 : index
      %swap3A_364 = tpu.vector_load %arg8[%swap3A_362, %swap3A_363] {strides = array<i32>} : memref<32x1024xf32, #tpu.memory_space<vmem>>, vector<16xf32>,
      tpu.vector_store %arg8[%swap3A_362, %swap3A_363], %add3A_361 {strides = array<i32>} : memref<32x1024xf32, #tpu.memory_space<vmem>>, vector<16xf32>,
      %get3A_365 = arith.index_cast %scan3A_46 : i32 to index
      %get3A_366 = arith.constant 512 : index
      %get3A_367 = tpu.vector_load %arg8[%get3A_365, %get3A_366] {strides = array<i32>} : memref<32x1024xf32, #tpu.memory_space<vmem>>, vector<16xf32>,
      %get3A_368 = arith.index_cast %scan3A_46 : i32 to index
      %get3A_369 = arith.constant 512 : index
      %get3A_370 = tpu.vector_load %arg9[%get3A_368, %get3A_369] {strides = array<i32>} : memref<32x1024xf32, #tpu.memory_space<vmem>>, vector<16xf32>,
      %add3A_371 = arith.addf %get3A_367, %get3A_370 : vector<16xf32>
      %swap3A_372 = arith.index_cast %scan3A_46 : i32 to index
      %swap3A_373 = arith.constant 512 : index
      %swap3A_374 = tpu.vector_load %arg8[%swap3A_372, %swap3A_373] {strides = array<i32>} : memref<32x1024xf32, #tpu.memory_space<vmem>>, vector<16xf32>,
      tpu.vector_store %arg8[%swap3A_372, %swap3A_373], %add3A_371 {strides = array<i32>} : memref<32x1024xf32, #tpu.memory_space<vmem>>, vector<16xf32>,
      %get3A_375 = arith.index_cast %scan3A_46 : i32 to index
      %get3A_376 = arith.constant 528 : index
      %get3A_377 = tpu.vector_load %arg8[%get3A_375, %get3A_376] {strides = array<i32>} : memref<32x1024xf32, #tpu.memory_space<vmem>>, vector<16xf32>,
      %get3A_378 = arith.index_cast %scan3A_46 : i32 to index
      %get3A_379 = arith.constant 528 : index
      %get3A_380 = tpu.vector_load %arg9[%get3A_378, %get3A_379] {strides = array<i32>} : memref<32x1024xf32, #tpu.memory_space<vmem>>, vector<16xf32>,
      %add3A_381 = arith.addf %get3A_377, %get3A_380 : vector<16xf32>
      %swap3A_382 = arith.index_cast %scan3A_46 : i32 to index
      %swap3A_383 = arith.constant 528 : index
      %swap3A_384 = tpu.vector_load %arg8[%swap3A_382, %swap3A_383] {strides = array<i32>} : memref<32x1024xf32, #tpu.memory_space<vmem>>, vector<16xf32>,
      tpu.vector_store %arg8[%swap3A_382, %swap3A_383], %add3A_381 {strides = array<i32>} : memref<32x1024xf32, #tpu.memory_space<vmem>>, vector<16xf32>,
      %get3A_385 = arith.index_cast %scan3A_46 : i32 to index
      %get3A_386 = arith.constant 544 : index
      %get3A_387 = tpu.vector_load %arg8[%get3A_385, %get3A_386] {strides = array<i32>} : memref<32x1024xf32, #tpu.memory_space<vmem>>, vector<16xf32>,
      %get3A_388 = arith.index_cast %scan3A_46 : i32 to index
      %get3A_389 = arith.constant 544 : index
      %get3A_390 = tpu.vector_load %arg9[%get3A_388, %get3A_389] {strides = array<i32>} : memref<32x1024xf32, #tpu.memory_space<vmem>>, vector<16xf32>,
      %add3A_391 = arith.addf %get3A_387, %get3A_390 : vector<16xf32>
      %swap3A_392 = arith.index_cast %scan3A_46 : i32 to index
      %swap3A_393 = arith.constant 544 : index
      %swap3A_394 = tpu.vector_load %arg8[%swap3A_392, %swap3A_393] {strides = array<i32>} : memref<32x1024xf32, #tpu.memory_space<vmem>>, vector<16xf32>,
      tpu.vector_store %arg8[%swap3A_392, %swap3A_393], %add3A_391 {strides = array<i32>} : memref<32x1024xf32, #tpu.memory_space<vmem>>, vector<16xf32>,
      %get3A_395 = arith.index_cast %scan3A_46 : i32 to index
      %get3A_396 = arith.constant 560 : index
      %get3A_397 = tpu.vector_load %arg8[%get3A_395, %get3A_396] {strides = array<i32>} : memref<32x1024xf32, #tpu.memory_space<vmem>>, vector<16xf32>,
      %get3A_398 = arith.index_cast %scan3A_46 : i32 to index
      %get3A_399 = arith.constant 560 : index
      %get3A_400 = tpu.vector_load %arg9[%get3A_398, %get3A_399] {strides = array<i32>} : memref<32x1024xf32, #tpu.memory_space<vmem>>, vector<16xf32>,
      %add3A_401 = arith.addf %get3A_397, %get3A_400 : vector<16xf32>
      %swap3A_402 = arith.index_cast %scan3A_46 : i32 to index
      %swap3A_403 = arith.constant 560 : index
      %swap3A_404 = tpu.vector_load %arg8[%swap3A_402, %swap3A_403] {strides = array<i32>} : memref<32x1024xf32, #tpu.memory_space<vmem>>, vector<16xf32>,
      tpu.vector_store %arg8[%swap3A_402, %swap3A_403], %add3A_401 {strides = array<i32>} : memref<32x1024xf32, #tpu.memory_space<vmem>>, vector<16xf32>,
      %get3A_405 = arith.index_cast %scan3A_46 : i32 to index
      %get3A_406 = arith.constant 576 : index
      %get3A_407 = tpu.vector_load %arg8[%get3A_405, %get3A_406] {strides = array<i32>} : memref<32x1024xf32, #tpu.memory_space<vmem>>, vector<16xf32>,
      %get3A_408 = arith.index_cast %scan3A_46 : i32 to index
      %get3A_409 = arith.constant 576 : index
      %get3A_410 = tpu.vector_load %arg9[%get3A_408, %get3A_409] {strides = array<i32>} : memref<32x1024xf32, #tpu.memory_space<vmem>>, vector<16xf32>,
      %add3A_411 = arith.addf %get3A_407, %get3A_410 : vector<16xf32>
      %swap3A_412 = arith.index_cast %scan3A_46 : i32 to index
      %swap3A_413 = arith.constant 576 : index
      %swap3A_414 = tpu.vector_load %arg8[%swap3A_412, %swap3A_413] {strides = array<i32>} : memref<32x1024xf32, #tpu.memory_space<vmem>>, vector<16xf32>,
      tpu.vector_store %arg8[%swap3A_412, %swap3A_413], %add3A_411 {strides = array<i32>} : memref<32x1024xf32, #tpu.memory_space<vmem>>, vector<16xf32>,
      %get3A_415 = arith.index_cast %scan3A_46 : i32 to index
      %get3A_416 = arith.constant 592 : index
      %get3A_417 = tpu.vector_load %arg8[%get3A_415, %get3A_416] {strides = array<i32>} : memref<32x1024xf32, #tpu.memory_space<vmem>>, vector<16xf32>,
      %get3A_418 = arith.index_cast %scan3A_46 : i32 to index
      %get3A_419 = arith.constant 592 : index
      %get3A_420 = tpu.vector_load %arg9[%get3A_418, %get3A_419] {strides = array<i32>} : memref<32x1024xf32, #tpu.memory_space<vmem>>, vector<16xf32>,
      %add3A_421 = arith.addf %get3A_417, %get3A_420 : vector<16xf32>
      %swap3A_422 = arith.index_cast %scan3A_46 : i32 to index
      %swap3A_423 = arith.constant 592 : index
      %swap3A_424 = tpu.vector_load %arg8[%swap3A_422, %swap3A_423] {strides = array<i32>} : memref<32x1024xf32, #tpu.memory_space<vmem>>, vector<16xf32>,
      tpu.vector_store %arg8[%swap3A_422, %swap3A_423], %add3A_421 {strides = array<i32>} : memref<32x1024xf32, #tpu.memory_space<vmem>>, vector<16xf32>,
      %get3A_425 = arith.index_cast %scan3A_46 : i32 to index
      %get3A_426 = arith.constant 608 : index
      %get3A_427 = tpu.vector_load %arg8[%get3A_425, %get3A_426] {strides = array<i32>} : memref<32x1024xf32, #tpu.memory_space<vmem>>, vector<16xf32>,
      %get3A_428 = arith.index_cast %scan3A_46 : i32 to index
      %get3A_429 = arith.constant 608 : index
      %get3A_430 = tpu.vector_load %arg9[%get3A_428, %get3A_429] {strides = array<i32>} : memref<32x1024xf32, #tpu.memory_space<vmem>>, vector<16xf32>,
      %add3A_431 = arith.addf %get3A_427, %get3A_430 : vector<16xf32>
      %swap3A_432 = arith.index_cast %scan3A_46 : i32 to index
      %swap3A_433 = arith.constant 608 : index
      %swap3A_434 = tpu.vector_load %arg8[%swap3A_432, %swap3A_433] {strides = array<i32>} : memref<32x1024xf32, #tpu.memory_space<vmem>>, vector<16xf32>,
      tpu.vector_store %arg8[%swap3A_432, %swap3A_433], %add3A_431 {strides = array<i32>} : memref<32x1024xf32, #tpu.memory_space<vmem>>, vector<16xf32>,
      %get3A_435 = arith.index_cast %scan3A_46 : i32 to index
      %get3A_436 = arith.constant 624 : index
      %get3A_437 = tpu.vector_load %arg8[%get3A_435, %get3A_436] {strides = array<i32>} : memref<32x1024xf32, #tpu.memory_space<vmem>>, vector<16xf32>,
      %get3A_438 = arith.index_cast %scan3A_46 : i32 to index
      %get3A_439 = arith.constant 624 : index
      %get3A_440 = tpu.vector_load %arg9[%get3A_438, %get3A_439] {strides = array<i32>} : memref<32x1024xf32, #tpu.memory_space<vmem>>, vector<16xf32>,
      %add3A_441 = arith.addf %get3A_437, %get3A_440 : vector<16xf32>
      %swap3A_442 = arith.index_cast %scan3A_46 : i32 to index
      %swap3A_443 = arith.constant 624 : index
      %swap3A_444 = tpu.vector_load %arg8[%swap3A_442, %swap3A_443] {strides = array<i32>} : memref<32x1024xf32, #tpu.memory_space<vmem>>, vector<16xf32>,
      tpu.vector_store %arg8[%swap3A_442, %swap3A_443], %add3A_441 {strides = array<i32>} : memref<32x1024xf32, #tpu.memory_space<vmem>>, vector<16xf32>,
      %get3A_445 = arith.index_cast %scan3A_46 : i32 to index
      %get3A_446 = arith.constant 640 : index
      %get3A_447 = tpu.vector_load %arg8[%get3A_445, %get3A_446] {strides = array<i32>} : memref<32x1024xf32, #tpu.memory_space<vmem>>, vector<16xf32>,
      %get3A_448 = arith.index_cast %scan3A_46 : i32 to index
      %get3A_449 = arith.constant 640 : index
      %get3A_450 = tpu.vector_load %arg9[%get3A_448, %get3A_449] {strides = array<i32>} : memref<32x1024xf32, #tpu.memory_space<vmem>>, vector<16xf32>,
      %add3A_451 = arith.addf %get3A_447, %get3A_450 : vector<16xf32>
      %swap3A_452 = arith.index_cast %scan3A_46 : i32 to index
      %swap3A_453 = arith.constant 640 : index
      %swap3A_454 = tpu.vector_load %arg8[%swap3A_452, %swap3A_453] {strides = array<i32>} : memref<32x1024xf32, #tpu.memory_space<vmem>>, vector<16xf32>,
      tpu.vector_store %arg8[%swap3A_452, %swap3A_453], %add3A_451 {strides = array<i32>} : memref<32x1024xf32, #tpu.memory_space<vmem>>, vector<16xf32>,
      %get3A_455 = arith.index_cast %scan3A_46 : i32 to index
      %get3A_456 = arith.constant 656 : index
      %get3A_457 = tpu.vector_load %arg8[%get3A_455, %get3A_456] {strides = array<i32>} : memref<32x1024xf32, #tpu.memory_space<vmem>>, vector<16xf32>,
      %get3A_458 = arith.index_cast %scan3A_46 : i32 to index
      %get3A_459 = arith.constant 656 : index
      %get3A_460 = tpu.vector_load %arg9[%get3A_458, %get3A_459] {strides = array<i32>} : memref<32x1024xf32, #tpu.memory_space<vmem>>, vector<16xf32>,
      %add3A_461 = arith.addf %get3A_457, %get3A_460 : vector<16xf32>
      %swap3A_462 = arith.index_cast %scan3A_46 : i32 to index
      %swap3A_463 = arith.constant 656 : index
      %swap3A_464 = tpu.vector_load %arg8[%swap3A_462, %swap3A_463] {strides = array<i32>} : memref<32x1024xf32, #tpu.memory_space<vmem>>, vector<16xf32>,
      tpu.vector_store %arg8[%swap3A_462, %swap3A_463], %add3A_461 {strides = array<i32>} : memref<32x1024xf32, #tpu.memory_space<vmem>>, vector<16xf32>,
      %get3A_465 = arith.index_cast %scan3A_46 : i32 to index
      %get3A_466 = arith.constant 672 : index
      %get3A_467 = tpu.vector_load %arg8[%get3A_465, %get3A_466] {strides = array<i32>} : memref<32x1024xf32, #tpu.memory_space<vmem>>, vector<16xf32>,
      %get3A_468 = arith.index_cast %scan3A_46 : i32 to index
      %get3A_469 = arith.constant 672 : index
      %get3A_470 = tpu.vector_load %arg9[%get3A_468, %get3A_469] {strides = array<i32>} : memref<32x1024xf32, #tpu.memory_space<vmem>>, vector<16xf32>,
      %add3A_471 = arith.addf %get3A_467, %get3A_470 : vector<16xf32>
      %swap3A_472 = arith.index_cast %scan3A_46 : i32 to index
      %swap3A_473 = arith.constant 672 : index
      %swap3A_474 = tpu.vector_load %arg8[%swap3A_472, %swap3A_473] {strides = array<i32>} : memref<32x1024xf32, #tpu.memory_space<vmem>>, vector<16xf32>,
      tpu.vector_store %arg8[%swap3A_472, %swap3A_473], %add3A_471 {strides = array<i32>} : memref<32x1024xf32, #tpu.memory_space<vmem>>, vector<16xf32>,
      %get3A_475 = arith.index_cast %scan3A_46 : i32 to index
      %get3A_476 = arith.constant 688 : index
      %get3A_477 = tpu.vector_load %arg8[%get3A_475, %get3A_476] {strides = array<i32>} : memref<32x1024xf32, #tpu.memory_space<vmem>>, vector<16xf32>,
      %get3A_478 = arith.index_cast %scan3A_46 : i32 to index
      %get3A_479 = arith.constant 688 : index
      %get3A_480 = tpu.vector_load %arg9[%get3A_478, %get3A_479] {strides = array<i32>} : memref<32x1024xf32, #tpu.memory_space<vmem>>, vector<16xf32>,
      %add3A_481 = arith.addf %get3A_477, %get3A_480 : vector<16xf32>
      %swap3A_482 = arith.index_cast %scan3A_46 : i32 to index
      %swap3A_483 = arith.constant 688 : index
      %swap3A_484 = tpu.vector_load %arg8[%swap3A_482, %swap3A_483] {strides = array<i32>} : memref<32x1024xf32, #tpu.memory_space<vmem>>, vector<16xf32>,
      tpu.vector_store %arg8[%swap3A_482, %swap3A_483], %add3A_481 {strides = array<i32>} : memref<32x1024xf32, #tpu.memory_space<vmem>>, vector<16xf32>,
      %get3A_485 = arith.index_cast %scan3A_46 : i32 to index
      %get3A_486 = arith.constant 704 : index
      %get3A_487 = tpu.vector_load %arg8[%get3A_485, %get3A_486] {strides = array<i32>} : memref<32x1024xf32, #tpu.memory_space<vmem>>, vector<16xf32>,
      %get3A_488 = arith.index_cast %scan3A_46 : i32 to index
      %get3A_489 = arith.constant 704 : index
      %get3A_490 = tpu.vector_load %arg9[%get3A_488, %get3A_489] {strides = array<i32>} : memref<32x1024xf32, #tpu.memory_space<vmem>>, vector<16xf32>,
      %add3A_491 = arith.addf %get3A_487, %get3A_490 : vector<16xf32>
      %swap3A_492 = arith.index_cast %scan3A_46 : i32 to index
      %swap3A_493 = arith.constant 704 : index
      %swap3A_494 = tpu.vector_load %arg8[%swap3A_492, %swap3A_493] {strides = array<i32>} : memref<32x1024xf32, #tpu.memory_space<vmem>>, vector<16xf32>,
      tpu.vector_store %arg8[%swap3A_492, %swap3A_493], %add3A_491 {strides = array<i32>} : memref<32x1024xf32, #tpu.memory_space<vmem>>, vector<16xf32>,
      %get3A_495 = arith.index_cast %scan3A_46 : i32 to index
      %get3A_496 = arith.constant 720 : index
      %get3A_497 = tpu.vector_load %arg8[%get3A_495, %get3A_496] {strides = array<i32>} : memref<32x1024xf32, #tpu.memory_space<vmem>>, vector<16xf32>,
      %get3A_498 = arith.index_cast %scan3A_46 : i32 to index
      %get3A_499 = arith.constant 720 : index
      %get3A_500 = tpu.vector_load %arg9[%get3A_498, %get3A_499] {strides = array<i32>} : memref<32x1024xf32, #tpu.memory_space<vmem>>, vector<16xf32>,
      %add3A_501 = arith.addf %get3A_497, %get3A_500 : vector<16xf32>
      %swap3A_502 = arith.index_cast %scan3A_46 : i32 to index
      %swap3A_503 = arith.constant 720 : index
      %swap3A_504 = tpu.vector_load %arg8[%swap3A_502, %swap3A_503] {strides = array<i32>} : memref<32x1024xf32, #tpu.memory_space<vmem>>, vector<16xf32>,
      tpu.vector_store %arg8[%swap3A_502, %swap3A_503], %add3A_501 {strides = array<i32>} : memref<32x1024xf32, #tpu.memory_space<vmem>>, vector<16xf32>,
      %get3A_505 = arith.index_cast %scan3A_46 : i32 to index
      %get3A_506 = arith.constant 736 : index
      %get3A_507 = tpu.vector_load %arg8[%get3A_505, %get3A_506] {strides = array<i32>} : memref<32x1024xf32, #tpu.memory_space<vmem>>, vector<16xf32>,
      %get3A_508 = arith.index_cast %scan3A_46 : i32 to index
      %get3A_509 = arith.constant 736 : index
      %get3A_510 = tpu.vector_load %arg9[%get3A_508, %get3A_509] {strides = array<i32>} : memref<32x1024xf32, #tpu.memory_space<vmem>>, vector<16xf32>,
      %add3A_511 = arith.addf %get3A_507, %get3A_510 : vector<16xf32>
      %swap3A_512 = arith.index_cast %scan3A_46 : i32 to index
      %swap3A_513 = arith.constant 736 : index
      %swap3A_514 = tpu.vector_load %arg8[%swap3A_512, %swap3A_513] {strides = array<i32>} : memref<32x1024xf32, #tpu.memory_space<vmem>>, vector<16xf32>,
      tpu.vector_store %arg8[%swap3A_512, %swap3A_513], %add3A_511 {strides = array<i32>} : memref<32x1024xf32, #tpu.memory_space<vmem>>, vector<16xf32>,
      %get3A_515 = arith.index_cast %scan3A_46 : i32 to index
      %get3A_516 = arith.constant 752 : index
      %get3A_517 = tpu.vector_load %arg8[%get3A_515, %get3A_516] {strides = array<i32>} : memref<32x1024xf32, #tpu.memory_space<vmem>>, vector<16xf32>,
      %get3A_518 = arith.index_cast %scan3A_46 : i32 to index
      %get3A_519 = arith.constant 752 : index
      %get3A_520 = tpu.vector_load %arg9[%get3A_518, %get3A_519] {strides = array<i32>} : memref<32x1024xf32, #tpu.memory_space<vmem>>, vector<16xf32>,
      %add3A_521 = arith.addf %get3A_517, %get3A_520 : vector<16xf32>
      %swap3A_522 = arith.index_cast %scan3A_46 : i32 to index
      %swap3A_523 = arith.constant 752 : index
      %swap3A_524 = tpu.vector_load %arg8[%swap3A_522, %swap3A_523] {strides = array<i32>} : memref<32x1024xf32, #tpu.memory_space<vmem>>, vector<16xf32>,
      tpu.vector_store %arg8[%swap3A_522, %swap3A_523], %add3A_521 {strides = array<i32>} : memref<32x1024xf32, #tpu.memory_space<vmem>>, vector<16xf32>,
      %get3A_525 = arith.index_cast %scan3A_46 : i32 to index
      %get3A_526 = arith.constant 768 : index
      %get3A_527 = tpu.vector_load %arg8[%get3A_525, %get3A_526] {strides = array<i32>} : memref<32x1024xf32, #tpu.memory_space<vmem>>, vector<16xf32>,
      %get3A_528 = arith.index_cast %scan3A_46 : i32 to index
      %get3A_529 = arith.constant 768 : index
      %get3A_530 = tpu.vector_load %arg9[%get3A_528, %get3A_529] {strides = array<i32>} : memref<32x1024xf32, #tpu.memory_space<vmem>>, vector<16xf32>,
      %add3A_531 = arith.addf %get3A_527, %get3A_530 : vector<16xf32>
      %swap3A_532 = arith.index_cast %scan3A_46 : i32 to index
      %swap3A_533 = arith.constant 768 : index
      %swap3A_534 = tpu.vector_load %arg8[%swap3A_532, %swap3A_533] {strides = array<i32>} : memref<32x1024xf32, #tpu.memory_space<vmem>>, vector<16xf32>,
      tpu.vector_store %arg8[%swap3A_532, %swap3A_533], %add3A_531 {strides = array<i32>} : memref<32x1024xf32, #tpu.memory_space<vmem>>, vector<16xf32>,
      %get3A_535 = arith.index_cast %scan3A_46 : i32 to index
      %get3A_536 = arith.constant 784 : index
      %get3A_537 = tpu.vector_load %arg8[%get3A_535, %get3A_536] {strides = array<i32>} : memref<32x1024xf32, #tpu.memory_space<vmem>>, vector<16xf32>,
      %get3A_538 = arith.index_cast %scan3A_46 : i32 to index
      %get3A_539 = arith.constant 784 : index
      %get3A_540 = tpu.vector_load %arg9[%get3A_538, %get3A_539] {strides = array<i32>} : memref<32x1024xf32, #tpu.memory_space<vmem>>, vector<16xf32>,
      %add3A_541 = arith.addf %get3A_537, %get3A_540 : vector<16xf32>
      %swap3A_542 = arith.index_cast %scan3A_46 : i32 to index
      %swap3A_543 = arith.constant 784 : index
      %swap3A_544 = tpu.vector_load %arg8[%swap3A_542, %swap3A_543] {strides = array<i32>} : memref<32x1024xf32, #tpu.memory_space<vmem>>, vector<16xf32>,
      tpu.vector_store %arg8[%swap3A_542, %swap3A_543], %add3A_541 {strides = array<i32>} : memref<32x1024xf32, #tpu.memory_space<vmem>>, vector<16xf32>,
      %get3A_545 = arith.index_cast %scan3A_46 : i32 to index
      %get3A_546 = arith.constant 800 : index
      %get3A_547 = tpu.vector_load %arg8[%get3A_545, %get3A_546] {strides = array<i32>} : memref<32x1024xf32, #tpu.memory_space<vmem>>, vector<16xf32>,
      %get3A_548 = arith.index_cast %scan3A_46 : i32 to index
      %get3A_549 = arith.constant 800 : index
      %get3A_550 = tpu.vector_load %arg9[%get3A_548, %get3A_549] {strides = array<i32>} : memref<32x1024xf32, #tpu.memory_space<vmem>>, vector<16xf32>,
      %add3A_551 = arith.addf %get3A_547, %get3A_550 : vector<16xf32>
      %swap3A_552 = arith.index_cast %scan3A_46 : i32 to index
      %swap3A_553 = arith.constant 800 : index
      %swap3A_554 = tpu.vector_load %arg8[%swap3A_552, %swap3A_553] {strides = array<i32>} : memref<32x1024xf32, #tpu.memory_space<vmem>>, vector<16xf32>,
      tpu.vector_store %arg8[%swap3A_552, %swap3A_553], %add3A_551 {strides = array<i32>} : memref<32x1024xf32, #tpu.memory_space<vmem>>, vector<16xf32>,
      %get3A_555 = arith.index_cast %scan3A_46 : i32 to index
      %get3A_556 = arith.constant 816 : index
      %get3A_557 = tpu.vector_load %arg8[%get3A_555, %get3A_556] {strides = array<i32>} : memref<32x1024xf32, #tpu.memory_space<vmem>>, vector<16xf32>,
      %get3A_558 = arith.index_cast %scan3A_46 : i32 to index
      %get3A_559 = arith.constant 816 : index
      %get3A_560 = tpu.vector_load %arg9[%get3A_558, %get3A_559] {strides = array<i32>} : memref<32x1024xf32, #tpu.memory_space<vmem>>, vector<16xf32>,
      %add3A_561 = arith.addf %get3A_557, %get3A_560 : vector<16xf32>
      %swap3A_562 = arith.index_cast %scan3A_46 : i32 to index
      %swap3A_563 = arith.constant 816 : index
      %swap3A_564 = tpu.vector_load %arg8[%swap3A_562, %swap3A_563] {strides = array<i32>} : memref<32x1024xf32, #tpu.memory_space<vmem>>, vector<16xf32>,
      tpu.vector_store %arg8[%swap3A_562, %swap3A_563], %add3A_561 {strides = array<i32>} : memref<32x1024xf32, #tpu.memory_space<vmem>>, vector<16xf32>,
      %get3A_565 = arith.index_cast %scan3A_46 : i32 to index
      %get3A_566 = arith.constant 832 : index
      %get3A_567 = tpu.vector_load %arg8[%get3A_565, %get3A_566] {strides = array<i32>} : memref<32x1024xf32, #tpu.memory_space<vmem>>, vector<16xf32>,
      %get3A_568 = arith.index_cast %scan3A_46 : i32 to index
      %get3A_569 = arith.constant 832 : index
      %get3A_570 = tpu.vector_load %arg9[%get3A_568, %get3A_569] {strides = array<i32>} : memref<32x1024xf32, #tpu.memory_space<vmem>>, vector<16xf32>,
      %add3A_571 = arith.addf %get3A_567, %get3A_570 : vector<16xf32>
      %swap3A_572 = arith.index_cast %scan3A_46 : i32 to index
      %swap3A_573 = arith.constant 832 : index
      %swap3A_574 = tpu.vector_load %arg8[%swap3A_572, %swap3A_573] {strides = array<i32>} : memref<32x1024xf32, #tpu.memory_space<vmem>>, vector<16xf32>,
      tpu.vector_store %arg8[%swap3A_572, %swap3A_573], %add3A_571 {strides = array<i32>} : memref<32x1024xf32, #tpu.memory_space<vmem>>, vector<16xf32>,
      %get3A_575 = arith.index_cast %scan3A_46 : i32 to index
      %get3A_576 = arith.constant 848 : index
      %get3A_577 = tpu.vector_load %arg8[%get3A_575, %get3A_576] {strides = array<i32>} : memref<32x1024xf32, #tpu.memory_space<vmem>>, vector<16xf32>,
      %get3A_578 = arith.index_cast %scan3A_46 : i32 to index
      %get3A_579 = arith.constant 848 : index
      %get3A_580 = tpu.vector_load %arg9[%get3A_578, %get3A_579] {strides = array<i32>} : memref<32x1024xf32, #tpu.memory_space<vmem>>, vector<16xf32>,
      %add3A_581 = arith.addf %get3A_577, %get3A_580 : vector<16xf32>
      %swap3A_582 = arith.index_cast %scan3A_46 : i32 to index
      %swap3A_583 = arith.constant 848 : index
      %swap3A_584 = tpu.vector_load %arg8[%swap3A_582, %swap3A_583] {strides = array<i32>} : memref<32x1024xf32, #tpu.memory_space<vmem>>, vector<16xf32>,
      tpu.vector_store %arg8[%swap3A_582, %swap3A_583], %add3A_581 {strides = array<i32>} : memref<32x1024xf32, #tpu.memory_space<vmem>>, vector<16xf32>,
      %get3A_585 = arith.index_cast %scan3A_46 : i32 to index
      %get3A_586 = arith.constant 864 : index
      %get3A_587 = tpu.vector_load %arg8[%get3A_585, %get3A_586] {strides = array<i32>} : memref<32x1024xf32, #tpu.memory_space<vmem>>, vector<16xf32>,
      %get3A_588 = arith.index_cast %scan3A_46 : i32 to index
      %get3A_589 = arith.constant 864 : index
      %get3A_590 = tpu.vector_load %arg9[%get3A_588, %get3A_589] {strides = array<i32>} : memref<32x1024xf32, #tpu.memory_space<vmem>>, vector<16xf32>,
      %add3A_591 = arith.addf %get3A_587, %get3A_590 : vector<16xf32>
      %swap3A_592 = arith.index_cast %scan3A_46 : i32 to index
      %swap3A_593 = arith.constant 864 : index
      %swap3A_594 = tpu.vector_load %arg8[%swap3A_592, %swap3A_593] {strides = array<i32>} : memref<32x1024xf32, #tpu.memory_space<vmem>>, vector<16xf32>,
      tpu.vector_store %arg8[%swap3A_592, %swap3A_593], %add3A_591 {strides = array<i32>} : memref<32x1024xf32, #tpu.memory_space<vmem>>, vector<16xf32>,
      %get3A_595 = arith.index_cast %scan3A_46 : i32 to index
      %get3A_596 = arith.constant 880 : index
      %get3A_597 = tpu.vector_load %arg8[%get3A_595, %get3A_596] {strides = array<i32>} : memref<32x1024xf32, #tpu.memory_space<vmem>>, vector<16xf32>,
      %get3A_598 = arith.index_cast %scan3A_46 : i32 to index
      %get3A_599 = arith.constant 880 : index
      %get3A_600 = tpu.vector_load %arg9[%get3A_598, %get3A_599] {strides = array<i32>} : memref<32x1024xf32, #tpu.memory_space<vmem>>, vector<16xf32>,
      %add3A_601 = arith.addf %get3A_597, %get3A_600 : vector<16xf32>
      %swap3A_602 = arith.index_cast %scan3A_46 : i32 to index
      %swap3A_603 = arith.constant 880 : index
      %swap3A_604 = tpu.vector_load %arg8[%swap3A_602, %swap3A_603] {strides = array<i32>} : memref<32x1024xf32, #tpu.memory_space<vmem>>, vector<16xf32>,
      tpu.vector_store %arg8[%swap3A_602, %swap3A_603], %add3A_601 {strides = array<i32>} : memref<32x1024xf32, #tpu.memory_space<vmem>>, vector<16xf32>,
      %get3A_605 = arith.index_cast %scan3A_46 : i32 to index
      %get3A_606 = arith.constant 896 : index
      %get3A_607 = tpu.vector_load %arg8[%get3A_605, %get3A_606] {strides = array<i32>} : memref<32x1024xf32, #tpu.memory_space<vmem>>, vector<16xf32>,
      %get3A_608 = arith.index_cast %scan3A_46 : i32 to index
      %get3A_609 = arith.constant 896 : index
      %get3A_610 = tpu.vector_load %arg9[%get3A_608, %get3A_609] {strides = array<i32>} : memref<32x1024xf32, #tpu.memory_space<vmem>>, vector<16xf32>,
      %add3A_611 = arith.addf %get3A_607, %get3A_610 : vector<16xf32>
      %swap3A_612 = arith.index_cast %scan3A_46 : i32 to index
      %swap3A_613 = arith.constant 896 : index
      %swap3A_614 = tpu.vector_load %arg8[%swap3A_612, %swap3A_613] {strides = array<i32>} : memref<32x1024xf32, #tpu.memory_space<vmem>>, vector<16xf32>,
      tpu.vector_store %arg8[%swap3A_612, %swap3A_613], %add3A_611 {strides = array<i32>} : memref<32x1024xf32, #tpu.memory_space<vmem>>, vector<16xf32>,
      %get3A_615 = arith.index_cast %scan3A_46 : i32 to index
      %get3A_616 = arith.constant 912 : index
      %get3A_617 = tpu.vector_load %arg8[%get3A_615, %get3A_616] {strides = array<i32>} : memref<32x1024xf32, #tpu.memory_space<vmem>>, vector<16xf32>,
      %get3A_618 = arith.index_cast %scan3A_46 : i32 to index
      %get3A_619 = arith.constant 912 : index
      %get3A_620 = tpu.vector_load %arg9[%get3A_618, %get3A_619] {strides = array<i32>} : memref<32x1024xf32, #tpu.memory_space<vmem>>, vector<16xf32>,
      %add3A_621 = arith.addf %get3A_617, %get3A_620 : vector<16xf32>
      %swap3A_622 = arith.index_cast %scan3A_46 : i32 to index
      %swap3A_623 = arith.constant 912 : index
      %swap3A_624 = tpu.vector_load %arg8[%swap3A_622, %swap3A_623] {strides = array<i32>} : memref<32x1024xf32, #tpu.memory_space<vmem>>, vector<16xf32>,
      tpu.vector_store %arg8[%swap3A_622, %swap3A_623], %add3A_621 {strides = array<i32>} : memref<32x1024xf32, #tpu.memory_space<vmem>>, vector<16xf32>,
      %get3A_625 = arith.index_cast %scan3A_46 : i32 to index
      %get3A_626 = arith.constant 928 : index
      %get3A_627 = tpu.vector_load %arg8[%get3A_625, %get3A_626] {strides = array<i32>} : memref<32x1024xf32, #tpu.memory_space<vmem>>, vector<16xf32>,
      %get3A_628 = arith.index_cast %scan3A_46 : i32 to index
      %get3A_629 = arith.constant 928 : index
      %get3A_630 = tpu.vector_load %arg9[%get3A_628, %get3A_629] {strides = array<i32>} : memref<32x1024xf32, #tpu.memory_space<vmem>>, vector<16xf32>,
      %add3A_631 = arith.addf %get3A_627, %get3A_630 : vector<16xf32>
      %swap3A_632 = arith.index_cast %scan3A_46 : i32 to index
      %swap3A_633 = arith.constant 928 : index
      %swap3A_634 = tpu.vector_load %arg8[%swap3A_632, %swap3A_633] {strides = array<i32>} : memref<32x1024xf32, #tpu.memory_space<vmem>>, vector<16xf32>,
      tpu.vector_store %arg8[%swap3A_632, %swap3A_633], %add3A_631 {strides = array<i32>} : memref<32x1024xf32, #tpu.memory_space<vmem>>, vector<16xf32>,
      %get3A_635 = arith.index_cast %scan3A_46 : i32 to index
      %get3A_636 = arith.constant 944 : index
      %get3A_637 = tpu.vector_load %arg8[%get3A_635, %get3A_636] {strides = array<i32>} : memref<32x1024xf32, #tpu.memory_space<vmem>>, vector<16xf32>,
      %get3A_638 = arith.index_cast %scan3A_46 : i32 to index
      %get3A_639 = arith.constant 944 : index
      %get3A_640 = tpu.vector_load %arg9[%get3A_638, %get3A_639] {strides = array<i32>} : memref<32x1024xf32, #tpu.memory_space<vmem>>, vector<16xf32>,
      %add3A_641 = arith.addf %get3A_637, %get3A_640 : vector<16xf32>
      %swap3A_642 = arith.index_cast %scan3A_46 : i32 to index
      %swap3A_643 = arith.constant 944 : index
      %swap3A_644 = tpu.vector_load %arg8[%swap3A_642, %swap3A_643] {strides = array<i32>} : memref<32x1024xf32, #tpu.memory_space<vmem>>, vector<16xf32>,
      tpu.vector_store %arg8[%swap3A_642, %swap3A_643], %add3A_641 {strides = array<i32>} : memref<32x1024xf32, #tpu.memory_space<vmem>>, vector<16xf32>,
      %get3A_645 = arith.index_cast %scan3A_46 : i32 to index
      %get3A_646 = arith.constant 960 : index
      %get3A_647 = tpu.vector_load %arg8[%get3A_645, %get3A_646] {strides = array<i32>} : memref<32x1024xf32, #tpu.memory_space<vmem>>, vector<16xf32>,
      %get3A_648 = arith.index_cast %scan3A_46 : i32 to index
      %get3A_649 = arith.constant 960 : index
      %get3A_650 = tpu.vector_load %arg9[%get3A_648, %get3A_649] {strides = array<i32>} : memref<32x1024xf32, #tpu.memory_space<vmem>>, vector<16xf32>,
      %add3A_651 = arith.addf %get3A_647, %get3A_650 : vector<16xf32>
      %swap3A_652 = arith.index_cast %scan3A_46 : i32 to index
      %swap3A_653 = arith.constant 960 : index
      %swap3A_654 = tpu.vector_load %arg8[%swap3A_652, %swap3A_653] {strides = array<i32>} : memref<32x1024xf32, #tpu.memory_space<vmem>>, vector<16xf32>,
      tpu.vector_store %arg8[%swap3A_652, %swap3A_653], %add3A_651 {strides = array<i32>} : memref<32x1024xf32, #tpu.memory_space<vmem>>, vector<16xf32>,
      %get3A_655 = arith.index_cast %scan3A_46 : i32 to index
      %get3A_656 = arith.constant 976 : index
      %get3A_657 = tpu.vector_load %arg8[%get3A_655, %get3A_656] {strides = array<i32>} : memref<32x1024xf32, #tpu.memory_space<vmem>>, vector<16xf32>,
      %get3A_658 = arith.index_cast %scan3A_46 : i32 to index
      %get3A_659 = arith.constant 976 : index
      %get3A_660 = tpu.vector_load %arg9[%get3A_658, %get3A_659] {strides = array<i32>} : memref<32x1024xf32, #tpu.memory_space<vmem>>, vector<16xf32>,
      %add3A_661 = arith.addf %get3A_657, %get3A_660 : vector<16xf32>
      %swap3A_662 = arith.index_cast %scan3A_46 : i32 to index
      %swap3A_663 = arith.constant 976 : index
      %swap3A_664 = tpu.vector_load %arg8[%swap3A_662, %swap3A_663] {strides = array<i32>} : memref<32x1024xf32, #tpu.memory_space<vmem>>, vector<16xf32>,
      tpu.vector_store %arg8[%swap3A_662, %swap3A_663], %add3A_661 {strides = array<i32>} : memref<32x1024xf32, #tpu.memory_space<vmem>>, vector<16xf32>,
      %get3A_665 = arith.index_cast %scan3A_46 : i32 to index
      %get3A_666 = arith.constant 992 : index
      %get3A_667 = tpu.vector_load %arg8[%get3A_665, %get3A_666] {strides = array<i32>} : memref<32x1024xf32, #tpu.memory_space<vmem>>, vector<16xf32>,
      %get3A_668 = arith.index_cast %scan3A_46 : i32 to index
      %get3A_669 = arith.constant 992 : index
      %get3A_670 = tpu.vector_load %arg9[%get3A_668, %get3A_669] {strides = array<i32>} : memref<32x1024xf32, #tpu.memory_space<vmem>>, vector<16xf32>,
      %add3A_671 = arith.addf %get3A_667, %get3A_670 : vector<16xf32>
      %swap3A_672 = arith.index_cast %scan3A_46 : i32 to index
      %swap3A_673 = arith.constant 992 : index
      %swap3A_674 = tpu.vector_load %arg8[%swap3A_672, %swap3A_673] {strides = array<i32>} : memref<32x1024xf32, #tpu.memory_space<vmem>>, vector<16xf32>,
      tpu.vector_store %arg8[%swap3A_672, %swap3A_673], %add3A_671 {strides = array<i32>} : memref<32x1024xf32, #tpu.memory_space<vmem>>, vector<16xf32>,
      %get3A_675 = arith.index_cast %scan3A_46 : i32 to index
      %get3A_676 = arith.constant 1008 : index
      %get3A_677 = tpu.vector_load %arg8[%get3A_675, %get3A_676] {strides = array<i32>} : memref<32x1024xf32, #tpu.memory_space<vmem>>, vector<16xf32>,
      %get3A_678 = arith.index_cast %scan3A_46 : i32 to index
      %get3A_679 = arith.constant 1008 : index
      %get3A_680 = tpu.vector_load %arg9[%get3A_678, %get3A_679] {strides = array<i32>} : memref<32x1024xf32, #tpu.memory_space<vmem>>, vector<16xf32>,
      %add3A_681 = arith.addf %get3A_677, %get3A_680 : vector<16xf32>
      %swap3A_682 = arith.index_cast %scan3A_46 : i32 to index
      %swap3A_683 = arith.constant 1008 : index
      %swap3A_684 = tpu.vector_load %arg8[%swap3A_682, %swap3A_683] {strides = array<i32>} : memref<32x1024xf32, #tpu.memory_space<vmem>>, vector<16xf32>,
      tpu.vector_store %arg8[%swap3A_682, %swap3A_683], %add3A_681 {strides = array<i32>} : memref<32x1024xf32, #tpu.memory_space<vmem>>, vector<16xf32>,
    }
    %scan3A_43 = arith.constant 32 : i32
    %mul3A_44 = arith.constant 32 : i32
    %mul3A_45 = arith.muli %add3A_25, %mul3A_44 : i32
    "tpu.region"() ({
      %run_scoped3A = tpu.sem_alloc : memref<!tpu.dma_semaphore, #tpu.memory_space<semaphore_mem>>
      %dma_start3A_46 = arith.constant 0 : i32
      %dma_start3A_47 = tpu.memref_slice %arg5[%mul3A_45, %dma_start3A_46] : memref<2048x1024xf32, #tpu.memory_space<hbm>> -> memref<32x1024xf32, #tpu.memory_space<hbm>>
      %dma_start3A_48 = arith.constant 0 : i32
      %dma_start3A_49 = tpu.memref_slice %arg5[%mul3A_45, %dma_start3A_48] : memref<2048x1024xf32, #tpu.memory_space<hbm>> -> memref<32x1024xf32, #tpu.memory_space<hbm>>
      tpu.enqueue_dma source(%arg8 : memref<32x1024xf32, #tpu.memory_space<vmem>>) target(%dma_start3A_49 : memref<32x1024xf32, #tpu.memory_space<hbm>>) target_semaphore(%run_scoped3A : memref<!tpu.dma_semaphore, #tpu.memory_space<semaphore_mem>>)
      %dma_wait3A_50 = arith.constant 0 : i32
      %dma_wait3A_51 = tpu.memref_slice %arg5[%mul3A_45, %dma_wait3A_50] : memref<2048x1024xf32, #tpu.memory_space<hbm>> -> memref<32x1024xf32, #tpu.memory_space<hbm>>
      %dma_wait3A_52 = arith.constant 0 : i32
      %dma_wait3A_53 = tpu.memref_slice %arg5[%mul3A_45, %dma_wait3A_52] : memref<2048x1024xf32, #tpu.memory_space<hbm>> -> memref<32x1024xf32, #tpu.memory_space<hbm>>
      tpu.wait_dma2 semaphore(%run_scoped3A : memref<!tpu.dma_semaphore, #tpu.memory_space<semaphore_mem>>) src(%arg8 : memref<32x1024xf32, #tpu.memory_space<vmem>>) dst(%dma_wait3A_53 : memref<32x1024xf32, #tpu.memory_space<hbm>>)
      tpu.yield
    }) : () -> ()
    return
  }
}

module attributes {stable_mosaic.version = 14 : i64} {
  func.func @_mix_body(%arg0: memref<8x16xf32, #tpu.memory_space<vmem>>, %arg1: memref<8x16xf32, #tpu.memory_space<vmem>>, %arg2: memref<16x131072xf32, #tpu.memory_space<vmem>>, %arg3: memref<16x131072xf32, #tpu.memory_space<vmem>>, %arg4: memref<8x131072xbf16, #tpu.memory_space<vmem>>, %arg5: memref<8x131072xbf16, #tpu.memory_space<vmem>>) attributes {dimension_semantics = [], scalar_prefetch = 0 : i64, scratch_operands = 0 : i64, tpu.core_type = #tpu.core_type<tc>} {
    %get3A = arith.constant 0 : index
    %get3A_0 = arith.constant 0 : index
    %get3A_1 = vector.load %arg0[%get3A, %get3A_0] : memref<8x16xf32, #tpu.memory_space<vmem>>, vector<8x16xf32>
    %reduce_max3A = arith.constant dense<0xFF800000> : vector<8xf32>
    %reduce_max3A_2 = vector.multi_reduction <maximumf>, %get3A_1, %reduce_max3A [1] : vector<8x16xf32> to vector<8xf32>
    %broadcast_in_dim3A = vector.shape_cast %reduce_max3A_2 : vector<8xf32> to vector<8x1xf32>
    %sub3A = vector.broadcast %broadcast_in_dim3A : vector<8x1xf32> to vector<8x16xf32>
    %sub3A_3 = arith.subf %get3A_1, %sub3A : vector<8x16xf32>
    %exp3A = math.exp %sub3A_3 : vector<8x16xf32>
    %reduce_sum3A = arith.constant dense<0.000000e+00> : vector<8xf32>
    %reduce_sum3A_4 = vector.multi_reduction <add>, %exp3A, %reduce_sum3A [1] : vector<8x16xf32> to vector<8xf32>
    %broadcast_in_dim3A_5 = vector.shape_cast %reduce_sum3A_4 : vector<8xf32> to vector<8x1xf32>
    %div3A = vector.broadcast %broadcast_in_dim3A_5 : vector<8x1xf32> to vector<8x16xf32>
    %div3A_6 = arith.divf %exp3A, %div3A : vector<8x16xf32>
    %get3A_7 = arith.constant 0 : index
    %get3A_8 = arith.constant 0 : index
    %get3A_9 = vector.load %arg2[%get3A_7, %get3A_8] : memref<16x131072xf32, #tpu.memory_space<vmem>>, vector<16x131072xf32>
    %dot_general3A = arith.constant dense<0.000000e+00> : vector<8x131072xf32>
    %dot_general3A_10 = tpu.matmul %div3A_6, %get3A_9, %dot_general3A {dimension_numbers = #tpu.dot_dimension_numbers<[1], [0], [0], [1], [0, 0, 1, 1], [], []>, transpose_lhs_hint = false} : vector<8x16xf32>, vector<16x131072xf32>, vector<8x131072xf32> -> vector<8x131072xf32>
    %convert_element_type3A = arith.truncf %dot_general3A_10 : vector<8x131072xf32> to vector<8x131072xbf16>
    %swap3A = arith.constant 0 : index
    %swap3A_11 = arith.constant 0 : index
    %swap3A_12 = vector.load %arg4[%swap3A, %swap3A_11] : memref<8x131072xbf16, #tpu.memory_space<vmem>>, vector<8x131072xbf16>
    tpu.vector_store %arg4[%swap3A, %swap3A_11], %convert_element_type3A {strides = array<i32>} : memref<8x131072xbf16, #tpu.memory_space<vmem>>, vector<8x131072xbf16>,
    %get3A_13 = arith.constant 0 : index
    %get3A_14 = arith.constant 0 : index
    %get3A_15 = vector.load %arg1[%get3A_13, %get3A_14] : memref<8x16xf32, #tpu.memory_space<vmem>>, vector<8x16xf32>
    %reduce_max3A_16 = arith.constant dense<0xFF800000> : vector<8xf32>
    %reduce_max3A_17 = vector.multi_reduction <maximumf>, %get3A_15, %reduce_max3A_16 [1] : vector<8x16xf32> to vector<8xf32>
    %broadcast_in_dim3A_18 = vector.shape_cast %reduce_max3A_17 : vector<8xf32> to vector<8x1xf32>
    %sub3A_19 = vector.broadcast %broadcast_in_dim3A_18 : vector<8x1xf32> to vector<8x16xf32>
    %sub3A_20 = arith.subf %get3A_15, %sub3A_19 : vector<8x16xf32>
    %exp3A_21 = math.exp %sub3A_20 : vector<8x16xf32>
    %reduce_sum3A_22 = arith.constant dense<0.000000e+00> : vector<8xf32>
    %reduce_sum3A_23 = vector.multi_reduction <add>, %exp3A_21, %reduce_sum3A_22 [1] : vector<8x16xf32> to vector<8xf32>
    %broadcast_in_dim3A_24 = vector.shape_cast %reduce_sum3A_23 : vector<8xf32> to vector<8x1xf32>
    %div3A_25 = vector.broadcast %broadcast_in_dim3A_24 : vector<8x1xf32> to vector<8x16xf32>
    %div3A_26 = arith.divf %exp3A_21, %div3A_25 : vector<8x16xf32>
    %get3A_27 = arith.constant 0 : index
    %get3A_28 = arith.constant 0 : index
    %get3A_29 = vector.load %arg3[%get3A_27, %get3A_28] : memref<16x131072xf32, #tpu.memory_space<vmem>>, vector<16x131072xf32>
    %dot_general3A_30 = arith.constant dense<0.000000e+00> : vector<8x131072xf32>
    %dot_general3A_31 = tpu.matmul %div3A_26, %get3A_29, %dot_general3A_30 {dimension_numbers = #tpu.dot_dimension_numbers<[1], [0], [0], [1], [0, 0, 1, 1], [], []>, transpose_lhs_hint = false} : vector<8x16xf32>, vector<16x131072xf32>, vector<8x131072xf32> -> vector<8x131072xf32>
    %convert_element_type3A_32 = arith.truncf %dot_general3A_31 : vector<8x131072xf32> to vector<8x131072xbf16>
    %swap3A_33 = arith.constant 0 : index
    %swap3A_34 = arith.constant 0 : index
    %swap3A_35 = vector.load %arg5[%swap3A_33, %swap3A_34] : memref<8x131072xbf16, #tpu.memory_space<vmem>>, vector<8x131072xbf16>
    tpu.vector_store %arg5[%swap3A_33, %swap3A_34], %convert_element_type3A_32 {strides = array<i32>} : memref<8x131072xbf16, #tpu.memory_space<vmem>>, vector<8x131072xbf16>,
    return
  }
}

module attributes {stable_mosaic.version = 14 : i64} {
  func.func @_ffn_grouped_body(%arg0: i32, %arg1: memref<24xi32, #tpu.memory_space<smem>>, %arg2: memref<24xi32, #tpu.memory_space<smem>>, %arg3: memref<24xi32, #tpu.memory_space<smem>>, %arg4: memref<2048x1024xbf16, #tpu.memory_space<vmem>>, %arg5: memref<256x1xi32, #tpu.memory_space<vmem>>, %arg6: memref<256x1xf32, #tpu.memory_space<vmem>>, %arg7: memref<1x1024x128xbf16, #tpu.memory_space<vmem>>, %arg8: memref<1x1024x128xbf16, #tpu.memory_space<vmem>>, %arg9: memref<1x4096x128xf32, #tpu.memory_space<vmem>>, %arg10: memref<1x4096x128xf32, #tpu.memory_space<vmem>>, %arg11: memref<1x1024x4096xf32, #tpu.memory_space<vmem>>, %arg12: memref<256x1024xf32, #tpu.memory_space<vmem>>, %arg13: memref<4096x128xbf16, #tpu.memory_space<vmem>>, %arg14: memref<4096x128xbf16, #tpu.memory_space<vmem>>, %arg15: memref<1024x4096xbf16, #tpu.memory_space<vmem>>) attributes {dimension_semantics = [#tpu.dimension_semantics<arbitrary>], iteration_bounds = array<i64: 24>, scalar_prefetch = 3 : i64, scratch_operands = 3 : i64, tpu.core_type = #tpu.core_type<tc>, window_params = [{pipeline_mode = #tpu.pipeline_mode<synchronous>, transform_indices = @transform_0, window_bounds = array<i64: 2048, 1024>}, {transform_indices = @transform_1, window_bounds = array<i64: 256, 1>}, {transform_indices = @transform_2, window_bounds = array<i64: 256, 1>}, {transform_indices = @transform_3, window_bounds = array<i64: 1, 1024, 128>}, {transform_indices = @transform_4, window_bounds = array<i64: 1, 1024, 128>}, {transform_indices = @transform_5, window_bounds = array<i64: 1, 4096, 128>}, {transform_indices = @transform_6, window_bounds = array<i64: 1, 4096, 128>}, {transform_indices = @transform_7, window_bounds = array<i64: 1, 1024, 4096>}, {transform_indices = @transform_8, window_bounds = array<i64: 256, 1024>}]} {
    %get3A = arith.index_cast %arg0 : i32 to index
    %get3A_0 = memref.load %arg3[%get3A] : memref<24xi32, #tpu.memory_space<smem>>
    %eq3A = arith.constant 1 : i32
    %eq3A_1 = arith.cmpi eq, %get3A_0, %eq3A : i32
    %convert_element_type3A = arith.extui %eq3A_1 : i1 to i32
    %cond3A = arith.constant 0 : i32
    %cond3A_2 = arith.cmpi ne, %convert_element_type3A, %cond3A : i32
    scf.if %cond3A_2 {
      %get3A_9 = arith.constant 0 : index
      %get3A_10 = arith.constant 0 : index
      %get3A_11 = arith.constant 0 : index
      %get3A_12 = vector.load %arg9[%get3A_9, %get3A_10, %get3A_11] : memref<1x4096x128xf32, #tpu.memory_space<vmem>>, vector<1x4096x128xf32>
      %get3A_13 = vector.shape_cast %get3A_12 : vector<1x4096x128xf32> to vector<4096x128xf32>
      %convert_element_type3A_14 = arith.truncf %get3A_13 : vector<4096x128xf32> to vector<4096x128xbf16>
      %swap3A = arith.constant 0 : index
      %swap3A_15 = arith.constant 0 : index
      %swap3A_16 = vector.load %arg13[%swap3A, %swap3A_15] : memref<4096x128xbf16, #tpu.memory_space<vmem>>, vector<4096x128xbf16>
      tpu.vector_store %arg13[%swap3A, %swap3A_15], %convert_element_type3A_14 {strides = array<i32>} : memref<4096x128xbf16, #tpu.memory_space<vmem>>, vector<4096x128xbf16>,
      %get3A_17 = arith.constant 0 : index
      %get3A_18 = arith.constant 0 : index
      %get3A_19 = arith.constant 0 : index
      %get3A_20 = vector.load %arg10[%get3A_17, %get3A_18, %get3A_19] : memref<1x4096x128xf32, #tpu.memory_space<vmem>>, vector<1x4096x128xf32>
      %get3A_21 = vector.shape_cast %get3A_20 : vector<1x4096x128xf32> to vector<4096x128xf32>
      %convert_element_type3A_22 = arith.truncf %get3A_21 : vector<4096x128xf32> to vector<4096x128xbf16>
      %swap3A_23 = arith.constant 0 : index
      %swap3A_24 = arith.constant 0 : index
      %swap3A_25 = vector.load %arg14[%swap3A_23, %swap3A_24] : memref<4096x128xbf16, #tpu.memory_space<vmem>>, vector<4096x128xbf16>
      tpu.vector_store %arg14[%swap3A_23, %swap3A_24], %convert_element_type3A_22 {strides = array<i32>} : memref<4096x128xbf16, #tpu.memory_space<vmem>>, vector<4096x128xbf16>,
      %get3A_26 = arith.constant 0 : index
      %get3A_27 = arith.constant 0 : index
      %get3A_28 = arith.constant 0 : index
      %get3A_29 = vector.load %arg11[%get3A_26, %get3A_27, %get3A_28] : memref<1x1024x4096xf32, #tpu.memory_space<vmem>>, vector<1x1024x4096xf32>
      %get3A_30 = vector.shape_cast %get3A_29 : vector<1x1024x4096xf32> to vector<1024x4096xf32>
      %convert_element_type3A_31 = arith.truncf %get3A_30 : vector<1024x4096xf32> to vector<1024x4096xbf16>
      %swap3A_32 = arith.constant 0 : index
      %swap3A_33 = arith.constant 0 : index
      %swap3A_34 = vector.load %arg15[%swap3A_32, %swap3A_33] : memref<1024x4096xbf16, #tpu.memory_space<vmem>>, vector<1024x4096xbf16>
      tpu.vector_store %arg15[%swap3A_32, %swap3A_33], %convert_element_type3A_31 {strides = array<i32>} : memref<1024x4096xbf16, #tpu.memory_space<vmem>>, vector<1024x4096xbf16>,
    } else {
    }
    %get3A_3 = arith.index_cast %arg0 : i32 to index
    %get3A_4 = memref.load %arg2[%get3A_3] : memref<24xi32, #tpu.memory_space<smem>>
    %gt3A = arith.constant 0 : i32
    %gt3A_5 = arith.cmpi sgt, %get3A_4, %gt3A : i32
    %convert_element_type3A_6 = arith.extui %gt3A_5 : i1 to i32
    %cond3A_7 = arith.constant 0 : i32
    %cond3A_8 = arith.cmpi ne, %convert_element_type3A_6, %cond3A_7 : i32
    scf.if %cond3A_8 {
      %get3A_9 = arith.constant 0 : index
      %get3A_10 = arith.constant 0 : index
      %get3A_11 = vector.load %arg5[%get3A_9, %get3A_10] : memref<256x1xi32, #tpu.memory_space<vmem>>, vector<256x1xi32>
      %iota3A = tpu.iota {dimensions = array<i32: 1>} : vector<256x2048xi32>
      %eq3A_12 = vector.broadcast %get3A_11 : vector<256x1xi32> to vector<256x2048xi32>
      %eq3A_13 = arith.cmpi eq, %eq3A_12, %iota3A : vector<256x2048xi32>
      %convert_element_type3A_14 = arith.extui %eq3A_13 : vector<256x2048xi1> to vector<256x2048xi32>
      %convert_element_type3A_15 = arith.sitofp %convert_element_type3A_14 : vector<256x2048xi32> to vector<256x2048xf32>
      %convert_element_type3A_16 = arith.truncf %convert_element_type3A_15 : vector<256x2048xf32> to vector<256x2048xbf16>
      %get3A_17 = arith.constant 0 : index
      %get3A_18 = arith.constant 0 : index
      %get3A_19 = vector.load %arg4[%get3A_17, %get3A_18] : memref<2048x1024xbf16, #tpu.memory_space<vmem>>, vector<2048x1024xbf16>
      %dot_general3A = arith.constant dense<0.000000e+00> : vector<256x1024xf32>
      %dot_general3A_20 = tpu.matmul %convert_element_type3A_16, %get3A_19, %dot_general3A {dimension_numbers = #tpu.dot_dimension_numbers<[1], [0], [0], [1], [0, 0, 1, 1], [], []>, transpose_lhs_hint = false} : vector<256x2048xbf16>, vector<2048x1024xbf16>, vector<256x1024xf32> -> vector<256x1024xf32>
      %convert_element_type3A_21 = arith.truncf %dot_general3A_20 : vector<256x1024xf32> to vector<256x1024xbf16>
      %get3A_22 = arith.constant 0 : index
      %get3A_23 = arith.constant 0 : index
      %get3A_24 = vector.load %arg6[%get3A_22, %get3A_23] : memref<256x1xf32, #tpu.memory_space<vmem>>, vector<256x1xf32>
      %get3A_25 = arith.constant 0 : index
      %get3A_26 = arith.constant 0 : index
      %get3A_27 = arith.constant 0 : index
      %get3A_28 = vector.load %arg7[%get3A_25, %get3A_26, %get3A_27] : memref<1x1024x128xbf16, #tpu.memory_space<vmem>>, vector<1x1024x128xbf16>
      %get3A_29 = vector.shape_cast %get3A_28 : vector<1x1024x128xbf16> to vector<1024x128xbf16>
      %dot_general3A_30 = arith.constant dense<0.000000e+00> : vector<256x128xf32>
      %dot_general3A_31 = tpu.matmul %convert_element_type3A_21, %get3A_29, %dot_general3A_30 {dimension_numbers = #tpu.dot_dimension_numbers<[1], [0], [0], [1], [0, 0, 1, 1], [], []>, transpose_lhs_hint = false} : vector<256x1024xbf16>, vector<1024x128xbf16>, vector<256x128xf32> -> vector<256x128xf32>
      %get3A_32 = arith.constant 0 : index
      %get3A_33 = arith.constant 0 : index
      %get3A_34 = arith.constant 0 : index
      %get3A_35 = vector.load %arg8[%get3A_32, %get3A_33, %get3A_34] : memref<1x1024x128xbf16, #tpu.memory_space<vmem>>, vector<1x1024x128xbf16>
      %get3A_36 = vector.shape_cast %get3A_35 : vector<1x1024x128xbf16> to vector<1024x128xbf16>
      %dot_general3A_37 = arith.constant dense<0.000000e+00> : vector<256x128xf32>
      %dot_general3A_38 = tpu.matmul %convert_element_type3A_21, %get3A_36, %dot_general3A_37 {dimension_numbers = #tpu.dot_dimension_numbers<[1], [0], [0], [1], [0, 0, 1, 1], [], []>, transpose_lhs_hint = false} : vector<256x1024xbf16>, vector<1024x128xbf16>, vector<256x128xf32> -> vector<256x128xf32>
      %mul3A = vector.broadcast %get3A_24 : vector<256x1xf32> to vector<256x128xf32>
      %mul3A_39 = arith.mulf %mul3A, %dot_general3A_31 : vector<256x128xf32>
      %convert_element_type3A_40 = arith.truncf %mul3A_39 : vector<256x128xf32> to vector<256x128xbf16>
      %convert_element_type3A_41 = arith.truncf %dot_general3A_38 : vector<256x128xf32> to vector<256x128xbf16>
      %get3A_42 = arith.constant 0 : index
      %get3A_43 = arith.constant 0 : index
      %get3A_44 = vector.load %arg13[%get3A_42, %get3A_43] : memref<4096x128xbf16, #tpu.memory_space<vmem>>, vector<1024x128xbf16>
      %dot_general3A_45 = arith.constant dense<0.000000e+00> : vector<256x1024xf32>
      %dot_general3A_46 = tpu.matmul %convert_element_type3A_40, %get3A_44, %dot_general3A_45 {dimension_numbers = #tpu.dot_dimension_numbers<[1], [1], [0], [0], [0, 0, 1, 0], [], []>, transpose_lhs_hint = false} : vector<256x128xbf16>, vector<1024x128xbf16>, vector<256x1024xf32> -> vector<256x1024xf32>
      %get3A_47 = arith.constant 0 : index
      %get3A_48 = arith.constant 0 : index
      %get3A_49 = vector.load %arg14[%get3A_47, %get3A_48] : memref<4096x128xbf16, #tpu.memory_space<vmem>>, vector<1024x128xbf16>
      %dot_general3A_50 = arith.constant dense<0.000000e+00> : vector<256x1024xf32>
      %dot_general3A_51 = tpu.matmul %convert_element_type3A_41, %get3A_49, %dot_general3A_50 {dimension_numbers = #tpu.dot_dimension_numbers<[1], [1], [0], [0], [0, 0, 1, 0], [], []>, transpose_lhs_hint = false} : vector<256x128xbf16>, vector<1024x128xbf16>, vector<256x1024xf32> -> vector<256x1024xf32>
      %convert_element_type3A_52 = arith.truncf %dot_general3A_51 : vector<256x1024xf32> to vector<256x1024xbf16>
      %convert_element_type3A_53 = arith.truncf %dot_general3A_46 : vector<256x1024xf32> to vector<256x1024xbf16>
      %mul3A_54 = arith.constant 5.000000e-01 : bf16
      %mul3A_55 = vector.broadcast %mul3A_54 : bf16 to vector<256x1024xbf16>
      %mul3A_56 = arith.mulf %convert_element_type3A_52, %mul3A_55 : vector<256x1024xbf16>
      %tanh3A = math.tanh %mul3A_56 : vector<256x1024xbf16>
      %mul3A_57 = arith.constant 5.000000e-01 : bf16
      %mul3A_58 = vector.broadcast %mul3A_57 : bf16 to vector<256x1024xbf16>
      %mul3A_59 = arith.mulf %mul3A_58, %tanh3A : vector<256x1024xbf16>
      %add3A = arith.constant 5.000000e-01 : bf16
      %add3A_60 = vector.broadcast %add3A : bf16 to vector<256x1024xbf16>
      %add3A_61 = arith.addf %add3A_60, %mul3A_59 : vector<256x1024xbf16>
      %mul3A_62 = arith.mulf %convert_element_type3A_52, %add3A_61 : vector<256x1024xbf16>
      %mul3A_63 = arith.mulf %mul3A_62, %convert_element_type3A_53 : vector<256x1024xbf16>
      %get3A_64 = arith.constant 0 : index
      %get3A_65 = arith.constant 0 : index
      %get3A_66 = vector.load %arg15[%get3A_64, %get3A_65] : memref<1024x4096xbf16, #tpu.memory_space<vmem>>, vector<1024x1024xbf16>
      %dot_general3A_67 = arith.constant dense<0.000000e+00> : vector<256x1024xf32>
      %dot_general3A_68 = tpu.matmul %mul3A_63, %get3A_66, %dot_general3A_67 {dimension_numbers = #tpu.dot_dimension_numbers<[1], [1], [0], [0], [0, 0, 1, 0], [], []>, transpose_lhs_hint = false} : vector<256x1024xbf16>, vector<1024x1024xbf16>, vector<256x1024xf32> -> vector<256x1024xf32>
      %swap3A = arith.constant 0 : index
      %swap3A_69 = arith.constant 0 : index
      %swap3A_70 = vector.load %arg12[%swap3A, %swap3A_69] : memref<256x1024xf32, #tpu.memory_space<vmem>>, vector<256x1024xf32>
      tpu.vector_store %arg12[%swap3A, %swap3A_69], %dot_general3A_68 {strides = array<i32>} : memref<256x1024xf32, #tpu.memory_space<vmem>>, vector<256x1024xf32>,
      %get3A_71 = arith.constant 1024 : index
      %get3A_72 = arith.constant 0 : index
      %get3A_73 = vector.load %arg13[%get3A_71, %get3A_72] : memref<4096x128xbf16, #tpu.memory_space<vmem>>, vector<1024x128xbf16>
      %dot_general3A_74 = arith.constant dense<0.000000e+00> : vector<256x1024xf32>
      %dot_general3A_75 = tpu.matmul %convert_element_type3A_40, %get3A_73, %dot_general3A_74 {dimension_numbers = #tpu.dot_dimension_numbers<[1], [1], [0], [0], [0, 0, 1, 0], [], []>, transpose_lhs_hint = false} : vector<256x128xbf16>, vector<1024x128xbf16>, vector<256x1024xf32> -> vector<256x1024xf32>
      %get3A_76 = arith.constant 1024 : index
      %get3A_77 = arith.constant 0 : index
      %get3A_78 = vector.load %arg14[%get3A_76, %get3A_77] : memref<4096x128xbf16, #tpu.memory_space<vmem>>, vector<1024x128xbf16>
      %dot_general3A_79 = arith.constant dense<0.000000e+00> : vector<256x1024xf32>
      %dot_general3A_80 = tpu.matmul %convert_element_type3A_41, %get3A_78, %dot_general3A_79 {dimension_numbers = #tpu.dot_dimension_numbers<[1], [1], [0], [0], [0, 0, 1, 0], [], []>, transpose_lhs_hint = false} : vector<256x128xbf16>, vector<1024x128xbf16>, vector<256x1024xf32> -> vector<256x1024xf32>
      %convert_element_type3A_81 = arith.truncf %dot_general3A_80 : vector<256x1024xf32> to vector<256x1024xbf16>
      %convert_element_type3A_82 = arith.truncf %dot_general3A_75 : vector<256x1024xf32> to vector<256x1024xbf16>
      %mul3A_83 = arith.constant 5.000000e-01 : bf16
      %mul3A_84 = vector.broadcast %mul3A_83 : bf16 to vector<256x1024xbf16>
      %mul3A_85 = arith.mulf %convert_element_type3A_81, %mul3A_84 : vector<256x1024xbf16>
      %tanh3A_86 = math.tanh %mul3A_85 : vector<256x1024xbf16>
      %mul3A_87 = arith.constant 5.000000e-01 : bf16
      %mul3A_88 = vector.broadcast %mul3A_87 : bf16 to vector<256x1024xbf16>
      %mul3A_89 = arith.mulf %mul3A_88, %tanh3A_86 : vector<256x1024xbf16>
      %add3A_90 = arith.constant 5.000000e-01 : bf16
      %add3A_91 = vector.broadcast %add3A_90 : bf16 to vector<256x1024xbf16>
      %add3A_92 = arith.addf %add3A_91, %mul3A_89 : vector<256x1024xbf16>
      %mul3A_93 = arith.mulf %convert_element_type3A_81, %add3A_92 : vector<256x1024xbf16>
      %mul3A_94 = arith.mulf %mul3A_93, %convert_element_type3A_82 : vector<256x1024xbf16>
      %get3A_95 = arith.constant 0 : index
      %get3A_96 = arith.constant 1024 : index
      %get3A_97 = vector.load %arg15[%get3A_95, %get3A_96] : memref<1024x4096xbf16, #tpu.memory_space<vmem>>, vector<1024x1024xbf16>
      %dot_general3A_98 = arith.constant dense<0.000000e+00> : vector<256x1024xf32>
      %dot_general3A_99 = tpu.matmul %mul3A_94, %get3A_97, %dot_general3A_98 {dimension_numbers = #tpu.dot_dimension_numbers<[1], [1], [0], [0], [0, 0, 1, 0], [], []>, transpose_lhs_hint = false} : vector<256x1024xbf16>, vector<1024x1024xbf16>, vector<256x1024xf32> -> vector<256x1024xf32>
      %get3A_100 = arith.constant 0 : index
      %get3A_101 = arith.constant 0 : index
      %get3A_102 = vector.load %arg12[%get3A_100, %get3A_101] : memref<256x1024xf32, #tpu.memory_space<vmem>>, vector<256x1024xf32>
      %add3A_103 = arith.addf %get3A_102, %dot_general3A_99 : vector<256x1024xf32>
      %swap3A_104 = arith.constant 0 : index
      %swap3A_105 = arith.constant 0 : index
      %swap3A_106 = vector.load %arg12[%swap3A_104, %swap3A_105] : memref<256x1024xf32, #tpu.memory_space<vmem>>, vector<256x1024xf32>
      tpu.vector_store %arg12[%swap3A_104, %swap3A_105], %add3A_103 {strides = array<i32>} : memref<256x1024xf32, #tpu.memory_space<vmem>>, vector<256x1024xf32>,
      %get3A_107 = arith.constant 2048 : index
      %get3A_108 = arith.constant 0 : index
      %get3A_109 = vector.load %arg13[%get3A_107, %get3A_108] : memref<4096x128xbf16, #tpu.memory_space<vmem>>, vector<1024x128xbf16>
      %dot_general3A_110 = arith.constant dense<0.000000e+00> : vector<256x1024xf32>
      %dot_general3A_111 = tpu.matmul %convert_element_type3A_40, %get3A_109, %dot_general3A_110 {dimension_numbers = #tpu.dot_dimension_numbers<[1], [1], [0], [0], [0, 0, 1, 0], [], []>, transpose_lhs_hint = false} : vector<256x128xbf16>, vector<1024x128xbf16>, vector<256x1024xf32> -> vector<256x1024xf32>
      %get3A_112 = arith.constant 2048 : index
      %get3A_113 = arith.constant 0 : index
      %get3A_114 = vector.load %arg14[%get3A_112, %get3A_113] : memref<4096x128xbf16, #tpu.memory_space<vmem>>, vector<1024x128xbf16>
      %dot_general3A_115 = arith.constant dense<0.000000e+00> : vector<256x1024xf32>
      %dot_general3A_116 = tpu.matmul %convert_element_type3A_41, %get3A_114, %dot_general3A_115 {dimension_numbers = #tpu.dot_dimension_numbers<[1], [1], [0], [0], [0, 0, 1, 0], [], []>, transpose_lhs_hint = false} : vector<256x128xbf16>, vector<1024x128xbf16>, vector<256x1024xf32> -> vector<256x1024xf32>
      %convert_element_type3A_117 = arith.truncf %dot_general3A_116 : vector<256x1024xf32> to vector<256x1024xbf16>
      %convert_element_type3A_118 = arith.truncf %dot_general3A_111 : vector<256x1024xf32> to vector<256x1024xbf16>
      %mul3A_119 = arith.constant 5.000000e-01 : bf16
      %mul3A_120 = vector.broadcast %mul3A_119 : bf16 to vector<256x1024xbf16>
      %mul3A_121 = arith.mulf %convert_element_type3A_117, %mul3A_120 : vector<256x1024xbf16>
      %tanh3A_122 = math.tanh %mul3A_121 : vector<256x1024xbf16>
      %mul3A_123 = arith.constant 5.000000e-01 : bf16
      %mul3A_124 = vector.broadcast %mul3A_123 : bf16 to vector<256x1024xbf16>
      %mul3A_125 = arith.mulf %mul3A_124, %tanh3A_122 : vector<256x1024xbf16>
      %add3A_126 = arith.constant 5.000000e-01 : bf16
      %add3A_127 = vector.broadcast %add3A_126 : bf16 to vector<256x1024xbf16>
      %add3A_128 = arith.addf %add3A_127, %mul3A_125 : vector<256x1024xbf16>
      %mul3A_129 = arith.mulf %convert_element_type3A_117, %add3A_128 : vector<256x1024xbf16>
      %mul3A_130 = arith.mulf %mul3A_129, %convert_element_type3A_118 : vector<256x1024xbf16>
      %get3A_131 = arith.constant 0 : index
      %get3A_132 = arith.constant 2048 : index
      %get3A_133 = vector.load %arg15[%get3A_131, %get3A_132] : memref<1024x4096xbf16, #tpu.memory_space<vmem>>, vector<1024x1024xbf16>
      %dot_general3A_134 = arith.constant dense<0.000000e+00> : vector<256x1024xf32>
      %dot_general3A_135 = tpu.matmul %mul3A_130, %get3A_133, %dot_general3A_134 {dimension_numbers = #tpu.dot_dimension_numbers<[1], [1], [0], [0], [0, 0, 1, 0], [], []>, transpose_lhs_hint = false} : vector<256x1024xbf16>, vector<1024x1024xbf16>, vector<256x1024xf32> -> vector<256x1024xf32>
      %get3A_136 = arith.constant 0 : index
      %get3A_137 = arith.constant 0 : index
      %get3A_138 = vector.load %arg12[%get3A_136, %get3A_137] : memref<256x1024xf32, #tpu.memory_space<vmem>>, vector<256x1024xf32>
      %add3A_139 = arith.addf %get3A_138, %dot_general3A_135 : vector<256x1024xf32>
      %swap3A_140 = arith.constant 0 : index
      %swap3A_141 = arith.constant 0 : index
      %swap3A_142 = vector.load %arg12[%swap3A_140, %swap3A_141] : memref<256x1024xf32, #tpu.memory_space<vmem>>, vector<256x1024xf32>
      tpu.vector_store %arg12[%swap3A_140, %swap3A_141], %add3A_139 {strides = array<i32>} : memref<256x1024xf32, #tpu.memory_space<vmem>>, vector<256x1024xf32>,
      %get3A_143 = arith.constant 3072 : index
      %get3A_144 = arith.constant 0 : index
      %get3A_145 = vector.load %arg13[%get3A_143, %get3A_144] : memref<4096x128xbf16, #tpu.memory_space<vmem>>, vector<1024x128xbf16>
      %dot_general3A_146 = arith.constant dense<0.000000e+00> : vector<256x1024xf32>
      %dot_general3A_147 = tpu.matmul %convert_element_type3A_40, %get3A_145, %dot_general3A_146 {dimension_numbers = #tpu.dot_dimension_numbers<[1], [1], [0], [0], [0, 0, 1, 0], [], []>, transpose_lhs_hint = false} : vector<256x128xbf16>, vector<1024x128xbf16>, vector<256x1024xf32> -> vector<256x1024xf32>
      %get3A_148 = arith.constant 3072 : index
      %get3A_149 = arith.constant 0 : index
      %get3A_150 = vector.load %arg14[%get3A_148, %get3A_149] : memref<4096x128xbf16, #tpu.memory_space<vmem>>, vector<1024x128xbf16>
      %dot_general3A_151 = arith.constant dense<0.000000e+00> : vector<256x1024xf32>
      %dot_general3A_152 = tpu.matmul %convert_element_type3A_41, %get3A_150, %dot_general3A_151 {dimension_numbers = #tpu.dot_dimension_numbers<[1], [1], [0], [0], [0, 0, 1, 0], [], []>, transpose_lhs_hint = false} : vector<256x128xbf16>, vector<1024x128xbf16>, vector<256x1024xf32> -> vector<256x1024xf32>
      %convert_element_type3A_153 = arith.truncf %dot_general3A_152 : vector<256x1024xf32> to vector<256x1024xbf16>
      %convert_element_type3A_154 = arith.truncf %dot_general3A_147 : vector<256x1024xf32> to vector<256x1024xbf16>
      %mul3A_155 = arith.constant 5.000000e-01 : bf16
      %mul3A_156 = vector.broadcast %mul3A_155 : bf16 to vector<256x1024xbf16>
      %mul3A_157 = arith.mulf %convert_element_type3A_153, %mul3A_156 : vector<256x1024xbf16>
      %tanh3A_158 = math.tanh %mul3A_157 : vector<256x1024xbf16>
      %mul3A_159 = arith.constant 5.000000e-01 : bf16
      %mul3A_160 = vector.broadcast %mul3A_159 : bf16 to vector<256x1024xbf16>
      %mul3A_161 = arith.mulf %mul3A_160, %tanh3A_158 : vector<256x1024xbf16>
      %add3A_162 = arith.constant 5.000000e-01 : bf16
      %add3A_163 = vector.broadcast %add3A_162 : bf16 to vector<256x1024xbf16>
      %add3A_164 = arith.addf %add3A_163, %mul3A_161 : vector<256x1024xbf16>
      %mul3A_165 = arith.mulf %convert_element_type3A_153, %add3A_164 : vector<256x1024xbf16>
      %mul3A_166 = arith.mulf %mul3A_165, %convert_element_type3A_154 : vector<256x1024xbf16>
      %get3A_167 = arith.constant 0 : index
      %get3A_168 = arith.constant 3072 : index
      %get3A_169 = vector.load %arg15[%get3A_167, %get3A_168] : memref<1024x4096xbf16, #tpu.memory_space<vmem>>, vector<1024x1024xbf16>
      %dot_general3A_170 = arith.constant dense<0.000000e+00> : vector<256x1024xf32>
      %dot_general3A_171 = tpu.matmul %mul3A_166, %get3A_169, %dot_general3A_170 {dimension_numbers = #tpu.dot_dimension_numbers<[1], [1], [0], [0], [0, 0, 1, 0], [], []>, transpose_lhs_hint = false} : vector<256x1024xbf16>, vector<1024x1024xbf16>, vector<256x1024xf32> -> vector<256x1024xf32>
      %get3A_172 = arith.constant 0 : index
      %get3A_173 = arith.constant 0 : index
      %get3A_174 = vector.load %arg12[%get3A_172, %get3A_173] : memref<256x1024xf32, #tpu.memory_space<vmem>>, vector<256x1024xf32>
      %add3A_175 = arith.addf %get3A_174, %dot_general3A_171 : vector<256x1024xf32>
      %swap3A_176 = arith.constant 0 : index
      %swap3A_177 = arith.constant 0 : index
      %swap3A_178 = vector.load %arg12[%swap3A_176, %swap3A_177] : memref<256x1024xf32, #tpu.memory_space<vmem>>, vector<256x1024xf32>
      tpu.vector_store %arg12[%swap3A_176, %swap3A_177], %add3A_175 {strides = array<i32>} : memref<256x1024xf32, #tpu.memory_space<vmem>>, vector<256x1024xf32>,
    } else {
    }
    return
  }
  func.func @transform_0(%arg0: i32, %arg1: memref<24xi32, #tpu.memory_space<smem>>, %arg2: memref<24xi32, #tpu.memory_space<smem>>, %arg3: memref<24xi32, #tpu.memory_space<smem>>) -> (i32, i32) {
    %c0_i32 = arith.constant 0 : i32
    %c0_i32_0 = arith.constant 0 : i32
    %c0_i32_1 = arith.constant 0 : i32
    return %c0_i32, %c0_i32_0 : i32, i32
  }
  func.func @transform_1(%arg0: i32, %arg1: memref<24xi32, #tpu.memory_space<smem>>, %arg2: memref<24xi32, #tpu.memory_space<smem>>, %arg3: memref<24xi32, #tpu.memory_space<smem>>) -> (i32, i32) {
    %c0_i32 = arith.constant 0 : i32
    %c0_i32_0 = arith.constant 0 : i32
    return %arg0, %c0_i32 : i32, i32
  }
  func.func @transform_2(%arg0: i32, %arg1: memref<24xi32, #tpu.memory_space<smem>>, %arg2: memref<24xi32, #tpu.memory_space<smem>>, %arg3: memref<24xi32, #tpu.memory_space<smem>>) -> (i32, i32) {
    %c0_i32 = arith.constant 0 : i32
    %c0_i32_0 = arith.constant 0 : i32
    return %arg0, %c0_i32 : i32, i32
  }
  func.func @transform_3(%arg0: i32, %arg1: memref<24xi32, #tpu.memory_space<smem>>, %arg2: memref<24xi32, #tpu.memory_space<smem>>, %arg3: memref<24xi32, #tpu.memory_space<smem>>) -> (i32, i32, i32) {
    %get3A = arith.index_cast %arg0 : i32 to index
    %get3A_0 = memref.load %arg1[%get3A] : memref<24xi32, #tpu.memory_space<smem>>
    %c0_i32 = arith.constant 0 : i32
    %c0_i32_1 = arith.constant 0 : i32
    %c0_i32_2 = arith.constant 0 : i32
    return %get3A_0, %c0_i32, %c0_i32_1 : i32, i32, i32
  }
  func.func @transform_4(%arg0: i32, %arg1: memref<24xi32, #tpu.memory_space<smem>>, %arg2: memref<24xi32, #tpu.memory_space<smem>>, %arg3: memref<24xi32, #tpu.memory_space<smem>>) -> (i32, i32, i32) {
    %get3A = arith.index_cast %arg0 : i32 to index
    %get3A_0 = memref.load %arg1[%get3A] : memref<24xi32, #tpu.memory_space<smem>>
    %c0_i32 = arith.constant 0 : i32
    %c0_i32_1 = arith.constant 0 : i32
    %c0_i32_2 = arith.constant 0 : i32
    return %get3A_0, %c0_i32, %c0_i32_1 : i32, i32, i32
  }
  func.func @transform_5(%arg0: i32, %arg1: memref<24xi32, #tpu.memory_space<smem>>, %arg2: memref<24xi32, #tpu.memory_space<smem>>, %arg3: memref<24xi32, #tpu.memory_space<smem>>) -> (i32, i32, i32) {
    %get3A = arith.index_cast %arg0 : i32 to index
    %get3A_0 = memref.load %arg1[%get3A] : memref<24xi32, #tpu.memory_space<smem>>
    %c0_i32 = arith.constant 0 : i32
    %c0_i32_1 = arith.constant 0 : i32
    %c0_i32_2 = arith.constant 0 : i32
    return %get3A_0, %c0_i32, %c0_i32_1 : i32, i32, i32
  }
  func.func @transform_6(%arg0: i32, %arg1: memref<24xi32, #tpu.memory_space<smem>>, %arg2: memref<24xi32, #tpu.memory_space<smem>>, %arg3: memref<24xi32, #tpu.memory_space<smem>>) -> (i32, i32, i32) {
    %get3A = arith.index_cast %arg0 : i32 to index
    %get3A_0 = memref.load %arg1[%get3A] : memref<24xi32, #tpu.memory_space<smem>>
    %c0_i32 = arith.constant 0 : i32
    %c0_i32_1 = arith.constant 0 : i32
    %c0_i32_2 = arith.constant 0 : i32
    return %get3A_0, %c0_i32, %c0_i32_1 : i32, i32, i32
  }
  func.func @transform_7(%arg0: i32, %arg1: memref<24xi32, #tpu.memory_space<smem>>, %arg2: memref<24xi32, #tpu.memory_space<smem>>, %arg3: memref<24xi32, #tpu.memory_space<smem>>) -> (i32, i32, i32) {
    %get3A = arith.index_cast %arg0 : i32 to index
    %get3A_0 = memref.load %arg1[%get3A] : memref<24xi32, #tpu.memory_space<smem>>
    %c0_i32 = arith.constant 0 : i32
    %c0_i32_1 = arith.constant 0 : i32
    %c0_i32_2 = arith.constant 0 : i32
    return %get3A_0, %c0_i32, %c0_i32_1 : i32, i32, i32
  }
  func.func @transform_8(%arg0: i32, %arg1: memref<24xi32, #tpu.memory_space<smem>>, %arg2: memref<24xi32, #tpu.memory_space<smem>>, %arg3: memref<24xi32, #tpu.memory_space<smem>>) -> (i32, i32) {
    %c0_i32 = arith.constant 0 : i32
    %c0_i32_0 = arith.constant 0 : i32
    return %arg0, %c0_i32 : i32, i32
  }
}

</mosaic_0001>

<sc_bundles>
// kernel: kernel.6.cloned.1.call-start
scs
__scs_entry_jumppad:
0x0: {  	(pc) =	sbr.rel $0x88, $3  }
0x1: {  	(tag) =	ssettag $0x0;
	lr =	simm.s32 $0x1  }
0x2: {  	[smem:$0x3F97] =	sst lr;
	_ =	strace $0xD0000000  }
0x3: {  	_ = 	snop  }
0x4: {  	_ = 	snop  }
0x5: {  	_ = 	snop  }
0x6: {  	_ = 	snop  }
0x7: {  	_ = 	snop  }
__scs_overlays_trampoline_lowered:
0x8: {  	[smem:$0x3FA6] =	sst s0  }
0x9: {  	[smem:$0x3FA7] =	sst s1  }
0xa: {  	[smem:$0x3FA8] =	sst s2  }
0xb: {  	[smem:$0x3FA9] =	sst s3  }
0xc: {  	[smem:$0x3FAA] =	sst s4  }
0xd: {  	[smem:$0x3FAB] =	sst s5  }
0xe: {  	[smem:$0x3FAC] =	sst s6  }
0xf: {  	[smem:$0x3FAD] =	sst s7  }
0x10: {  	[smem:$0x3FAE] =	sst s8  }
0x11: {  	[smem:$0x3FAF] =	sst s9;
	s0 =	simm.s32 @!p0 $0x0  }
0x12: {  	s1 =	sld [smem:$0x3F95];
	s0 =	simm.s32 @p0 $0x1  }
0x13: {  	[smem:$0x3FB0] =	sst s0;
	s0 =	simm.s32 @!p1 $0x0  }
0x14: {  	s2 =	sld [smem:$0x3F94];
	s0 =	simm.s32 @p1 $0x1  }
0x15: {  	[smem:$0x3FB1] =	sst s0;
	s0 =	simm.s32 @!p2 $0x0  }
0x16: {  	s3 =	sld [smem:$0x3FDB];
	s0 =	simm.s32 @p2 $0x1  }
0x17: {  	s4 =	simm.s32 $0x1BF5;
	[smem:$0x3FB3] =	sst s0  }
0x18: {  	s0 =	sld [smem:$0x3F96];
	_ =	swait.ge [sflag:s4], $0x0  }
0x19: {  	s7 =	sld [smem:$0x3F97]  }
0x1a: {  	s8 =	sadd.s32 $0xFFFFE003, lr  }
0x1b: {  	s9 =	sadd.s32 $0xFFFFFEF7, lr;
	s5 =	simm.s32 $0xFFFFFFFF;
	p2 =	slt.u32 s8, $0xFFFFF086  }
0x1c: {  	p1 =	slt.u32 s9, $0xF7A;
	s5 =	simm.s32 @!p2 $0x0  }
0x1d: {  	s5 =	simm.s32 @p1 $0x1;
	p0 =	seq.s32 s7, s2  }
0x1e: {  	s7 =	smul.u32 @!p0 $0xF7A, s2;
	p2 =	seq.s32 @!p0 s5, $0x0  }
0x1f: {  	s9 =	smul.u32 $0xF7A, s1;
	s8 =	simm.s32 @!p0 $0x1BF5;
	p2 =	por !p2, p0  }
0x20: {  	[sflag:s8] =	ssyncset.s32 @!p0 $0xFFFFF086;
	s6 =	sadd.s32 @!p0 s3, s7;
	s7 =	simm.s32 @!p0 $0x108  }
0x21: {  	s3 =	sadd.s32 s3, s9;
	s6 =	sadd.s32 @!p0 $0x88, s6;
	s7 =	simm.s32 @p2 $0x1082  }
0x22: {  	[simem:s7], [sflag:s8] =	dma.local @!p0 [hbm:s6], $0xF7A  }
0x23: {  	s9 =	sor.u32 $0xD0000000, s2;
	s6 =	simm.s32 $0x108;
	_ =	swait.ge @!p0 [sflag:s8], $0x0  }
0x24: {  	s3 =	sadd.s32 $0x88, s3;
	s6 =	simm.s32 @!p1 $0x1082;
	[sflag:s4] =	ssyncset.s32 $0xFFFFF086  }
0x25: {  	[simem:s6], [sflag:s4] =	dma.local [hbm:s3], $0xF7A  }
0x26: {  	[smem:$0x3F97] =	sst s1;
	(tag) =	ssettag s2;
	_ =	strace s9  }
0x27: {  	s1 =	sld [smem:$0x3FA7]  }
0x28: {  	s2 =	sld [smem:$0x3FA8]  }
0x29: {  	s4 =	sld [smem:$0x3FAA]  }
0x2a: {  	p0 =	seq.s32 s5, $0x0;
	s5 =	sld [smem:$0x3FAB]  }
0x2b: {  	s6 =	sld [smem:$0x3FAC]  }
0x2c: {  	s7 =	sld [smem:$0x3FAD]  }
0x2d: {  	s3 =	simm.s32 $0x108;
	s8 =	sld [smem:$0x3FAE]  }
0x2e: {  	s3 =	simm.s32 @!p0 $0x1082;
	s9 =	sld [smem:$0x3FAF]  }
0x2f: {  	lr =	sadd.s32 s0, s3;
	s0 =	sld [smem:$0x3FA6]  }
0x30: {  	s3 =	sld [smem:$0x3FA9]  }
0x31: {  	[smem:$0x3FB2] =	sst s10  }
0x32: {  	s10 =	sld [smem:$0x3FB0];
	_ =	sdelay $0x3  }
0x33: {  	p0 =	seq.s32 s10, $0x1;
	s10 =	sld [smem:$0x3FB2];
	_ =	sdelay $0x3  }
0x34: {  	[smem:$0x3FB2] =	sst s10  }
0x35: {  	s10 =	sld [smem:$0x3FB1];
	_ =	sdelay $0x3  }
0x36: {  	p1 =	seq.s32 s10, $0x1;
	s10 =	sld [smem:$0x3FB2];
	_ =	sdelay $0x3  }
0x37: {  	[smem:$0x3FB2] =	sst s10  }
0x38: {  	s10 =	sld [smem:$0x3FB3]  }
0x39: {  	_ = 	snop;
	(pc) =	sbr.ind lr, $3  }
0x3a: {  	_ = 	snop  }
0x3b: {  	_ = 	snop  }
0x3c: {  	p2 =	seq.s32 s10, $0x1;
	s10 =	sld [smem:$0x3FB2]  }
0x3d: {  	_ =	shalt  }
0x3e: {  	_ =	shalt  }
0x3f: {  	_ =	shalt  }
0x40: {  	_ =	shalt  }
0x41: {  	_ =	shalt  }
0x42: {  	_ =	shalt  }
0x43: {  	_ =	shalt  }
0x44: {  	_ =	shalt  }
0x45: {  	_ =	shalt  }
0x46: {  	_ =	shalt  }
0x47: {  	_ =	shalt  }
0x48: {  	_ =	shalt  }
0x49: {  	_ =	shalt  }
0x4a: {  	_ =	shalt  }
0x4b: {  	_ =	shalt  }
0x4c: {  	_ =	shalt  }
0x4d: {  	_ =	shalt  }
0x4e: {  	_ =	shalt  }
0x4f: {  	_ =	shalt  }
0x50: {  	_ =	shalt  }
0x51: {  	_ =	shalt  }
0x52: {  	_ =	shalt  }
0x53: {  	_ =	shalt  }
0x54: {  	_ =	shalt  }
0x55: {  	_ =	shalt  }
0x56: {  	_ =	shalt  }
0x57: {  	_ =	shalt  }
0x58: {  	_ =	shalt  }
0x59: {  	_ =	shalt  }
0x5a: {  	_ =	shalt  }
0x5b: {  	_ =	shalt  }
0x5c: {  	_ =	shalt  }
0x5d: {  	_ =	shalt  }
0x5e: {  	_ =	shalt  }
0x5f: {  	_ =	shalt  }
0x60: {  	_ =	shalt  }
0x61: {  	_ =	shalt  }
0x62: {  	_ =	shalt  }
0x63: {  	_ =	shalt  }
0x64: {  	_ =	shalt  }
0x65: {  	_ =	shalt  }
0x66: {  	_ =	shalt  }
0x67: {  	_ =	shalt  }
0x68: {  	_ =	shalt  }
0x69: {  	_ =	shalt  }
0x6a: {  	_ =	shalt  }
0x6b: {  	_ =	shalt  }
0x6c: {  	_ =	shalt  }
0x6d: {  	_ =	shalt  }
0x6e: {  	_ =	shalt  }
0x6f: {  	_ =	shalt  }
0x70: {  	_ =	shalt  }
0x71: {  	_ =	shalt  }
0x72: {  	_ =	shalt  }
0x73: {  	_ =	shalt  }
0x74: {  	_ =	shalt  }
0x75: {  	_ =	shalt  }
0x76: {  	_ =	shalt  }
0x77: {  	_ =	shalt  }
0x78: {  	_ =	shalt  }
0x79: {  	_ =	shalt  }
0x7a: {  	_ =	shalt  }
0x7b: {  	_ =	shalt  }
0x7c: {  	_ =	shalt  }
0x7d: {  	_ =	shalt  }
0x7e: {  	_ =	shalt  }
0x7f: {  	_ =	shalt  }
0x80: {  	_ =	shalt  }
0x81: {  	_ =	shalt  }
0x82: {  	_ =	shalt  }
0x83: {  	_ =	shalt  }
0x84: {  	_ =	shalt  }
0x85: {  	_ =	shalt  }
0x86: {  	_ =	shalt  }
0x87: {  	_ =	shalt  }
.Lfunc_end0:
.L_simem_size_0:
called_computation_lowered:
.L_overlay_start_0:
0x88: {  	s2 =	sld [smem:$0x3FD9]  }
0x89: {  	s3 =	sld [smem:$0x3FFE];
	_ =	sdelay $0x1  }
0x8a: {  	s1 =	srdreg.scid  }
0x8b: {  	s0 =	sand.u32 $0x1, s1  }
0x8c: {  	s16 =	sshll.u32 s0, $0xA;
	s2 =	sadd.s32 s3, s2  }
0x8d: {  	s2 =	sadd.s32 s2, s16  }
0x8e: {  	[smem:$0x3FBE] =	sst s2  }
0x8f: {  	_ = 	snop  }
0x90: {  	(tm) =	ssettm $0x1  }
0x91: {  	s17 =	sld [smem:$0x3FFB];
	_ =	sdelay $0x3  }
0x92: {  	_ =	strace s17  }
0x93: {  	s2 =	sld [smem:$0x3FFC];
	_ =	sdelay $0x3  }
0x94: {  	_ =	strace s2  }
0x95: {  	s2 =	sld [smem:$0x3FFD];
	_ =	sdelay $0x3  }
0x96: {  	_ =	strace s2  }
0x97: {  	_ =	strace $0x8FFFFFFF  }
0x98: {  	s18 =	sld [smem:$0x3FDB];
	_ =	sdelay $0x1  }
0x99: {  	s19 =	simm.s32 $_scs_section_size  }
0x9a: {  	s4 =	simm.s32 $_size__tile_overlayer_lowered;
	s5 =	simm.s32 $_tile_overlayer_lowered  }
0x9b: {  	s22 =	simm.s32 $0x1BFF;
	s21 =	sshll.u32 s5, $0x1;
	s2 =	sadd.s32 s19, s18  }
0x9c: {  	s6 =	simm.s32 $0x0;
	s20 =	sshll.u32 s4, $0x1;
	s4 =	sadd.s32 s21, s2  }
0x9d: {  	[timem:s6], [sflag:s22] =	dma.local [hbm:s4], s20  }
0x9e: {  	_ =	swait.ge [sflag:s22], s20  }
0x9f: {  	s3 =	ssub.s32 $0x0, s20;
	[sflag:s22] =	ssyncset.done $0x0  }
0xa0: {  	[sflag:s22] =	ssyncadd.s32 s3;
	_ =	sdelay $0x1  }
0xa1: {  	s23 =	simm.s32 $0x1B8B  }
0xa2: {  	_ =	swait.ge [sflag:s23], $0x1  }
0xa3: {  	[sflag:s23] =	ssyncset.done $0x0  }
0xa4: {  	s25 =	simm.s32 $0x1B8E;
	s24 =	sld [smem:$0x3FFE];
	[sflag:s23] =	ssyncadd.s32 $0xFFFFFFFF  }
0xa5: {  	s26 =	simm.s32 $execute0_lowered;
	[smem:$0x3FD2] =	sst s25  }
0xa6: {  	s4 =	sshll.u32 s26, $0x1;
	_ =	strace $0x80000046;
	[dreg:$0x1] =	wrdreg $0xFFFFFFFF  }
0xa7: {  	s28 =	simm.s32 $_size_execute0_lowered;
	s2 =	sadd.s32 s2, s4;
	[dreg:$0x0] =	wrdreg $0x0  }
0xa8: {  	s4 =	sshll.u32 s28, $0x1;
	[dreg:$0x2] =	wrdreg s2  }
0xa9: {  	[dreg:$0x3] =	wrdreg s4  }
0xaa: {  	[dreg:$0x4] =	wrdreg $0xC0  }
0xab: {  	_ =	task [dreg:s6], $0x5FFFF  }
0xac: {  	[dreg:$0x1] =	wrdreg $0xFFFFFFFF  }
0xad: {  	[dreg:$0x0] =	wrdreg $0x60  }
0xae: {  	[dreg:$0x2] =	wrdreg s24  }
0xaf: {  	[dreg:$0x3] =	wrdreg $0x9  }
0xb0: {  	_ =	task.clear_ibuf [dreg:s6], $0x4FFFF;
	_ =	strace $0x90000046  }
0xb1: {  	s29 =	simm.s32 $0x9;
	_ =	strace $0x80000048  }
0xb2: {  	_ =	swait.ge [sflag:s29], $0x1  }
0xb3: {  	[sflag:s29] =	ssyncadd.s32 $0xFFFFFFFF  }
0xb4: {  	_ =	strace $0x90000048  }
0xb5: {  	_ =	sfence  }
0xb6: {  	s30 =	sld [smem:$0x0];
	_ =	sdelay $0x2  }
0xb7: {  	s31 =	sshll.u32 s1, $0xD;
	s1 =	sshrl.u32 s1, $0x2  }
0xb8: {  	s3 =	sand.u32 $0x4000, s31;
	s1 =	sadd.s32 s1, s30  }
0xb9: {  	s0 =	sor.u32 s3, s0;
	s1 =	sshll.u32 s1, $0x11  }
0xba: {  	s0 =	sor.u32 s1, s0  }
0xbb: {  	s0 =	sadd.s32 $0x8F2B, s0  }
0xbc: {  	[sflag:s0] =	ssyncadd.remote.s32 $0x1  }
0xbd: {  	_ =	sfence.sel $0xFFFF  }
0xbe: {  	[dreg:$0x0] =	wrdreg $0xFFFFFFFF;
	(pc) =	sbr.abs _section_cstart, $3  }
0xbf: {  	[dreg:$0x1] =	wrdreg $0xFFFFFFFF  }
0xc0: {  	_ =	task.clear_ibuf [dreg:s6], $0x2FFFF;
	_ =	strace $0x9FFFFFFF  }
0xc1: {  	(tm) =	ssettm $0x7FFFFFFF  }
tec
execute0_lowered:
.L_overlay_start_1:
0x0: {  	(tag) =	ssettag $0x1  }
0x1: {  	s1 =	srdreg.scid  }
0x2: {  	s0 =	stileid.u32;
	s2 =	rddreg [dreg:$0x0]  }
0x3: {  	s3 =	simm.s32 $0x0;
	s9 =	simm.s32 $0x1;
	s10 =	simm.s32 $0x1000  }
0x4: {  	s11 =	simm.s32 $0x2000;
	s4 =	sand.u32 $0x1, s1;
	s5 =	sshll.u32 s0, $0x1  }
0x5: {  	s13 =	simm.s32 $0x3100;
	s14 =	simm.s32 $0x0;
	s5 =	sor.u32 s4, s5  }
0x6: {  	[smem:$0x7FF] =	sst s3;
	s6 =	ssub.s32 $0x2, s4;
	s12 =	smul.u32 $0xC0, s5  }
0x7: {  	s1 =	rddreg [dreg:$0x1];
	_ =	strace $0x80000047;
	s8 =	sshrl.u32 s6, $0x1  }
0x8: {  	s4 =	sadd.s32 $0x200, s2;
	s8 =	ssub.s32 s6, s8;
	s7 =	sshrl.u32 s12, $0x3  }
0x9: {  	s5 =	sadd.s32 $0xE00, s2;
	s8 =	smax.u32 s8, $0x1;
	s7 =	sadd.s32 s7, s2  }
0xa: {  	v1 =	vimm.s32 $0x0;
	v2 =	vimm.f32 $0.0e+00;
	v0 =	vmov s12;
	s12 =	simm.s32 $0x3000;
	s6 =	sadd.s32 $0x400, s7;
	s7 =	sadd.s32 $0x800, s7  }
.LBB2_1:
0xb: {  	[tilespmem:s3], [sflag:$0x1] =	stream.linear.gather [hbm4b:s4+s3], $0x1000, $0x38;
	[tilespmem:$0x3200] =	vst v63  }
0xc: {  	_ =	swait.ge [sflag:s9], $0x1000  }
0xd: {  	[sflag:s9] =	ssyncset.done $0x0  }
0xe: {  	[sflag:s9] =	ssyncadd.s32 $0xFFFFF000  }
0xf: {  	[tilespmem:s10], [sflag:$0x1] =	stream.linear.gather [hbm4b:s2+s3], $0x1000, $0x38;
	[tilespmem:$0x3200] =	vst v63  }
0x10: {  	_ =	swait.ge [sflag:s9], $0x1000  }
0x11: {  	[sflag:s9] =	ssyncset.done $0x0  }
0x12: {  	[sflag:s9] =	ssyncadd.s32 $0xFFFFF000  }
0x13: {  	[tilespmem:s11], [sflag:$0x1] =	stream.linear.gather [hbm4b:s5+s3], $0x1000, $0x38;
	[tilespmem:$0x3200] =	vst v63  }
0x14: {  	_ =	swait.ge [sflag:s9], $0x1000  }
0x15: {  	[sflag:s9] =	ssyncset.done $0x0  }
0x16: {  	[sflag:s9] =	ssyncadd.s32 $0xFFFFF000  }
0x17: {  	[tilespmem:$0x3000] =	vst v1  }
0x18: {  	[tilespmem:$0x3100] =	vst v2  }
0x19: {  	[tilespmem:$0x3010] =	vst v1  }
0x1a: {  	[tilespmem:$0x3110] =	vst v2  }
0x1b: {  	[tilespmem:$0x3020] =	vst v1  }
0x1c: {  	[tilespmem:$0x3120] =	vst v2  }
0x1d: {  	[tilespmem:$0x3030] =	vst v1  }
0x1e: {  	[tilespmem:$0x3130] =	vst v2  }
0x1f: {  	[tilespmem:$0x3040] =	vst v1  }
0x20: {  	[tilespmem:$0x3140] =	vst v2  }
0x21: {  	[tilespmem:$0x3050] =	vst v1  }
0x22: {  	[tilespmem:$0x3150] =	vst v2  }
0x23: {  	[tilespmem:$0x3060] =	vst v1  }
0x24: {  	[tilespmem:$0x3160] =	vst v2  }
0x25: {  	[tilespmem:$0x3070] =	vst v1  }
0x26: {  	[tilespmem:$0x3170] =	vst v2  }
0x27: {  	[tilespmem:$0x3080] =	vst v1  }
0x28: {  	[tilespmem:$0x3180] =	vst v2  }
0x29: {  	[tilespmem:$0x3090] =	vst v1  }
0x2a: {  	[tilespmem:$0x3190] =	vst v2  }
0x2b: {  	[tilespmem:$0x30A0] =	vst v1  }
0x2c: {  	[tilespmem:$0x31A0] =	vst v2  }
0x2d: {  	[tilespmem:$0x30B0] =	vst v1  }
0x2e: {  	s15 =	simm.s32 $0x0;
	s16 =	simm.s32 $0x40;
	[tilespmem:$0x31B0] =	vst v2  }
.LBB2_2:
0x2f: {  	p0 =	sne.s32 s16, $0x3FC0;
	v3 =	vld [tilespmem:s15+$0x0]  }
0x30: {  	v4 =	vld [tilespmem:s15+$0x1000];
	_ =	sdelay $0x3  }
0x31: {  	v3 =	vsub.s32 v3, v0  }
0x32: {  	vm0 =	vlt.u32 v3, $0xC0;
	_ =	sdelay $0x5  }
0x33: {  	[tilespmem:v3+s12+$0x0] =	vst.idx.msk vm0, v4  }
0x34: {  	v4 =	vld [tilespmem:s15+$0x2000]  }
.Ltmp0:
0x35: {  	(pc) =	sbr.rel @p0 .LBB2_2-.Ltmp0, $2  }
0x36: {  	_ =	sdelay $0x2  }
0x37: {  	s15 =	sshra.s32 s16, $0x2;
	s16 =	sadd.s32 $0x40, s16;
	[tilespmem:v3+s13+$0x0] =	vst.idx.msk vm0, v4  }
0x38: {  	v3 =	vld [tilespmem:s15+$0x0];
	_ =	sdelay $0x4  }
0x39: {  	v3 =	vsub.s32 v3, v0  }
0x3a: {  	vm0 =	vlt.u32 v3, $0xC0  }
0x3b: {  	v4 =	vld [tilespmem:s15+$0x1000];
	_ =	sdelay $0x4  }
0x3c: {  	[tilespmem:v3+s12+$0x0] =	vst.idx.msk vm0, v4  }
0x3d: {  	v4 =	vld [tilespmem:s15+$0x2000];
	_ =	sdelay $0x4  }
0x3e: {  	[tilespmem:v3+s13+$0x0] =	vst.idx.msk vm0, v4  }
0x3f: {  	[hbm4b:s6+s3] =	stream.linear.scatter [tilespmem:s12], [sflag:$0x1], $0xC0, $0x38;
	[tilespmem:$0x3200] =	vst v63  }
0x40: {  	s14 =	sadd.s32 $0x1, s14;
	_ =	swait.ge [sflag:s9], $0xC0  }
0x41: {  	p0 =	sne.s32 s14, s8;
	[sflag:s9] =	ssyncset.done $0x0  }
.Ltmp1:
0x42: {  	[sflag:s9] =	ssyncadd.s32 $0xFFFFFF40;
	(pc) =	sbr.rel @p0 .LBB2_1-.Ltmp1, $4  }
0x43: {  	[hbm4b:s7+s3] =	stream.linear.scatter [tilespmem:s13], [sflag:$0x1], $0xC0, $0x38;
	[tilespmem:$0x3200] =	vst v63  }
0x44: {  	_ =	swait.ge [sflag:s9], $0xC0  }
0x45: {  	[sflag:s9] =	ssyncset.done $0x0  }
0x46: {  	[sflag:s9] =	ssyncadd.s32 $0xFFFFFF40  }
0x47: {  	_ =	sfence.sel $0x180000  }
0x48: {  	[bflag:$0x0] =	sbarrier.arrive $0xFFFF  }
0x49: {  	p0 =	sne.s32 s0, $0x0;
	_ =	strace $0x90000047  }
0x4a: {  	s0 =	sadd.s32 @!p0 $0x100000, s1;
	[bflag:$0x2] =	sbarrier.arrive $0xFFFF  }
0x4b: {  	[sflag:s0] =	ssyncadd.tile.s32 @!p0 $0x1;
	_ =	shalt  }
.Lfunc_end2:
_tile_overlayer_lowered:
.L_overlay_start_2:
0x4c: {  	(tag) =	ssettag $0x2  }
0x4d: {  	s0 =	rddreg [dreg:$0x0];
	s2 =	stileid.u32  }
0x4e: {  	s1 =	rddreg [dreg:$0x1];
	p0 =	sne.s32 s2, $0x0  }
0x4f: {  	s3 =	rddreg [dreg:$0x2];
	[bflag:$0x3] =	sbarrier.arrive $0xFFFF;
	s2 =	simm.s32 @!p0 $0x1C01  }
0x50: {  	[timem:s3], [sflag:s2] =	dma.local @!p0 [hbm:s0], s1  }
0x51: {  	s0 =	simm.s32 @!p0 $0x1  }
0x52: {  	_ =	swait.ge @!p0 [sflag:s0], s1  }
0x53: {  	s1 =	ssub.s32 @!p0 $0x0, s1;
	[sflag:s0] =	ssyncset.done @!p0 $0x0  }
0x54: {  	[sflag:s0] =	ssyncadd.s32 @!p0 s1  }
0x55: {  	[bflag:$0x3] =	sbarrier.arrive $0xFFFF  }
0x56: {  	_ =	shalt  }

// kernel: kernel.9.cloned.1.call-start
scs
__scs_entry_jumppad:
0x0: {  	(pc) =	sbr.rel $0x88, $3  }
0x1: {  	(tag) =	ssettag $0x0;
	lr =	simm.s32 $0x1  }
0x2: {  	[smem:$0x3F97] =	sst lr;
	_ =	strace $0xD0000000  }
0x3: {  	_ = 	snop  }
0x4: {  	_ = 	snop  }
0x5: {  	_ = 	snop  }
0x6: {  	_ = 	snop  }
0x7: {  	_ = 	snop  }
__scs_overlays_trampoline_lowered:
0x8: {  	[smem:$0x3FA6] =	sst s0  }
0x9: {  	[smem:$0x3FA7] =	sst s1  }
0xa: {  	[smem:$0x3FA8] =	sst s2  }
0xb: {  	[smem:$0x3FA9] =	sst s3  }
0xc: {  	[smem:$0x3FAA] =	sst s4  }
0xd: {  	[smem:$0x3FAB] =	sst s5  }
0xe: {  	[smem:$0x3FAC] =	sst s6  }
0xf: {  	[smem:$0x3FAD] =	sst s7  }
0x10: {  	[smem:$0x3FAE] =	sst s8  }
0x11: {  	[smem:$0x3FAF] =	sst s9;
	s0 =	simm.s32 @!p0 $0x0  }
0x12: {  	s1 =	sld [smem:$0x3F95];
	s0 =	simm.s32 @p0 $0x1  }
0x13: {  	[smem:$0x3FB0] =	sst s0;
	s0 =	simm.s32 @!p1 $0x0  }
0x14: {  	s2 =	sld [smem:$0x3F94];
	s0 =	simm.s32 @p1 $0x1  }
0x15: {  	[smem:$0x3FB1] =	sst s0;
	s0 =	simm.s32 @!p2 $0x0  }
0x16: {  	s3 =	sld [smem:$0x3FDB];
	s0 =	simm.s32 @p2 $0x1  }
0x17: {  	s4 =	simm.s32 $0x1BF5;
	[smem:$0x3FB3] =	sst s0  }
0x18: {  	s0 =	sld [smem:$0x3F96];
	_ =	swait.ge [sflag:s4], $0x0  }
0x19: {  	s7 =	sld [smem:$0x3F97]  }
0x1a: {  	s8 =	sadd.s32 $0xFFFFE003, lr  }
0x1b: {  	s9 =	sadd.s32 $0xFFFFFEF7, lr;
	s5 =	simm.s32 $0xFFFFFFFF;
	p2 =	slt.u32 s8, $0xFFFFF086  }
0x1c: {  	p1 =	slt.u32 s9, $0xF7A;
	s5 =	simm.s32 @!p2 $0x0  }
0x1d: {  	s5 =	simm.s32 @p1 $0x1;
	p0 =	seq.s32 s7, s2  }
0x1e: {  	s7 =	smul.u32 @!p0 $0xF7A, s2;
	p2 =	seq.s32 @!p0 s5, $0x0  }
0x1f: {  	s9 =	smul.u32 $0xF7A, s1;
	s8 =	simm.s32 @!p0 $0x1BF5;
	p2 =	por !p2, p0  }
0x20: {  	[sflag:s8] =	ssyncset.s32 @!p0 $0xFFFFF086;
	s6 =	sadd.s32 @!p0 s3, s7;
	s7 =	simm.s32 @!p0 $0x108  }
0x21: {  	s3 =	sadd.s32 s3, s9;
	s6 =	sadd.s32 @!p0 $0x88, s6;
	s7 =	simm.s32 @p2 $0x1082  }
0x22: {  	[simem:s7], [sflag:s8] =	dma.local @!p0 [hbm:s6], $0xF7A  }
0x23: {  	s9 =	sor.u32 $0xD0000000, s2;
	s6 =	simm.s32 $0x108;
	_ =	swait.ge @!p0 [sflag:s8], $0x0  }
0x24: {  	s3 =	sadd.s32 $0x88, s3;
	s6 =	simm.s32 @!p1 $0x1082;
	[sflag:s4] =	ssyncset.s32 $0xFFFFF086  }
0x25: {  	[simem:s6], [sflag:s4] =	dma.local [hbm:s3], $0xF7A  }
0x26: {  	[smem:$0x3F97] =	sst s1;
	(tag) =	ssettag s2;
	_ =	strace s9  }
0x27: {  	s1 =	sld [smem:$0x3FA7]  }
0x28: {  	s2 =	sld [smem:$0x3FA8]  }
0x29: {  	s4 =	sld [smem:$0x3FAA]  }
0x2a: {  	p0 =	seq.s32 s5, $0x0;
	s5 =	sld [smem:$0x3FAB]  }
0x2b: {  	s6 =	sld [smem:$0x3FAC]  }
0x2c: {  	s7 =	sld [smem:$0x3FAD]  }
0x2d: {  	s3 =	simm.s32 $0x108;
	s8 =	sld [smem:$0x3FAE]  }
0x2e: {  	s3 =	simm.s32 @!p0 $0x1082;
	s9 =	sld [smem:$0x3FAF]  }
0x2f: {  	lr =	sadd.s32 s0, s3;
	s0 =	sld [smem:$0x3FA6]  }
0x30: {  	s3 =	sld [smem:$0x3FA9]  }
0x31: {  	[smem:$0x3FB2] =	sst s10  }
0x32: {  	s10 =	sld [smem:$0x3FB0];
	_ =	sdelay $0x3  }
0x33: {  	p0 =	seq.s32 s10, $0x1;
	s10 =	sld [smem:$0x3FB2];
	_ =	sdelay $0x3  }
0x34: {  	[smem:$0x3FB2] =	sst s10  }
0x35: {  	s10 =	sld [smem:$0x3FB1];
	_ =	sdelay $0x3  }
0x36: {  	p1 =	seq.s32 s10, $0x1;
	s10 =	sld [smem:$0x3FB2];
	_ =	sdelay $0x3  }
0x37: {  	[smem:$0x3FB2] =	sst s10  }
0x38: {  	s10 =	sld [smem:$0x3FB3]  }
0x39: {  	_ = 	snop;
	(pc) =	sbr.ind lr, $3  }
0x3a: {  	_ = 	snop  }
0x3b: {  	_ = 	snop  }
0x3c: {  	p2 =	seq.s32 s10, $0x1;
	s10 =	sld [smem:$0x3FB2]  }
0x3d: {  	_ =	shalt  }
0x3e: {  	_ =	shalt  }
0x3f: {  	_ =	shalt  }
0x40: {  	_ =	shalt  }
0x41: {  	_ =	shalt  }
0x42: {  	_ =	shalt  }
0x43: {  	_ =	shalt  }
0x44: {  	_ =	shalt  }
0x45: {  	_ =	shalt  }
0x46: {  	_ =	shalt  }
0x47: {  	_ =	shalt  }
0x48: {  	_ =	shalt  }
0x49: {  	_ =	shalt  }
0x4a: {  	_ =	shalt  }
0x4b: {  	_ =	shalt  }
0x4c: {  	_ =	shalt  }
0x4d: {  	_ =	shalt  }
0x4e: {  	_ =	shalt  }
0x4f: {  	_ =	shalt  }
0x50: {  	_ =	shalt  }
0x51: {  	_ =	shalt  }
0x52: {  	_ =	shalt  }
0x53: {  	_ =	shalt  }
0x54: {  	_ =	shalt  }
0x55: {  	_ =	shalt  }
0x56: {  	_ =	shalt  }
0x57: {  	_ =	shalt  }
0x58: {  	_ =	shalt  }
0x59: {  	_ =	shalt  }
0x5a: {  	_ =	shalt  }
0x5b: {  	_ =	shalt  }
0x5c: {  	_ =	shalt  }
0x5d: {  	_ =	shalt  }
0x5e: {  	_ =	shalt  }
0x5f: {  	_ =	shalt  }
0x60: {  	_ =	shalt  }
0x61: {  	_ =	shalt  }
0x62: {  	_ =	shalt  }
0x63: {  	_ =	shalt  }
0x64: {  	_ =	shalt  }
0x65: {  	_ =	shalt  }
0x66: {  	_ =	shalt  }
0x67: {  	_ =	shalt  }
0x68: {  	_ =	shalt  }
0x69: {  	_ =	shalt  }
0x6a: {  	_ =	shalt  }
0x6b: {  	_ =	shalt  }
0x6c: {  	_ =	shalt  }
0x6d: {  	_ =	shalt  }
0x6e: {  	_ =	shalt  }
0x6f: {  	_ =	shalt  }
0x70: {  	_ =	shalt  }
0x71: {  	_ =	shalt  }
0x72: {  	_ =	shalt  }
0x73: {  	_ =	shalt  }
0x74: {  	_ =	shalt  }
0x75: {  	_ =	shalt  }
0x76: {  	_ =	shalt  }
0x77: {  	_ =	shalt  }
0x78: {  	_ =	shalt  }
0x79: {  	_ =	shalt  }
0x7a: {  	_ =	shalt  }
0x7b: {  	_ =	shalt  }
0x7c: {  	_ =	shalt  }
0x7d: {  	_ =	shalt  }
0x7e: {  	_ =	shalt  }
0x7f: {  	_ =	shalt  }
0x80: {  	_ =	shalt  }
0x81: {  	_ =	shalt  }
0x82: {  	_ =	shalt  }
0x83: {  	_ =	shalt  }
0x84: {  	_ =	shalt  }
0x85: {  	_ =	shalt  }
0x86: {  	_ =	shalt  }
0x87: {  	_ =	shalt  }
.Lfunc_end0:
.L_simem_size_0:
called_computation.1_lowered:
.L_overlay_start_0:
0x88: {  	s2 =	sld [smem:$0x3FD9]  }
0x89: {  	s3 =	sld [smem:$0x3FFE];
	_ =	sdelay $0x1  }
0x8a: {  	s1 =	srdreg.scid  }
0x8b: {  	s0 =	sand.u32 $0x1, s1  }
0x8c: {  	s17 =	sshll.u32 s0, $0xA;
	s2 =	sadd.s32 s3, s2  }
0x8d: {  	s2 =	sadd.s32 s2, s17  }
0x8e: {  	[smem:$0x3FBE] =	sst s2  }
0x8f: {  	_ = 	snop  }
0x90: {  	s2 =	sld [smem:$0x3FD0];
	(tm) =	ssettm $0x1  }
0x91: {  	s18 =	sld [smem:$0x3FFB];
	_ =	sdelay $0x3  }
0x92: {  	_ =	strace s18  }
0x93: {  	s3 =	sld [smem:$0x3FFC];
	_ =	sdelay $0x3  }
0x94: {  	_ =	strace s3  }
0x95: {  	s3 =	sld [smem:$0x3FFD];
	_ =	sdelay $0x3  }
0x96: {  	_ =	strace s3  }
0x97: {  	_ =	strace $0x8FFFFFFF  }
0x98: {  	s19 =	sld [smem:$0x3FDB];
	_ =	sdelay $0x1  }
0x99: {  	s4 =	simm.s32 $_scs_section_size  }
0x9a: {  	s5 =	simm.s32 $_size__tile_overlayer_lowered;
	s6 =	simm.s32 $_tile_overlayer_lowered  }
0x9b: {  	s22 =	simm.s32 $0x1BFF;
	s21 =	sshll.u32 s6, $0x1;
	s3 =	sadd.s32 s4, s19  }
0x9c: {  	s7 =	simm.s32 $0x0;
	s20 =	sshll.u32 s5, $0x1;
	s5 =	sadd.s32 s21, s3  }
0x9d: {  	[timem:s7], [sflag:s22] =	dma.local [hbm:s5], s20  }
0x9e: {  	_ =	swait.ge [sflag:s22], s20  }
0x9f: {  	s4 =	ssub.s32 $0x0, s20;
	[sflag:s22] =	ssyncset.done $0x0  }
0xa0: {  	[sflag:s22] =	ssyncadd.s32 s4;
	_ =	sdelay $0x1  }
0xa1: {  	s23 =	simm.s32 $0x1B8B  }
0xa2: {  	_ =	swait.ge [sflag:s23], $0x1  }
0xa3: {  	[sflag:s23] =	ssyncset.done $0x0  }
0xa4: {  	s25 =	simm.s32 $0x1B8E;
	s24 =	sld [smem:$0x3FFE];
	[sflag:s23] =	ssyncadd.s32 $0xFFFFFFFF  }
0xa5: {  	s26 =	simm.s32 $execute0_lowered;
	[smem:$0x3FD2] =	sst s25  }
0xa6: {  	s5 =	sshll.u32 s26, $0x1;
	_ =	strace $0x80000049;
	[dreg:$0x1] =	wrdreg $0xFFFFFFFF  }
0xa7: {  	s28 =	simm.s32 $_size_execute0_lowered;
	s3 =	sadd.s32 s3, s5;
	[dreg:$0x0] =	wrdreg $0x0  }
0xa8: {  	s5 =	sshll.u32 s28, $0x1;
	[dreg:$0x2] =	wrdreg s3  }
0xa9: {  	[dreg:$0x3] =	wrdreg s5  }
0xaa: {  	[dreg:$0x4] =	wrdreg $0xC0  }
0xab: {  	_ =	task [dreg:s7], $0x5FFFF  }
0xac: {  	[dreg:$0x1] =	wrdreg $0xFFFFFFFF  }
0xad: {  	[dreg:$0x0] =	wrdreg $0x60  }
0xae: {  	[dreg:$0x2] =	wrdreg s24  }
0xaf: {  	[dreg:$0x3] =	wrdreg s2  }
0xb0: {  	[dreg:$0x4] =	wrdreg $0x9  }
0xb1: {  	_ =	task.clear_ibuf [dreg:s7], $0x5FFFF;
	_ =	strace $0x90000049  }
0xb2: {  	s29 =	simm.s32 $0x9;
	_ =	strace $0x8000004B  }
0xb3: {  	_ =	swait.ge [sflag:s29], $0x1  }
0xb4: {  	[sflag:s29] =	ssyncadd.s32 $0xFFFFFFFF  }
0xb5: {  	_ =	strace $0x9000004B  }
0xb6: {  	_ =	sfence  }
0xb7: {  	s30 =	sld [smem:$0x0];
	_ =	sdelay $0x2  }
0xb8: {  	s31 =	sshll.u32 s1, $0xD;
	s1 =	sshrl.u32 s1, $0x2  }
0xb9: {  	s3 =	sand.u32 $0x4000, s31;
	s1 =	sadd.s32 s1, s30  }
0xba: {  	s0 =	sor.u32 s3, s0;
	s1 =	sshll.u32 s1, $0x11  }
0xbb: {  	s0 =	sor.u32 s1, s0  }
0xbc: {  	s0 =	sadd.s32 $0x8F2B, s0  }
0xbd: {  	[sflag:s0] =	ssyncadd.remote.s32 $0x1  }
0xbe: {  	_ =	sfence.sel $0xFFFF  }
0xbf: {  	[dreg:$0x0] =	wrdreg $0xFFFFFFFF;
	(pc) =	sbr.abs _section_cstart, $3  }
0xc0: {  	[dreg:$0x1] =	wrdreg $0xFFFFFFFF  }
0xc1: {  	_ =	task.clear_ibuf [dreg:s7], $0x2FFFF;
	_ =	strace $0x9FFFFFFF  }
0xc2: {  	(tm) =	ssettm $0x7FFFFFFF  }
0xc3: {  	_ =	shalt  }
tec
execute0_lowered:
.L_overlay_start_1:
0x0: {  	(tag) =	ssettag $0x1  }
0x1: {  	s0 =	rddreg [dreg:$0x0]  }
0x2: {  	s2 =	rddreg [dreg:$0x1];
	s1 =	simm.s32 $0x0;
	s3 =	srdreg.scid  }
0x3: {  	s11 =	stileid.u32;
	s14 =	simm.s32 $0x3;
	s16 =	simm.s32 $0x100  }
0x4: {  	s15 =	simm.s32 $0x9900;
	s17 =	simm.s32 $0xA100;
	s18 =	simm.s32 $0xA900  }
0x5: {  	s19 =	simm.s32 $0xB100;
	s20 =	simm.s32 $0xC100;
	s21 =	simm.s32 $0xC900  }
0x6: {  	s22 =	simm.s32 $0xD900;
	[smem:$0x7FF] =	sst s1;
	s4 =	sadd.s32 $0x21000, s0  }
0x7: {  	s5 =	sand.u32 $0x1, s3;
	s9 =	sadd.s32 $0x21400, s0;
	s7 =	sshll.u32 s11, $0x1  }
0x8: {  	s3 =	sadd.s32 $0x51C00, s0;
	s23 =	sshll.u32 s11, $0x6;
	_ =	strace $0x8000004A  }
0x9: {  	s6 =	ssub.s32 $0x2, s5;
	s5 =	sor.u32 s5, s7;
	s11 =	sand.u32 $0x380, s23  }
0xa: {  	s23 =	simm.s32 $0xE900;
	s8 =	sshrl.u32 s6, $0x1;
	s7 =	sshll.u32 s5, $0x5  }
0xb: {  	s12 =	sshllo.u32 s5, $0x1;
	s5 =	sshll.u32 s5, $0xD;
	s10 =	ssub.s32 s6, s8  }
0xc: {  	s24 =	sadd.s32 s4, s7;
	s25 =	sadd.s32 s9, s7;
	s6 =	sadd.s32 $0x51D00, s0  }
0xd: {  	s26 =	sshll.u32 s12, $0x4;
	s7 =	sadd.s32 $0x51E00, s0;
	s8 =	sadd.s32 $0x51F00, s0  }
0xe: {  	s28 =	sadd.s32 s2, s5;
	s30 =	sshll.u32 s12, $0xC;
	[dreg:$0x3] =	wrdreg s24  }
0xf: {  	s5 =	simm.s32 $0x9100;
	s12 =	simm.s32 $0xF900;
	[dreg:$0x4] =	wrdreg s25  }
0x10: {  	s13 =	sand.u32 $0x70, s26;
	[dreg:$0x5] =	wrdreg s28;
	s31 =	smax.u32 s10, $0x1  }
0x11: {  	s10 =	simm.s32 $0xD100;
	s24 =	simm.s32 $0xF100;
	s29 =	sor.u32 s11, s13  }
0x12: {  	s25 =	simm.s32 $0x1;
	[dreg:$0x9] =	wrdreg s31;
	s4 =	sadd.s32 s4, s29  }
0x13: {  	v2 =	vlaneseq.u32;
	s26 =	simm.s32 $0x0;
	s0 =	sadd.s32 s9, s29;
	[dreg:$0x6] =	wrdreg s4  }
0x14: {  	vm0 =	vmmov $0xffff;
	v1 =	vshrl.u32 v2, $0x3;
	s11 =	simm.s32 $0xE100;
	[dreg:$0x7] =	wrdreg s0;
	s0 =	sadd.s32 s2, s30  }
0x15: {  	v0 =	vand.u32 $0x7, v2;
	v2 =	vor.u32 $0x8, v2;
	v1 =	vmul.u32 $0x8, v1;
	s13 =	simm.s32 $0x2;
	s9 =	simm.s32 $0xB900;
	[dreg:$0x8] =	wrdreg s0  }
.LBB2_1:
0x16: {  	s0 =	rddreg [dreg:$0x3]  }
0x17: {  	[tilespmem:s1], [sflag:$0x3] =	stream.linear.gather [hbm4b:s0+s1], $0x80, $0x38;
	[tilespmem:$0x10100] =	vst v63  }
0x18: {  	_ =	swait.ge [sflag:s14], $0x80  }
0x19: {  	[sflag:s14] =	ssyncset.done $0x0  }
0x1a: {  	s2 =	simm.s32 $0x80;
	s4 =	rddreg [dreg:$0x4];
	[sflag:s14] =	ssyncadd.s32 $0xFFFFFF80  }
0x1b: {  	[tilespmem:s2], [sflag:$0x3] =	stream.linear.gather [hbm4b:s4+s1], $0x80, $0x38;
	[tilespmem:$0x10100] =	vst v63  }
0x1c: {  	_ =	swait.ge [sflag:s14], $0x80  }
0x1d: {  	[sflag:s14] =	ssyncset.done $0x0  }
0x1e: {  	[sflag:s14] =	ssyncadd.s32 $0xFFFFFF80  }
0x1f: {  	v3 =	vld [tilespmem:$0x0];
	_ =	sdelay $0x4  }
0x20: {  	v4 =	vshll.u32 v3, $0x3  }
0x21: {  	v3 =	vand.u32 $0x7, v3;
	v4 =	vand.u32 $0xFFFFFFC0, v4  }
0x22: {  	v3 =	vor.u32 v3, v4  }
0x23: {  	v4 =	vperm.xlane v3, v0;
	_ =	sdelay $0x1  }
0x24: {  	v4 =	vadd.s32 v1, v4;
	_ =	sdelay $0x4  }
0x25: {  	[tilespmem:s16], [sflag:$0x1] =	stream.indirect_vreg.gather [hbm4b:s3+s1], $0x80, v4, vm0, $0xb8;
	[tilespmem:$0x10100] =	vst v63  }
0x26: {  	s4 =	simm.s32 $0x900;
	v3 =	vperm.xlane v3, v2  }
0x27: {  	[tilespmem:s4], [sflag:$0x1] =	stream.indirect_vreg.gather [hbm4b:s6+s1], $0x80, v4, vm0, $0xb8;
	[tilespmem:$0x10100] =	vst v63  }
0x28: {  	s2 =	simm.s32 $0x1100;
	v3 =	vadd.s32 v1, v3  }
0x29: {  	[tilespmem:s2], [sflag:$0x1] =	stream.indirect_vreg.gather [hbm4b:s7+s1], $0x80, v4, vm0, $0xb8;
	[tilespmem:$0x10100] =	vst v63  }
0x2a: {  	s4 =	simm.s32 $0x1900  }
0x2b: {  	[tilespmem:s4], [sflag:$0x1] =	stream.indirect_vreg.gather [hbm4b:s8+s1], $0x80, v4, vm0, $0xb8;
	[tilespmem:$0x10100] =	vst v63  }
0x2c: {  	s2 =	simm.s32 $0x2100  }
0x2d: {  	[tilespmem:s2], [sflag:$0x1] =	stream.indirect_vreg.gather [hbm4b:s3+s1], $0x80, v3, vm0, $0xb8;
	[tilespmem:$0x10100] =	vst v63  }
0x2e: {  	s4 =	simm.s32 $0x2900  }
0x2f: {  	[tilespmem:s4], [sflag:$0x1] =	stream.indirect_vreg.gather [hbm4b:s6+s1], $0x80, v3, vm0, $0xb8;
	[tilespmem:$0x10100] =	vst v63  }
0x30: {  	s2 =	simm.s32 $0x3100  }
0x31: {  	[tilespmem:s2], [sflag:$0x1] =	stream.indirect_vreg.gather [hbm4b:s7+s1], $0x80, v3, vm0, $0xb8;
	[tilespmem:$0x10100] =	vst v63  }
0x32: {  	s4 =	simm.s32 $0x3900  }
0x33: {  	[tilespmem:s4], [sflag:$0x1] =	stream.indirect_vreg.gather [hbm4b:s8+s1], $0x80, v3, vm0, $0xb8;
	[tilespmem:$0x10100] =	vst v63  }
0x34: {  	v3 =	vld [tilespmem:$0x10];
	_ =	sdelay $0x4  }
0x35: {  	v61 =	vshll.u32 v3, $0x3  }
0x36: {  	v3 =	vand.u32 $0x7, v3;
	v4 =	vand.u32 $0xFFFFFFC0, v61  }
0x37: {  	v3 =	vor.u32 v3, v4  }
0x38: {  	v4 =	vperm.xlane v3, v0;
	_ =	sdelay $0x1  }
0x39: {  	v4 =	vadd.s32 v1, v4;
	_ =	sdelay $0x3  }
0x3a: {  	s2 =	simm.s32 $0x4100  }
0x3b: {  	[tilespmem:s2], [sflag:$0x1] =	stream.indirect_vreg.gather [hbm4b:s3+s1], $0x80, v4, vm0, $0xb8;
	[tilespmem:$0x10100] =	vst v63  }
0x3c: {  	s4 =	simm.s32 $0x4900;
	v3 =	vperm.xlane v3, v2  }
0x3d: {  	[tilespmem:s4], [sflag:$0x1] =	stream.indirect_vreg.gather [hbm4b:s6+s1], $0x80, v4, vm0, $0xb8;
	[tilespmem:$0x10100] =	vst v63  }
0x3e: {  	v3 =	vadd.s32 v1, v3;
	s2 =	simm.s32 $0x5100  }
0x3f: {  	[tilespmem:s2], [sflag:$0x1] =	stream.indirect_vreg.gather [hbm4b:s7+s1], $0x80, v4, vm0, $0xb8;
	[tilespmem:$0x10100] =	vst v63  }
0x40: {  	s4 =	simm.s32 $0x5900  }
0x41: {  	[tilespmem:s4], [sflag:$0x1] =	stream.indirect_vreg.gather [hbm4b:s8+s1], $0x80, v4, vm0, $0xb8;
	[tilespmem:$0x10100] =	vst v63  }
0x42: {  	s2 =	simm.s32 $0x6100  }
0x43: {  	[tilespmem:s2], [sflag:$0x1] =	stream.indirect_vreg.gather [hbm4b:s3+s1], $0x80, v3, vm0, $0xb8;
	[tilespmem:$0x10100] =	vst v63  }
0x44: {  	s4 =	simm.s32 $0x6900  }
0x45: {  	[tilespmem:s4], [sflag:$0x1] =	stream.indirect_vreg.gather [hbm4b:s6+s1], $0x80, v3, vm0, $0xb8;
	[tilespmem:$0x10100] =	vst v63  }
0x46: {  	s2 =	simm.s32 $0x7100  }
0x47: {  	[tilespmem:s2], [sflag:$0x1] =	stream.indirect_vreg.gather [hbm4b:s7+s1], $0x80, v3, vm0, $0xb8;
	[tilespmem:$0x10100] =	vst v63  }
0x48: {  	s4 =	simm.s32 $0x7900  }
0x49: {  	[tilespmem:s4], [sflag:$0x1] =	stream.indirect_vreg.gather [hbm4b:s8+s1], $0x80, v3, vm0, $0xb8;
	[tilespmem:$0x10100] =	vst v63  }
0x4a: {  	v3 =	vld [tilespmem:$0x80];
	_ =	sdelay $0x4  }
0x4b: {  	v62 =	vshll.u32 v3, $0x3  }
0x4c: {  	v3 =	vand.u32 $0x7, v3;
	v4 =	vand.u32 $0xFFFFFFC0, v62  }
0x4d: {  	v3 =	vor.u32 v3, v4  }
0x4e: {  	v4 =	vperm.xlane v3, v0;
	_ =	sdelay $0x1  }
0x4f: {  	v4 =	vadd.s32 v1, v4;
	_ =	sdelay $0x3  }
0x50: {  	s2 =	simm.s32 $0x8100  }
0x51: {  	[tilespmem:s2], [sflag:$0x2] =	stream.indirect_vreg.gather [hbm4b:s3+s1], $0x80, v4, vm0, $0xb8;
	[tilespmem:$0x10100] =	vst v63  }
0x52: {  	s4 =	simm.s32 $0x8900;
	v3 =	vperm.xlane v3, v2  }
0x53: {  	[tilespmem:s4], [sflag:$0x2] =	stream.indirect_vreg.gather [hbm4b:s6+s1], $0x80, v4, vm0, $0xb8;
	[tilespmem:$0x10100] =	vst v63  }
0x54: {  	v3 =	vadd.s32 v1, v3  }
0x55: {  	[tilespmem:s5], [sflag:$0x2] =	stream.indirect_vreg.gather [hbm4b:s7+s1], $0x80, v4, vm0, $0xb8;
	[tilespmem:$0x10100] =	vst v63  }
0x56: {  	_ = 	snop  }
0x57: {  	[tilespmem:s15], [sflag:$0x2] =	stream.indirect_vreg.gather [hbm4b:s8+s1], $0x80, v4, vm0, $0xb8;
	[tilespmem:$0x10100] =	vst v63  }
0x58: {  	_ = 	snop  }
0x59: {  	[tilespmem:s17], [sflag:$0x2] =	stream.indirect_vreg.gather [hbm4b:s3+s1], $0x80, v3, vm0, $0xb8;
	[tilespmem:$0x10100] =	vst v63  }
0x5a: {  	_ = 	snop  }
0x5b: {  	[tilespmem:s18], [sflag:$0x2] =	stream.indirect_vreg.gather [hbm4b:s6+s1], $0x80, v3, vm0, $0xb8;
	[tilespmem:$0x10100] =	vst v63  }
0x5c: {  	_ = 	snop  }
0x5d: {  	[tilespmem:s19], [sflag:$0x2] =	stream.indirect_vreg.gather [hbm4b:s7+s1], $0x80, v3, vm0, $0xb8;
	[tilespmem:$0x10100] =	vst v63  }
0x5e: {  	_ = 	snop  }
0x5f: {  	[tilespmem:s9], [sflag:$0x2] =	stream.indirect_vreg.gather [hbm4b:s8+s1], $0x80, v3, vm0, $0xb8;
	[tilespmem:$0x10100] =	vst v63  }
0x60: {  	v3 =	vld [tilespmem:$0x90];
	_ =	sdelay $0x4  }
0x61: {  	v63 =	vshll.u32 v3, $0x3  }
0x62: {  	v3 =	vand.u32 $0x7, v3;
	v4 =	vand.u32 $0xFFFFFFC0, v63  }
0x63: {  	v3 =	vor.u32 v3, v4  }
0x64: {  	v4 =	vperm.xlane v3, v0;
	_ =	sdelay $0x1  }
0x65: {  	v4 =	vadd.s32 v1, v4;
	_ =	sdelay $0x4  }
0x66: {  	[tilespmem:s20], [sflag:$0x2] =	stream.indirect_vreg.gather [hbm4b:s3+s1], $0x80, v4, vm0, $0xb8;
	[tilespmem:$0x10100] =	vst v63  }
0x67: {  	v3 =	vperm.xlane v3, v2  }
0x68: {  	[tilespmem:s21], [sflag:$0x2] =	stream.indirect_vreg.gather [hbm4b:s6+s1], $0x80, v4, vm0, $0xb8;
	[tilespmem:$0x10100] =	vst v63  }
0x69: {  	v3 =	vadd.s32 v1, v3  }
0x6a: {  	[tilespmem:s10], [sflag:$0x2] =	stream.indirect_vreg.gather [hbm4b:s7+s1], $0x80, v4, vm0, $0xb8;
	[tilespmem:$0x10100] =	vst v63  }
0x6b: {  	_ = 	snop  }
0x6c: {  	[tilespmem:s22], [sflag:$0x2] =	stream.indirect_vreg.gather [hbm4b:s8+s1], $0x80, v4, vm0, $0xb8;
	[tilespmem:$0x10100] =	vst v63  }
0x6d: {  	_ = 	snop  }
0x6e: {  	[tilespmem:s11], [sflag:$0x2] =	stream.indirect_vreg.gather [hbm4b:s3+s1], $0x80, v3, vm0, $0xb8;
	[tilespmem:$0x10100] =	vst v63  }
0x6f: {  	_ = 	snop  }
0x70: {  	[tilespmem:s23], [sflag:$0x2] =	stream.indirect_vreg.gather [hbm4b:s6+s1], $0x80, v3, vm0, $0xb8;
	[tilespmem:$0x10100] =	vst v63  }
0x71: {  	_ = 	snop  }
0x72: {  	[tilespmem:s24], [sflag:$0x2] =	stream.indirect_vreg.gather [hbm4b:s7+s1], $0x80, v3, vm0, $0xb8;
	[tilespmem:$0x10100] =	vst v63  }
0x73: {  	_ = 	snop  }
0x74: {  	[tilespmem:s12], [sflag:$0x2] =	stream.indirect_vreg.gather [hbm4b:s8+s1], $0x80, v3, vm0, $0xb8;
	[tilespmem:$0x10100] =	vst v63  }
0x75: {  	_ =	swait.ge [sflag:s25], $0x8000  }
0x76: {  	[sflag:s25] =	ssyncset.done $0x0  }
0x77: {  	[sflag:s25] =	ssyncadd.s32 $0xFFFF8000  }
0x78: {  	_ =	swait.ge [sflag:s13], $0x8000  }
0x79: {  	s28 =	simm.s32 $0xFFFF8000;
	s29 =	simm.s32 $0x0;
	[sflag:s13] =	ssyncset.done $0x0  }
0x7a: {  	s30 =	simm.s32 $0x0;
	s31 =	simm.s32 $0x0;
	[sflag:s13] =	ssyncadd.s32 $0xFFFF8000  }
.LBB2_2:
0x7b: {  	s0 =	sadd.s32 $0x8000, s28  }
0x7c: {  	s2 =	sand.u32 $0x380, s31;
	s0 =	sand.u32 $0x6000, s0  }
0x7d: {  	s0 =	sor.u32 s2, s0  }
0x7e: {  	v3 =	vld [tilespmem:s0+$0x100]  }
0x7f: {  	v4 =	vld [tilespmem:s0+$0x8100]  }
0x80: {  	v5 =	vld [tilespmem:s0+$0x110]  }
0x81: {  	v6 =	vld [tilespmem:s0+$0x8110]  }
0x82: {  	v7 =	vld [tilespmem:s0+$0x120]  }
0x83: {  	v8 =	vld [tilespmem:s0+$0x8120]  }
0x84: {  	v9 =	vld [tilespmem:s0+$0x130]  }
0x85: {  	v10 =	vld [tilespmem:s0+$0x8130]  }
0x86: {  	v11 =	vld [tilespmem:s0+$0x140]  }
0x87: {  	v12 =	vld [tilespmem:s0+$0x8140]  }
0x88: {  	v13 =	vld [tilespmem:s0+$0x150]  }
0x89: {  	v14 =	vld [tilespmem:s0+$0x8150]  }
0x8a: {  	v15 =	vld [tilespmem:s0+$0x160]  }
0x8b: {  	v16 =	vld [tilespmem:s0+$0x8160]  }
0x8c: {  	v17 =	vld [tilespmem:s0+$0x170]  }
0x8d: {  	v18 =	vld [tilespmem:s0+$0x8170]  }
0x8e: {  	v19 =	vld [tilespmem:s0+$0x500]  }
0x8f: {  	v20 =	vld [tilespmem:s0+$0x8500]  }
0x90: {  	v21 =	vld [tilespmem:s0+$0x510]  }
0x91: {  	v22 =	vld [tilespmem:s0+$0x8510]  }
0x92: {  	v23 =	vld [tilespmem:s0+$0x520]  }
0x93: {  	v24 =	vld [tilespmem:s0+$0x8520]  }
0x94: {  	v25 =	vld [tilespmem:s0+$0x530]  }
0x95: {  	v26 =	vld [tilespmem:s0+$0x8530]  }
0x96: {  	v27 =	vld [tilespmem:s0+$0x540]  }
0x97: {  	v28 =	vld [tilespmem:s0+$0x8540]  }
0x98: {  	v29 =	vld [tilespmem:s0+$0x550]  }
0x99: {  	v30 =	vld [tilespmem:s0+$0x8550]  }
0x9a: {  	v31 =	vld [tilespmem:s0+$0x560]  }
0x9b: {  	v32 =	vld [tilespmem:s0+$0x8560]  }
0x9c: {  	v33 =	vld [tilespmem:s0+$0x570]  }
0x9d: {  	v34 =	vld [tilespmem:s0+$0x8570]  }
0x9e: {  	v35 =	vld [tilespmem:s0+$0x900]  }
0x9f: {  	v36 =	vld [tilespmem:s0+$0x8900]  }
0xa0: {  	v37 =	vld [tilespmem:s0+$0x910]  }
0xa1: {  	v38 =	vld [tilespmem:s0+$0x8910]  }
0xa2: {  	v39 =	vld [tilespmem:s0+$0x920]  }
0xa3: {  	v40 =	vld [tilespmem:s0+$0x8920]  }
0xa4: {  	v41 =	vld [tilespmem:s0+$0x930]  }
0xa5: {  	v42 =	vld [tilespmem:s0+$0x8930]  }
0xa6: {  	v43 =	vld [tilespmem:s0+$0x940]  }
0xa7: {  	v44 =	vld [tilespmem:s0+$0x8940]  }
0xa8: {  	v45 =	vld [tilespmem:s0+$0x950]  }
0xa9: {  	v46 =	vld [tilespmem:s0+$0x8950]  }
0xaa: {  	v47 =	vld [tilespmem:s0+$0x960]  }
0xab: {  	v48 =	vld [tilespmem:s0+$0x8960]  }
0xac: {  	v49 =	vld [tilespmem:s0+$0x970]  }
0xad: {  	v50 =	vld [tilespmem:s0+$0x8970]  }
0xae: {  	v51 =	vld [tilespmem:s0+$0xD00]  }
0xaf: {  	v52 =	vld [tilespmem:s0+$0x8D00]  }
0xb0: {  	v53 =	vld [tilespmem:s0+$0xD10]  }
0xb1: {  	v54 =	vld [tilespmem:s0+$0x8D10]  }
0xb2: {  	v55 =	vld [tilespmem:s0+$0xD20]  }
0xb3: {  	v56 =	vld [tilespmem:s0+$0x8D20]  }
0xb4: {  	v57 =	vld [tilespmem:s0+$0xD30]  }
0xb5: {  	v58 =	vld [tilespmem:s0+$0x8D30]  }
0xb6: {  	v59 =	vld [tilespmem:s0+$0xD40]  }
0xb7: {  	v60 =	vld [tilespmem:s0+$0x8D40]  }
0xb8: {  	v61 =	vld [tilespmem:s0+$0xD50]  }
0xb9: {  	v62 =	vld [tilespmem:s0+$0x8D50]  }
0xba: {  	v63 =	vld [tilespmem:s0+$0xD60]  }
0xbb: {  	v3 =	vadd.f32 v4, v3;
	v4 =	vld [tilespmem:s0+$0x8D60]  }
0xbc: {  	v5 =	vadd.f32 v6, v5;
	v6 =	vld [tilespmem:s0+$0xD70]  }
0xbd: {  	v14 =	vadd.f32 v14, v13;
	v13 =	vld [tilespmem:s0+$0x9120];
	[tilespmem:s0+$0x100] =	vst v3;
	v3 =	vadd.f32 v8, v7  }
0xbe: {  	v18 =	vadd.f32 v18, v17;
	v17 =	vld [tilespmem:s0+$0x9140];
	[tilespmem:s0+$0x110] =	vst v5  }
0xbf: {  	v22 =	vadd.f32 v22, v21;
	v21 =	vld [tilespmem:s0+$0x9160];
	[tilespmem:s0+$0x120] =	vst v3;
	v3 =	vadd.f32 v12, v11  }
0xc0: {  	v7 =	vld [tilespmem:s0+$0x8D70];
	[tilespmem:s0+$0x150] =	vst v14  }
0xc1: {  	v8 =	vld [tilespmem:s0+$0x1100];
	[tilespmem:s0+$0x140] =	vst v3;
	v3 =	vadd.f32 v16, v15  }
0xc2: {  	v5 =	vadd.f32 v10, v9;
	v9 =	vld [tilespmem:s0+$0x9100];
	[tilespmem:s0+$0x170] =	vst v18  }
0xc3: {  	v10 =	vld [tilespmem:s0+$0x1110];
	[tilespmem:s0+$0x160] =	vst v3;
	v3 =	vadd.f32 v20, v19  }
0xc4: {  	v26 =	vadd.f32 v26, v25;
	v14 =	vld [tilespmem:s0+$0x1130];
	[tilespmem:s0+$0x510] =	vst v22  }
0xc5: {  	v18 =	vld [tilespmem:s0+$0x1150];
	[tilespmem:s0+$0x500] =	vst v3;
	v3 =	vadd.f32 v24, v23  }
0xc6: {  	v30 =	vadd.f32 v30, v29;
	[tilespmem:s0+$0x530] =	vst v26;
	v22 =	vld [tilespmem:s0+$0x1170]  }
0xc7: {  	v19 =	vld [tilespmem:s0+$0x9150];
	[tilespmem:s0+$0x520] =	vst v3;
	v3 =	vadd.f32 v28, v27  }
0xc8: {  	v34 =	vadd.f32 v34, v33;
	[tilespmem:s0+$0x550] =	vst v30;
	v11 =	vld [tilespmem:s0+$0x9110]  }
0xc9: {  	v12 =	vld [tilespmem:s0+$0x1120];
	[tilespmem:s0+$0x540] =	vst v3;
	v3 =	vadd.f32 v32, v31  }
0xca: {  	[tilespmem:s0+$0x570] =	vst v34;
	v15 =	vld [tilespmem:s0+$0x9130]  }
0xcb: {  	v16 =	vld [tilespmem:s0+$0x1140];
	[tilespmem:s0+$0x560] =	vst v3;
	v3 =	vadd.f32 v36, v35  }
0xcc: {  	[tilespmem:s0+$0x130] =	vst v5;
	v20 =	vld [tilespmem:s0+$0x1160];
	v19 =	vadd.f32 v19, v18  }
0xcd: {  	v24 =	vld [tilespmem:s0+$0x1500];
	[tilespmem:s0+$0x900] =	vst v3;
	v3 =	vadd.f32 v40, v39  }
0xce: {  	[tilespmem:s0+$0x1150] =	vst v19;
	v36 =	vadd.f32 v38, v37;
	v37 =	vld [tilespmem:s0+$0x9170]  }
0xcf: {  	v38 =	vadd.f32 v42, v41;
	v41 =	vld [tilespmem:s0+$0x1510];
	[tilespmem:s0+$0x920] =	vst v3;
	v3 =	vadd.f32 v44, v43  }
0xd0: {  	v42 =	vld [tilespmem:s0+$0x9510];
	[tilespmem:s0+$0x910] =	vst v36  }
0xd1: {  	v35 =	vld [tilespmem:s0+$0x1910];
	[tilespmem:s0+$0x940] =	vst v3;
	v3 =	vadd.f32 v48, v47  }
0xd2: {  	v39 =	vld [tilespmem:s0+$0x9500];
	[tilespmem:s0+$0x930] =	vst v38;
	v40 =	vadd.f32 v46, v45  }
0xd3: {  	v45 =	vld [tilespmem:s0+$0x9520];
	[tilespmem:s0+$0x960] =	vst v3;
	v3 =	vadd.f32 v52, v51  }
0xd4: {  	v46 =	vadd.f32 v54, v53;
	v53 =	vld [tilespmem:s0+$0x1550];
	[tilespmem:s0+$0x950] =	vst v40  }
0xd5: {  	v54 =	vld [tilespmem:s0+$0x9550];
	[tilespmem:s0+$0xD00] =	vst v3;
	v3 =	vadd.f32 v56, v55  }
0xd6: {  	v36 =	vld [tilespmem:s0+$0x9910];
	v43 =	vadd.f32 v50, v49;
	[tilespmem:s0+$0xD10] =	vst v46  }
0xd7: {  	v38 =	vld [tilespmem:s0+$0x1920];
	[tilespmem:s0+$0xD20] =	vst v3;
	v3 =	vadd.f32 v60, v59  }
0xd8: {  	v44 =	vld [tilespmem:s0+$0x1520];
	v49 =	vadd.f32 v58, v57;
	[tilespmem:s0+$0x970] =	vst v43  }
0xd9: {  	v50 =	vld [tilespmem:s0+$0x1540];
	[tilespmem:s0+$0xD40] =	vst v3;
	v3 =	vadd.f32 v4, v63  }
0xda: {  	v57 =	vld [tilespmem:s0+$0x9560];
	v58 =	vadd.f32 v11, v10;
	[tilespmem:s0+$0xD30] =	vst v49  }
0xdb: {  	v46 =	vld [tilespmem:s0+$0x9950];
	[tilespmem:s0+$0xD60] =	vst v3;
	v3 =	vadd.f32 v9, v8  }
0xdc: {  	v37 =	vadd.f32 v37, v22;
	v40 =	vadd.f32 v42, v41;
	v41 =	vld [tilespmem:s0+$0x1930];
	[tilespmem:s0+$0x1110] =	vst v58  }
0xdd: {  	v42 =	vld [tilespmem:s0+$0x9930];
	[tilespmem:s0+$0x1100] =	vst v3;
	v3 =	vadd.f32 v13, v12  }
0xde: {  	v47 =	vld [tilespmem:s0+$0x1530];
	[tilespmem:s0+$0x1170] =	vst v37  }
0xdf: {  	v48 =	vld [tilespmem:s0+$0x9530];
	[tilespmem:s0+$0x1120] =	vst v3;
	v3 =	vadd.f32 v17, v16  }
0xe0: {  	v49 =	vld [tilespmem:s0+$0x9960];
	[tilespmem:s0+$0x1510] =	vst v40;
	v52 =	vadd.f32 v62, v61  }
0xe1: {  	v51 =	vld [tilespmem:s0+$0x9540];
	[tilespmem:s0+$0x1140] =	vst v3;
	v3 =	vadd.f32 v21, v20  }
0xe2: {  	v61 =	vadd.f32 v15, v14;
	v62 =	vld [tilespmem:s0+$0x1900];
	[tilespmem:s0+$0xD50] =	vst v52  }
0xe3: {  	v56 =	vld [tilespmem:s0+$0x1560];
	[tilespmem:s0+$0x1160] =	vst v3;
	v3 =	vadd.f32 v39, v24  }
0xe4: {  	v55 =	vadd.f32 v7, v6;
	[tilespmem:s0+$0x1130] =	vst v61;
	v52 =	vld [tilespmem:s0+$0x9970]  }
0xe5: {  	v43 =	vadd.f32 v48, v47;
	v47 =	vld [tilespmem:s0+$0x1960];
	[tilespmem:s0+$0x1500] =	vst v3;
	v3 =	vadd.f32 v45, v44  }
0xe6: {  	[tilespmem:s0+$0xD70] =	vst v55;
	v63 =	vld [tilespmem:s0+$0x9900]  }
0xe7: {  	v59 =	vld [tilespmem:s0+$0x1570];
	[tilespmem:s0+$0x1520] =	vst v3;
	v3 =	vadd.f32 v51, v50  }
0xe8: {  	[tilespmem:s0+$0x1530] =	vst v43;
	v4 =	vadd.f32 v54, v53;
	v39 =	vld [tilespmem:s0+$0x9920]  }
0xe9: {  	v60 =	vld [tilespmem:s0+$0x9570];
	[tilespmem:s0+$0x1540] =	vst v3;
	v3 =	vadd.f32 v57, v56  }
0xea: {  	v54 =	vadd.f32 v42, v41;
	[tilespmem:s0+$0x1550] =	vst v4;
	v45 =	vld [tilespmem:s0+$0x1950]  }
0xeb: {  	v53 =	vld [tilespmem:s0+$0x9940];
	[tilespmem:s0+$0x1560] =	vst v3;
	v3 =	vadd.f32 v63, v62  }
0xec: {  	[tilespmem:s0+$0x1930] =	vst v54;
	v55 =	vadd.f32 v49, v47;
	v50 =	vld [tilespmem:s0+$0x1970]  }
0xed: {  	v44 =	vld [tilespmem:s0+$0x1940];
	[tilespmem:s0+$0x1900] =	vst v3;
	v3 =	vadd.f32 v39, v38  }
0xee: {  	v48 =	vadd.f32 v60, v59;
	[tilespmem:s0+$0x1960] =	vst v55  }
0xef: {  	[tilespmem:s0+$0x1920] =	vst v3;
	v3 =	vadd.f32 v46, v45  }
0xf0: {  	s4 =	sand.u32 $0x7, s29;
	[tilespmem:s0+$0x1570] =	vst v48;
	v51 =	vadd.f32 v36, v35  }
0xf1: {  	s2 =	sshll.u32 s4, $0x7;
	[tilespmem:s0+$0x1950] =	vst v3;
	v3 =	vadd.f32 v52, v50  }
0xf2: {  	s2 =	sadd.s32 s2, s30;
	[tilespmem:s0+$0x1910] =	vst v51;
	v56 =	vadd.f32 v53, v44  }
0xf3: {  	s4 =	sor.u32 $0x1C00, s2;
	[tilespmem:s0+$0x1970] =	vst v3  }
0xf4: {  	[tilespmem:s0+$0x1940] =	vst v56;
	v3 =	vld [tilespmem:s4+$0x100]  }
0xf5: {  	v4 =	vld [tilespmem:s4+$0x8100];
	_ =	sdelay $0x4  }
0xf6: {  	v3 =	vadd.f32 v4, v3;
	_ =	sdelay $0x1  }
0xf7: {  	[tilespmem:s4+$0x100] =	vst v3;
	s4 =	sor.u32 $0x1C10, s2  }
0xf8: {  	v3 =	vld [tilespmem:s4+$0x100]  }
0xf9: {  	v57 =	vld [tilespmem:s4+$0x8100];
	_ =	sdelay $0x4  }
0xfa: {  	v3 =	vadd.f32 v57, v3;
	_ =	sdelay $0x1  }
0xfb: {  	[tilespmem:s4+$0x100] =	vst v3;
	s4 =	sor.u32 $0x1C20, s2  }
0xfc: {  	v3 =	vld [tilespmem:s4+$0x100]  }
0xfd: {  	v58 =	vld [tilespmem:s4+$0x8100];
	_ =	sdelay $0x4  }
0xfe: {  	v3 =	vadd.f32 v58, v3;
	_ =	sdelay $0x1  }
0xff: {  	[tilespmem:s4+$0x100] =	vst v3;
	s4 =	sor.u32 $0x1C30, s2  }
0x100: {  	v3 =	vld [tilespmem:s4+$0x100]  }
0x101: {  	v59 =	vld [tilespmem:s4+$0x8100];
	_ =	sdelay $0x4  }
0x102: {  	v3 =	vadd.f32 v59, v3;
	_ =	sdelay $0x1  }
0x103: {  	[tilespmem:s4+$0x100] =	vst v3;
	s4 =	sor.u32 $0x1C40, s2  }
0x104: {  	v3 =	vld [tilespmem:s4+$0x100]  }
0x105: {  	v60 =	vld [tilespmem:s4+$0x8100];
	_ =	sdelay $0x4  }
0x106: {  	v3 =	vadd.f32 v60, v3;
	_ =	sdelay $0x1  }
0x107: {  	[tilespmem:s4+$0x100] =	vst v3;
	s4 =	sor.u32 $0x1C50, s2  }
0x108: {  	v3 =	vld [tilespmem:s4+$0x100]  }
0x109: {  	v61 =	vld [tilespmem:s4+$0x8100];
	_ =	sdelay $0x4  }
0x10a: {  	v3 =	vadd.f32 v61, v3;
	_ =	sdelay $0x1  }
0x10b: {  	[tilespmem:s4+$0x100] =	vst v3;
	s4 =	sor.u32 $0x1C60, s2  }
0x10c: {  	v3 =	vld [tilespmem:s4+$0x100]  }
0x10d: {  	v62 =	vld [tilespmem:s4+$0x8100];
	_ =	sdelay $0x4  }
0x10e: {  	v3 =	vadd.f32 v62, v3;
	_ =	sdelay $0x1  }
0x10f: {  	[tilespmem:s4+$0x100] =	vst v3;
	s4 =	sor.u32 $0x1C70, s2  }
0x110: {  	v3 =	vld [tilespmem:s4+$0x100]  }
0x111: {  	v63 =	vld [tilespmem:s4+$0x8100];
	_ =	sdelay $0x1  }
0x112: {  	p0 =	sne.s32 s31, $0xF80  }
.Ltmp0:
0x113: {  	_ = 	snop;
	(pc) =	sbr.rel @p0 .LBB2_2-.Ltmp0, $4  }
0x114: {  	_ = 	snop  }
0x115: {  	v3 =	vadd.f32 v63, v3  }
0x116: {  	s29 =	sadd.s32 $0x1, s29  }
0x117: {  	s28 =	sadd.s32 $0x400, s28;
	s31 =	sadd.s32 $0x80, s31;
	s30 =	sadd.s32 $0x400, s30;
	[tilespmem:s4+$0x100] =	vst v3  }
0x118: {  	s28 =	simm.s32 $0x0;
	s0 =	rddreg [dreg:$0x5]  }
0x119: {  	[hbm4b:s0+s28] =	stream.linear.scatter [tilespmem:s16], [sflag:$0x3], $0x8000, $0x38;
	[tilespmem:$0x10100] =	vst v63  }
0x11a: {  	_ =	swait.ge [sflag:s14], $0x8000  }
0x11b: {  	[sflag:s14] =	ssyncset.done $0x0  }
0x11c: {  	s2 =	rddreg [dreg:$0x6];
	[sflag:s14] =	ssyncadd.s32 $0xFFFF8000  }
0x11d: {  	[tilespmem:s28], [sflag:$0x3] =	stream.linear.gather [hbm4b:s2+s28], $0x80, $0x38;
	[tilespmem:$0x10100] =	vst v63  }
0x11e: {  	_ =	swait.ge [sflag:s14], $0x80  }
0x11f: {  	[sflag:s14] =	ssyncset.done $0x0  }
0x120: {  	s2 =	simm.s32 $0x80;
	s4 =	rddreg [dreg:$0x7];
	[sflag:s14] =	ssyncadd.s32 $0xFFFFFF80  }
0x121: {  	[tilespmem:s2], [sflag:$0x3] =	stream.linear.gather [hbm4b:s4+s28], $0x80, $0x38;
	[tilespmem:$0x10100] =	vst v63  }
0x122: {  	_ =	swait.ge [sflag:s14], $0x80  }
0x123: {  	[sflag:s14] =	ssyncset.done $0x0  }
0x124: {  	[sflag:s14] =	ssyncadd.s32 $0xFFFFFF80  }
0x125: {  	v3 =	vld [tilespmem:$0x0];
	_ =	sdelay $0x4  }
0x126: {  	v4 =	vshll.u32 v3, $0x3  }
0x127: {  	v3 =	vand.u32 $0x7, v3;
	v4 =	vand.u32 $0xFFFFFFC0, v4  }
0x128: {  	v3 =	vor.u32 v3, v4  }
0x129: {  	v4 =	vperm.xlane v3, v0;
	_ =	sdelay $0x1  }
0x12a: {  	v4 =	vadd.s32 v1, v4;
	_ =	sdelay $0x4  }
0x12b: {  	[tilespmem:s16], [sflag:$0x1] =	stream.indirect_vreg.gather [hbm4b:s3+s28], $0x80, v4, vm0, $0xb8;
	[tilespmem:$0x10100] =	vst v63  }
0x12c: {  	s4 =	simm.s32 $0x900;
	v3 =	vperm.xlane v3, v2  }
0x12d: {  	[tilespmem:s4], [sflag:$0x1] =	stream.indirect_vreg.gather [hbm4b:s6+s28], $0x80, v4, vm0, $0xb8;
	[tilespmem:$0x10100] =	vst v63  }
0x12e: {  	s2 =	simm.s32 $0x1100;
	v3 =	vadd.s32 v1, v3  }
0x12f: {  	[tilespmem:s2], [sflag:$0x1] =	stream.indirect_vreg.gather [hbm4b:s7+s28], $0x80, v4, vm0, $0xb8;
	[tilespmem:$0x10100] =	vst v63  }
0x130: {  	s4 =	simm.s32 $0x1900  }
0x131: {  	[tilespmem:s4], [sflag:$0x1] =	stream.indirect_vreg.gather [hbm4b:s8+s28], $0x80, v4, vm0, $0xb8;
	[tilespmem:$0x10100] =	vst v63  }
0x132: {  	s2 =	simm.s32 $0x2100  }
0x133: {  	[tilespmem:s2], [sflag:$0x1] =	stream.indirect_vreg.gather [hbm4b:s3+s28], $0x80, v3, vm0, $0xb8;
	[tilespmem:$0x10100] =	vst v63  }
0x134: {  	s4 =	simm.s32 $0x2900  }
0x135: {  	[tilespmem:s4], [sflag:$0x1] =	stream.indirect_vreg.gather [hbm4b:s6+s28], $0x80, v3, vm0, $0xb8;
	[tilespmem:$0x10100] =	vst v63  }
0x136: {  	s2 =	simm.s32 $0x3100  }
0x137: {  	[tilespmem:s2], [sflag:$0x1] =	stream.indirect_vreg.gather [hbm4b:s7+s28], $0x80, v3, vm0, $0xb8;
	[tilespmem:$0x10100] =	vst v63  }
0x138: {  	s4 =	simm.s32 $0x3900  }
0x139: {  	[tilespmem:s4], [sflag:$0x1] =	stream.indirect_vreg.gather [hbm4b:s8+s28], $0x80, v3, vm0, $0xb8;
	[tilespmem:$0x10100] =	vst v63  }
0x13a: {  	v3 =	vld [tilespmem:$0x10];
	_ =	sdelay $0x4  }
0x13b: {  	v61 =	vshll.u32 v3, $0x3  }
0x13c: {  	v3 =	vand.u32 $0x7, v3;
	v4 =	vand.u32 $0xFFFFFFC0, v61  }
0x13d: {  	v3 =	vor.u32 v3, v4  }
0x13e: {  	v4 =	vperm.xlane v3, v0;
	_ =	sdelay $0x1  }
0x13f: {  	v4 =	vadd.s32 v1, v4;
	_ =	sdelay $0x3  }
0x140: {  	s2 =	simm.s32 $0x4100  }
0x141: {  	[tilespmem:s2], [sflag:$0x1] =	stream.indirect_vreg.gather [hbm4b:s3+s28], $0x80, v4, vm0, $0xb8;
	[tilespmem:$0x10100] =	vst v63  }
0x142: {  	s4 =	simm.s32 $0x4900;
	v3 =	vperm.xlane v3, v2  }
0x143: {  	[tilespmem:s4], [sflag:$0x1] =	stream.indirect_vreg.gather [hbm4b:s6+s28], $0x80, v4, vm0, $0xb8;
	[tilespmem:$0x10100] =	vst v63  }
0x144: {  	v3 =	vadd.s32 v1, v3;
	s2 =	simm.s32 $0x5100  }
0x145: {  	[tilespmem:s2], [sflag:$0x1] =	stream.indirect_vreg.gather [hbm4b:s7+s28], $0x80, v4, vm0, $0xb8;
	[tilespmem:$0x10100] =	vst v63  }
0x146: {  	s4 =	simm.s32 $0x5900  }
0x147: {  	[tilespmem:s4], [sflag:$0x1] =	stream.indirect_vreg.gather [hbm4b:s8+s28], $0x80, v4, vm0, $0xb8;
	[tilespmem:$0x10100] =	vst v63  }
0x148: {  	s2 =	simm.s32 $0x6100  }
0x149: {  	[tilespmem:s2], [sflag:$0x1] =	stream.indirect_vreg.gather [hbm4b:s3+s28], $0x80, v3, vm0, $0xb8;
	[tilespmem:$0x10100] =	vst v63  }
0x14a: {  	s4 =	simm.s32 $0x6900  }
0x14b: {  	[tilespmem:s4], [sflag:$0x1] =	stream.indirect_vreg.gather [hbm4b:s6+s28], $0x80, v3, vm0, $0xb8;
	[tilespmem:$0x10100] =	vst v63  }
0x14c: {  	s2 =	simm.s32 $0x7100  }
0x14d: {  	[tilespmem:s2], [sflag:$0x1] =	stream.indirect_vreg.gather [hbm4b:s7+s28], $0x80, v3, vm0, $0xb8;
	[tilespmem:$0x10100] =	vst v63  }
0x14e: {  	s4 =	simm.s32 $0x7900  }
0x14f: {  	[tilespmem:s4], [sflag:$0x1] =	stream.indirect_vreg.gather [hbm4b:s8+s28], $0x80, v3, vm0, $0xb8;
	[tilespmem:$0x10100] =	vst v63  }
0x150: {  	v3 =	vld [tilespmem:$0x80];
	_ =	sdelay $0x4  }
0x151: {  	v62 =	vshll.u32 v3, $0x3  }
0x152: {  	v3 =	vand.u32 $0x7, v3;
	v4 =	vand.u32 $0xFFFFFFC0, v62  }
0x153: {  	v3 =	vor.u32 v3, v4  }
0x154: {  	v4 =	vperm.xlane v3, v0;
	_ =	sdelay $0x1  }
0x155: {  	v4 =	vadd.s32 v1, v4;
	_ =	sdelay $0x3  }
0x156: {  	s2 =	simm.s32 $0x8100  }
0x157: {  	[tilespmem:s2], [sflag:$0x2] =	stream.indirect_vreg.gather [hbm4b:s3+s28], $0x80, v4, vm0, $0xb8;
	[tilespmem:$0x10100] =	vst v63  }
0x158: {  	s4 =	simm.s32 $0x8900;
	v3 =	vperm.xlane v3, v2  }
0x159: {  	[tilespmem:s4], [sflag:$0x2] =	stream.indirect_vreg.gather [hbm4b:s6+s28], $0x80, v4, vm0, $0xb8;
	[tilespmem:$0x10100] =	vst v63  }
0x15a: {  	v3 =	vadd.s32 v1, v3  }
0x15b: {  	[tilespmem:s5], [sflag:$0x2] =	stream.indirect_vreg.gather [hbm4b:s7+s28], $0x80, v4, vm0, $0xb8;
	[tilespmem:$0x10100] =	vst v63  }
0x15c: {  	_ = 	snop  }
0x15d: {  	[tilespmem:s15], [sflag:$0x2] =	stream.indirect_vreg.gather [hbm4b:s8+s28], $0x80, v4, vm0, $0xb8;
	[tilespmem:$0x10100] =	vst v63  }
0x15e: {  	_ = 	snop  }
0x15f: {  	[tilespmem:s17], [sflag:$0x2] =	stream.indirect_vreg.gather [hbm4b:s3+s28], $0x80, v3, vm0, $0xb8;
	[tilespmem:$0x10100] =	vst v63  }
0x160: {  	_ = 	snop  }
0x161: {  	[tilespmem:s18], [sflag:$0x2] =	stream.indirect_vreg.gather [hbm4b:s6+s28], $0x80, v3, vm0, $0xb8;
	[tilespmem:$0x10100] =	vst v63  }
0x162: {  	_ = 	snop  }
0x163: {  	[tilespmem:s19], [sflag:$0x2] =	stream.indirect_vreg.gather [hbm4b:s7+s28], $0x80, v3, vm0, $0xb8;
	[tilespmem:$0x10100] =	vst v63  }
0x164: {  	_ = 	snop  }
0x165: {  	[tilespmem:s9], [sflag:$0x2] =	stream.indirect_vreg.gather [hbm4b:s8+s28], $0x80, v3, vm0, $0xb8;
	[tilespmem:$0x10100] =	vst v63  }
0x166: {  	v3 =	vld [tilespmem:$0x90];
	_ =	sdelay $0x4  }
0x167: {  	v63 =	vshll.u32 v3, $0x3  }
0x168: {  	v3 =	vand.u32 $0x7, v3;
	v4 =	vand.u32 $0xFFFFFFC0, v63  }
0x169: {  	v3 =	vor.u32 v3, v4  }
0x16a: {  	v4 =	vperm.xlane v3, v0;
	_ =	sdelay $0x1  }
0x16b: {  	v4 =	vadd.s32 v1, v4;
	_ =	sdelay $0x4  }
0x16c: {  	[tilespmem:s20], [sflag:$0x2] =	stream.indirect_vreg.gather [hbm4b:s3+s28], $0x80, v4, vm0, $0xb8;
	[tilespmem:$0x10100] =	vst v63  }
0x16d: {  	v3 =	vperm.xlane v3, v2  }
0x16e: {  	[tilespmem:s21], [sflag:$0x2] =	stream.indirect_vreg.gather [hbm4b:s6+s28], $0x80, v4, vm0, $0xb8;
	[tilespmem:$0x10100] =	vst v63  }
0x16f: {  	v3 =	vadd.s32 v1, v3  }
0x170: {  	[tilespmem:s10], [sflag:$0x2] =	stream.indirect_vreg.gather [hbm4b:s7+s28], $0x80, v4, vm0, $0xb8;
	[tilespmem:$0x10100] =	vst v63  }
0x171: {  	_ = 	snop  }
0x172: {  	[tilespmem:s22], [sflag:$0x2] =	stream.indirect_vreg.gather [hbm4b:s8+s28], $0x80, v4, vm0, $0xb8;
	[tilespmem:$0x10100] =	vst v63  }
0x173: {  	_ = 	snop  }
0x174: {  	[tilespmem:s11], [sflag:$0x2] =	stream.indirect_vreg.gather [hbm4b:s3+s28], $0x80, v3, vm0, $0xb8;
	[tilespmem:$0x10100] =	vst v63  }
0x175: {  	_ = 	snop  }
0x176: {  	[tilespmem:s23], [sflag:$0x2] =	stream.indirect_vreg.gather [hbm4b:s6+s28], $0x80, v3, vm0, $0xb8;
	[tilespmem:$0x10100] =	vst v63  }
0x177: {  	_ = 	snop  }
0x178: {  	[tilespmem:s24], [sflag:$0x2] =	stream.indirect_vreg.gather [hbm4b:s7+s28], $0x80, v3, vm0, $0xb8;
	[tilespmem:$0x10100] =	vst v63  }
0x179: {  	_ = 	snop  }
0x17a: {  	[tilespmem:s12], [sflag:$0x2] =	stream.indirect_vreg.gather [hbm4b:s8+s28], $0x80, v3, vm0, $0xb8;
	[tilespmem:$0x10100] =	vst v63  }
0x17b: {  	_ =	swait.ge [sflag:s25], $0x8000  }
0x17c: {  	[sflag:s25] =	ssyncset.done $0x0  }
0x17d: {  	[sflag:s25] =	ssyncadd.s32 $0xFFFF8000  }
0x17e: {  	_ =	swait.ge [sflag:s13], $0x8000  }
0x17f: {  	s29 =	simm.s32 $0xFFFF8000;
	[sflag:s13] =	ssyncset.done $0x0  }
0x180: {  	s30 =	simm.s32 $0x0;
	s31 =	simm.s32 $0x0;
	[sflag:s13] =	ssyncadd.s32 $0xFFFF8000  }
.LBB2_4:
0x181: {  	s0 =	sadd.s32 $0x8000, s29  }
0x182: {  	s2 =	sand.u32 $0x380, s31;
	s0 =	sand.u32 $0x6000, s0  }
0x183: {  	s0 =	sor.u32 s2, s0  }
0x184: {  	v3 =	vld [tilespmem:s0+$0x100]  }
0x185: {  	v4 =	vld [tilespmem:s0+$0x8100]  }
0x186: {  	v5 =	vld [tilespmem:s0+$0x110]  }
0x187: {  	v6 =	vld [tilespmem:s0+$0x8110]  }
0x188: {  	v7 =	vld [tilespmem:s0+$0x120]  }
0x189: {  	v8 =	vld [tilespmem:s0+$0x8120]  }
0x18a: {  	v9 =	vld [tilespmem:s0+$0x130]  }
0x18b: {  	v10 =	vld [tilespmem:s0+$0x8130]  }
0x18c: {  	v11 =	vld [tilespmem:s0+$0x140]  }
0x18d: {  	v12 =	vld [tilespmem:s0+$0x8140]  }
0x18e: {  	v13 =	vld [tilespmem:s0+$0x150]  }
0x18f: {  	v14 =	vld [tilespmem:s0+$0x8150]  }
0x190: {  	v15 =	vld [tilespmem:s0+$0x160]  }
0x191: {  	v16 =	vld [tilespmem:s0+$0x8160]  }
0x192: {  	v17 =	vld [tilespmem:s0+$0x170]  }
0x193: {  	v18 =	vld [tilespmem:s0+$0x8170]  }
0x194: {  	v19 =	vld [tilespmem:s0+$0x500]  }
0x195: {  	v20 =	vld [tilespmem:s0+$0x8500]  }
0x196: {  	v21 =	vld [tilespmem:s0+$0x510]  }
0x197: {  	v22 =	vld [tilespmem:s0+$0x8510]  }
0x198: {  	v23 =	vld [tilespmem:s0+$0x520]  }
0x199: {  	v24 =	vld [tilespmem:s0+$0x8520]  }
0x19a: {  	v25 =	vld [tilespmem:s0+$0x530]  }
0x19b: {  	v26 =	vld [tilespmem:s0+$0x8530]  }
0x19c: {  	v27 =	vld [tilespmem:s0+$0x540]  }
0x19d: {  	v28 =	vld [tilespmem:s0+$0x8540]  }
0x19e: {  	v29 =	vld [tilespmem:s0+$0x550]  }
0x19f: {  	v30 =	vld [tilespmem:s0+$0x8550]  }
0x1a0: {  	v31 =	vld [tilespmem:s0+$0x560]  }
0x1a1: {  	v32 =	vld [tilespmem:s0+$0x8560]  }
0x1a2: {  	v33 =	vld [tilespmem:s0+$0x570]  }
0x1a3: {  	v34 =	vld [tilespmem:s0+$0x8570]  }
0x1a4: {  	v35 =	vld [tilespmem:s0+$0x900]  }
0x1a5: {  	v36 =	vld [tilespmem:s0+$0x8900]  }
0x1a6: {  	v37 =	vld [tilespmem:s0+$0x910]  }
0x1a7: {  	v38 =	vld [tilespmem:s0+$0x8910]  }
0x1a8: {  	v39 =	vld [tilespmem:s0+$0x920]  }
0x1a9: {  	v40 =	vld [tilespmem:s0+$0x8920]  }
0x1aa: {  	v41 =	vld [tilespmem:s0+$0x930]  }
0x1ab: {  	v42 =	vld [tilespmem:s0+$0x8930]  }
0x1ac: {  	v43 =	vld [tilespmem:s0+$0x940]  }
0x1ad: {  	v44 =	vld [tilespmem:s0+$0x8940]  }
0x1ae: {  	v45 =	vld [tilespmem:s0+$0x950]  }
0x1af: {  	v46 =	vld [tilespmem:s0+$0x8950]  }
0x1b0: {  	v47 =	vld [tilespmem:s0+$0x960]  }
0x1b1: {  	v48 =	vld [tilespmem:s0+$0x8960]  }
0x1b2: {  	v49 =	vld [tilespmem:s0+$0x970]  }
0x1b3: {  	v50 =	vld [tilespmem:s0+$0x8970]  }
0x1b4: {  	v51 =	vld [tilespmem:s0+$0xD00]  }
0x1b5: {  	v52 =	vld [tilespmem:s0+$0x8D00]  }
0x1b6: {  	v53 =	vld [tilespmem:s0+$0xD10]  }
0x1b7: {  	v54 =	vld [tilespmem:s0+$0x8D10]  }
0x1b8: {  	v55 =	vld [tilespmem:s0+$0xD20]  }
0x1b9: {  	v56 =	vld [tilespmem:s0+$0x8D20]  }
0x1ba: {  	v57 =	vld [tilespmem:s0+$0xD30]  }
0x1bb: {  	v58 =	vld [tilespmem:s0+$0x8D30]  }
0x1bc: {  	v59 =	vld [tilespmem:s0+$0xD40]  }
0x1bd: {  	v60 =	vld [tilespmem:s0+$0x8D40]  }
0x1be: {  	v61 =	vld [tilespmem:s0+$0xD50]  }
0x1bf: {  	v62 =	vld [tilespmem:s0+$0x8D50]  }
0x1c0: {  	v63 =	vld [tilespmem:s0+$0xD60]  }
0x1c1: {  	v3 =	vadd.f32 v4, v3;
	v4 =	vld [tilespmem:s0+$0x8D60]  }
0x1c2: {  	v5 =	vadd.f32 v6, v5;
	v6 =	vld [tilespmem:s0+$0xD70]  }
0x1c3: {  	v14 =	vadd.f32 v14, v13;
	v13 =	vld [tilespmem:s0+$0x9120];
	[tilespmem:s0+$0x100] =	vst v3;
	v3 =	vadd.f32 v8, v7  }
0x1c4: {  	v18 =	vadd.f32 v18, v17;
	v17 =	vld [tilespmem:s0+$0x9140];
	[tilespmem:s0+$0x110] =	vst v5  }
0x1c5: {  	v22 =	vadd.f32 v22, v21;
	v21 =	vld [tilespmem:s0+$0x9160];
	[tilespmem:s0+$0x120] =	vst v3;
	v3 =	vadd.f32 v12, v11  }
0x1c6: {  	v7 =	vld [tilespmem:s0+$0x8D70];
	[tilespmem:s0+$0x150] =	vst v14  }
0x1c7: {  	v8 =	vld [tilespmem:s0+$0x1100];
	[tilespmem:s0+$0x140] =	vst v3;
	v3 =	vadd.f32 v16, v15  }
0x1c8: {  	v5 =	vadd.f32 v10, v9;
	v9 =	vld [tilespmem:s0+$0x9100];
	[tilespmem:s0+$0x170] =	vst v18  }
0x1c9: {  	v10 =	vld [tilespmem:s0+$0x1110];
	[tilespmem:s0+$0x160] =	vst v3;
	v3 =	vadd.f32 v20, v19  }
0x1ca: {  	v26 =	vadd.f32 v26, v25;
	v14 =	vld [tilespmem:s0+$0x1130];
	[tilespmem:s0+$0x510] =	vst v22  }
0x1cb: {  	v18 =	vld [tilespmem:s0+$0x1150];
	[tilespmem:s0+$0x500] =	vst v3;
	v3 =	vadd.f32 v24, v23  }
0x1cc: {  	v30 =	vadd.f32 v30, v29;
	[tilespmem:s0+$0x530] =	vst v26;
	v22 =	vld [tilespmem:s0+$0x1170]  }
0x1cd: {  	v19 =	vld [tilespmem:s0+$0x9150];
	[tilespmem:s0+$0x520] =	vst v3;
	v3 =	vadd.f32 v28, v27  }
0x1ce: {  	v34 =	vadd.f32 v34, v33;
	[tilespmem:s0+$0x550] =	vst v30;
	v11 =	vld [tilespmem:s0+$0x9110]  }
0x1cf: {  	v12 =	vld [tilespmem:s0+$0x1120];
	[tilespmem:s0+$0x540] =	vst v3;
	v3 =	vadd.f32 v32, v31  }
0x1d0: {  	[tilespmem:s0+$0x570] =	vst v34;
	v15 =	vld [tilespmem:s0+$0x9130]  }
0x1d1: {  	v16 =	vld [tilespmem:s0+$0x1140];
	[tilespmem:s0+$0x560] =	vst v3;
	v3 =	vadd.f32 v36, v35  }
0x1d2: {  	[tilespmem:s0+$0x130] =	vst v5;
	v20 =	vld [tilespmem:s0+$0x1160];
	v19 =	vadd.f32 v19, v18  }
0x1d3: {  	v24 =	vld [tilespmem:s0+$0x1500];
	[tilespmem:s0+$0x900] =	vst v3;
	v3 =	vadd.f32 v40, v39  }
0x1d4: {  	[tilespmem:s0+$0x1150] =	vst v19;
	v36 =	vadd.f32 v38, v37;
	v37 =	vld [tilespmem:s0+$0x9170]  }
0x1d5: {  	v38 =	vadd.f32 v42, v41;
	v41 =	vld [tilespmem:s0+$0x1510];
	[tilespmem:s0+$0x920] =	vst v3;
	v3 =	vadd.f32 v44, v43  }
0x1d6: {  	v42 =	vld [tilespmem:s0+$0x9510];
	[tilespmem:s0+$0x910] =	vst v36  }
0x1d7: {  	v35 =	vld [tilespmem:s0+$0x1910];
	[tilespmem:s0+$0x940] =	vst v3;
	v3 =	vadd.f32 v48, v47  }
0x1d8: {  	v39 =	vld [tilespmem:s0+$0x9500];
	[tilespmem:s0+$0x930] =	vst v38;
	v40 =	vadd.f32 v46, v45  }
0x1d9: {  	v45 =	vld [tilespmem:s0+$0x9520];
	[tilespmem:s0+$0x960] =	vst v3;
	v3 =	vadd.f32 v52, v51  }
0x1da: {  	v46 =	vadd.f32 v54, v53;
	v53 =	vld [tilespmem:s0+$0x1550];
	[tilespmem:s0+$0x950] =	vst v40  }
0x1db: {  	v54 =	vld [tilespmem:s0+$0x9550];
	[tilespmem:s0+$0xD00] =	vst v3;
	v3 =	vadd.f32 v56, v55  }
0x1dc: {  	v36 =	vld [tilespmem:s0+$0x9910];
	v43 =	vadd.f32 v50, v49;
	[tilespmem:s0+$0xD10] =	vst v46  }
0x1dd: {  	v38 =	vld [tilespmem:s0+$0x1920];
	[tilespmem:s0+$0xD20] =	vst v3;
	v3 =	vadd.f32 v60, v59  }
0x1de: {  	v44 =	vld [tilespmem:s0+$0x1520];
	v49 =	vadd.f32 v58, v57;
	[tilespmem:s0+$0x970] =	vst v43  }
0x1df: {  	v50 =	vld [tilespmem:s0+$0x1540];
	[tilespmem:s0+$0xD40] =	vst v3;
	v3 =	vadd.f32 v4, v63  }
0x1e0: {  	v57 =	vld [tilespmem:s0+$0x9560];
	v58 =	vadd.f32 v11, v10;
	[tilespmem:s0+$0xD30] =	vst v49  }
0x1e1: {  	v46 =	vld [tilespmem:s0+$0x9950];
	[tilespmem:s0+$0xD60] =	vst v3;
	v3 =	vadd.f32 v9, v8  }
0x1e2: {  	v37 =	vadd.f32 v37, v22;
	v40 =	vadd.f32 v42, v41;
	v41 =	vld [tilespmem:s0+$0x1930];
	[tilespmem:s0+$0x1110] =	vst v58  }
0x1e3: {  	v42 =	vld [tilespmem:s0+$0x9930];
	[tilespmem:s0+$0x1100] =	vst v3;
	v3 =	vadd.f32 v13, v12  }
0x1e4: {  	v47 =	vld [tilespmem:s0+$0x1530];
	[tilespmem:s0+$0x1170] =	vst v37  }
0x1e5: {  	v48 =	vld [tilespmem:s0+$0x9530];
	[tilespmem:s0+$0x1120] =	vst v3;
	v3 =	vadd.f32 v17, v16  }
0x1e6: {  	v49 =	vld [tilespmem:s0+$0x9960];
	[tilespmem:s0+$0x1510] =	vst v40;
	v52 =	vadd.f32 v62, v61  }
0x1e7: {  	v51 =	vld [tilespmem:s0+$0x9540];
	[tilespmem:s0+$0x1140] =	vst v3;
	v3 =	vadd.f32 v21, v20  }
0x1e8: {  	v61 =	vadd.f32 v15, v14;
	v62 =	vld [tilespmem:s0+$0x1900];
	[tilespmem:s0+$0xD50] =	vst v52  }
0x1e9: {  	v56 =	vld [tilespmem:s0+$0x1560];
	[tilespmem:s0+$0x1160] =	vst v3;
	v3 =	vadd.f32 v39, v24  }
0x1ea: {  	v55 =	vadd.f32 v7, v6;
	[tilespmem:s0+$0x1130] =	vst v61;
	v52 =	vld [tilespmem:s0+$0x9970]  }
0x1eb: {  	v43 =	vadd.f32 v48, v47;
	v47 =	vld [tilespmem:s0+$0x1960];
	[tilespmem:s0+$0x1500] =	vst v3;
	v3 =	vadd.f32 v45, v44  }
0x1ec: {  	[tilespmem:s0+$0xD70] =	vst v55;
	v63 =	vld [tilespmem:s0+$0x9900]  }
0x1ed: {  	v59 =	vld [tilespmem:s0+$0x1570];
	[tilespmem:s0+$0x1520] =	vst v3;
	v3 =	vadd.f32 v51, v50  }
0x1ee: {  	[tilespmem:s0+$0x1530] =	vst v43;
	v4 =	vadd.f32 v54, v53;
	v39 =	vld [tilespmem:s0+$0x9920]  }
0x1ef: {  	v60 =	vld [tilespmem:s0+$0x9570];
	[tilespmem:s0+$0x1540] =	vst v3;
	v3 =	vadd.f32 v57, v56  }
0x1f0: {  	v54 =	vadd.f32 v42, v41;
	[tilespmem:s0+$0x1550] =	vst v4;
	v45 =	vld [tilespmem:s0+$0x1950]  }
0x1f1: {  	v53 =	vld [tilespmem:s0+$0x9940];
	[tilespmem:s0+$0x1560] =	vst v3;
	v3 =	vadd.f32 v63, v62  }
0x1f2: {  	[tilespmem:s0+$0x1930] =	vst v54;
	v55 =	vadd.f32 v49, v47;
	v50 =	vld [tilespmem:s0+$0x1970]  }
0x1f3: {  	v44 =	vld [tilespmem:s0+$0x1940];
	[tilespmem:s0+$0x1900] =	vst v3;
	v3 =	vadd.f32 v39, v38  }
0x1f4: {  	v48 =	vadd.f32 v60, v59;
	[tilespmem:s0+$0x1960] =	vst v55  }
0x1f5: {  	[tilespmem:s0+$0x1920] =	vst v3;
	v3 =	vadd.f32 v46, v45  }
0x1f6: {  	s4 =	sand.u32 $0x7, s28;
	[tilespmem:s0+$0x1570] =	vst v48;
	v51 =	vadd.f32 v36, v35  }
0x1f7: {  	s2 =	sshll.u32 s4, $0x7;
	[tilespmem:s0+$0x1950] =	vst v3;
	v3 =	vadd.f32 v52, v50  }
0x1f8: {  	s2 =	sadd.s32 s2, s30;
	[tilespmem:s0+$0x1910] =	vst v51;
	v56 =	vadd.f32 v53, v44  }
0x1f9: {  	s4 =	sor.u32 $0x1C00, s2;
	[tilespmem:s0+$0x1970] =	vst v3  }
0x1fa: {  	[tilespmem:s0+$0x1940] =	vst v56;
	v3 =	vld [tilespmem:s4+$0x100]  }
0x1fb: {  	v4 =	vld [tilespmem:s4+$0x8100];
	_ =	sdelay $0x4  }
0x1fc: {  	v3 =	vadd.f32 v4, v3;
	_ =	sdelay $0x1  }
0x1fd: {  	[tilespmem:s4+$0x100] =	vst v3;
	s4 =	sor.u32 $0x1C10, s2  }
0x1fe: {  	v3 =	vld [tilespmem:s4+$0x100]  }
0x1ff: {  	v57 =	vld [tilespmem:s4+$0x8100];
	_ =	sdelay $0x4  }
0x200: {  	v3 =	vadd.f32 v57, v3;
	_ =	sdelay $0x1  }
0x201: {  	[tilespmem:s4+$0x100] =	vst v3;
	s4 =	sor.u32 $0x1C20, s2  }
0x202: {  	v3 =	vld [tilespmem:s4+$0x100]  }
0x203: {  	v58 =	vld [tilespmem:s4+$0x8100];
	_ =	sdelay $0x4  }
0x204: {  	v3 =	vadd.f32 v58, v3;
	_ =	sdelay $0x1  }
0x205: {  	[tilespmem:s4+$0x100] =	vst v3;
	s4 =	sor.u32 $0x1C30, s2  }
0x206: {  	v3 =	vld [tilespmem:s4+$0x100]  }
0x207: {  	v59 =	vld [tilespmem:s4+$0x8100];
	_ =	sdelay $0x4  }
0x208: {  	v3 =	vadd.f32 v59, v3;
	_ =	sdelay $0x1  }
0x209: {  	[tilespmem:s4+$0x100] =	vst v3;
	s4 =	sor.u32 $0x1C40, s2  }
0x20a: {  	v3 =	vld [tilespmem:s4+$0x100]  }
0x20b: {  	v60 =	vld [tilespmem:s4+$0x8100];
	_ =	sdelay $0x4  }
0x20c: {  	v3 =	vadd.f32 v60, v3;
	_ =	sdelay $0x1  }
0x20d: {  	[tilespmem:s4+$0x100] =	vst v3;
	s4 =	sor.u32 $0x1C50, s2  }
0x20e: {  	v3 =	vld [tilespmem:s4+$0x100]  }
0x20f: {  	v61 =	vld [tilespmem:s4+$0x8100];
	_ =	sdelay $0x4  }
0x210: {  	v3 =	vadd.f32 v61, v3;
	_ =	sdelay $0x1  }
0x211: {  	[tilespmem:s4+$0x100] =	vst v3;
	s4 =	sor.u32 $0x1C60, s2  }
0x212: {  	v3 =	vld [tilespmem:s4+$0x100]  }
0x213: {  	v62 =	vld [tilespmem:s4+$0x8100];
	_ =	sdelay $0x4  }
0x214: {  	v3 =	vadd.f32 v62, v3;
	_ =	sdelay $0x1  }
0x215: {  	[tilespmem:s4+$0x100] =	vst v3;
	s4 =	sor.u32 $0x1C70, s2  }
0x216: {  	v3 =	vld [tilespmem:s4+$0x100]  }
0x217: {  	v63 =	vld [tilespmem:s4+$0x8100];
	_ =	sdelay $0x1  }
0x218: {  	p0 =	sne.s32 s31, $0xF80  }
.Ltmp1:
0x219: {  	_ = 	snop;
	(pc) =	sbr.rel @p0 .LBB2_4-.Ltmp1, $4  }
0x21a: {  	_ = 	snop  }
0x21b: {  	v3 =	vadd.f32 v63, v3  }
0x21c: {  	s28 =	sadd.s32 $0x1, s28  }
0x21d: {  	s29 =	sadd.s32 $0x400, s29;
	s31 =	sadd.s32 $0x80, s31;
	s30 =	sadd.s32 $0x400, s30;
	[tilespmem:s4+$0x100] =	vst v3  }
0x21e: {  	s0 =	rddreg [dreg:$0x8]  }
0x21f: {  	[hbm4b:s0+s1] =	stream.linear.scatter [tilespmem:s16], [sflag:$0x3], $0x8000, $0x38;
	[tilespmem:$0x10100] =	vst v63  }
0x220: {  	_ =	swait.ge [sflag:s14], $0x8000  }
0x221: {  	s26 =	sadd.s32 $0x1, s26;
	s31 =	rddreg [dreg:$0x9]  }
0x222: {  	p0 =	sne.s32 s26, s31  }
.Ltmp2:
0x223: {  	_ = 	snop;
	(pc) =	sbr.rel @p0 .LBB2_1-.Ltmp2, $3  }
0x224: {  	_ =	sdelay $0x1  }
0x225: {  	[sflag:s14] =	ssyncset.done $0x0  }
0x226: {  	[sflag:s14] =	ssyncadd.s32 $0xFFFF8000  }
0x227: {  	_ =	sfence.sel $0x180000  }
0x228: {  	[bflag:$0x0] =	sbarrier.arrive $0xFFFF  }
0x229: {  	_ =	strace $0x9000004A  }
0x22a: {  	s0 =	stileid.u32;
	[bflag:$0x2] =	sbarrier.arrive $0xFFFF  }
0x22b: {  	p0 =	sne.s32 s0, $0x0;
	s0 =	rddreg [dreg:$0x2]  }
0x22c: {  	s0 =	sadd.s32 @!p0 $0x100000, s0  }
0x22d: {  	[sflag:s0] =	ssyncadd.tile.s32 @!p0 $0x1;
	_ =	shalt  }
.Lfunc_end2:
_tile_overlayer_lowered:
.L_overlay_start_2:
0x22e: {  	(tag) =	ssettag $0x2  }
0x22f: {  	s0 =	rddreg [dreg:$0x0];
	s2 =	stileid.u32  }
0x230: {  	s1 =	rddreg [dreg:$0x1];
	p0 =	sne.s32 s2, $0x0  }
0x231: {  	s3 =	rddreg [dreg:$0x2];
	[bflag:$0x3] =	sbarrier.arrive $0xFFFF;
	s2 =	simm.s32 @!p0 $0x1C03  }
0x232: {  	[timem:s3], [sflag:s2] =	dma.local @!p0 [hbm:s0], s1  }
0x233: {  	s0 =	simm.s32 @!p0 $0x3  }
0x234: {  	_ =	swait.ge @!p0 [sflag:s0], s1  }
0x235: {  	s1 =	ssub.s32 @!p0 $0x0, s1;
	[sflag:s0] =	ssyncset.done @!p0 $0x0  }
0x236: {  	[sflag:s0] =	ssyncadd.s32 @!p0 s1  }
0x237: {  	[bflag:$0x3] =	sbarrier.arrive $0xFFFF  }
0x238: {  	_ =	shalt  }

</sc_bundles>
